<compile_context>
chip_gen: v7x
topology: tpu7x:2x2x1
jax: 0.10.2.dev20260603
libtpu: 0.0.44.dev20260713+nightly
codegen_flags: <defaults>
</compile_context>

<pallas_src>
import functools

import numpy as np
import jax
import jax.numpy as jnp
from jax import lax
from jax.experimental import pallas as pl
from jax.experimental.pallas import tpu as pltpu
from jax.experimental.pallas import tpu_sc as plsc

N = 10000
E = 160000
D = 32
DD = D * D

NC = 2
NS = 16
NW = NC * NS
EPW = E // NW
CH = 40
NCH = EPW // CH
GRP = 5
NGRP = NCH // GRP
OWN = 624
REM_OFF = NS * OWN
REM = N - REM_OFF

_R_np = np.repeat(np.eye(D, dtype=np.float32), D, axis=1)
_S_np = np.tile(np.eye(D, dtype=np.float32), (D, 1))

BE = 2000
BN = 2000


def _msg_body(ea_ref, xs_ref, a_ref, bnn_ref, r_ref, s_ref, out_ref):
    w = jnp.maximum(
        jnp.dot(ea_ref[...], a_ref[...], preferred_element_type=jnp.float32)
        + bnn_ref[...], 0.0)
    xsrep = jnp.dot(xs_ref[...], r_ref[...], preferred_element_type=jnp.float32)
    out_ref[...] = jnp.dot(w * xsrep, s_ref[...],
                           preferred_element_type=jnp.float32)


def _tc_messages(ea, xs, a, bnn2d, r_c, s_c):
    return pl.pallas_call(
        _msg_body,
        grid=(E // BE,),
        in_specs=[
            pl.BlockSpec((BE, D), lambda i: (i, 0)),
            pl.BlockSpec((BE, D), lambda i: (i, 0)),
            pl.BlockSpec((D, DD), lambda i: (0, 0)),
            pl.BlockSpec((1, DD), lambda i: (0, 0)),
            pl.BlockSpec((D, DD), lambda i: (0, 0)),
            pl.BlockSpec((DD, D), lambda i: (0, 0)),
        ],
        out_specs=pl.BlockSpec((BE, D), lambda i: (i, 0)),
        out_shape=jax.ShapeDtypeStruct((E, D), jnp.float32),
    )(ea, xs, a, bnn2d, r_c, s_c)


def _finish1_body(aggp_ref, cntp_ref, x_ref, root_ref, bias_ref,
                  out_ref, cnt_ref):
    cnt = cntp_ref[0] + cntp_ref[1]
    cnt_ref[...] = cnt
    agg = aggp_ref[0] + aggp_ref[1]
    out_ref[...] = (agg / jnp.maximum(cnt, 1.0)
                    + jnp.dot(x_ref[...], root_ref[...],
                              preferred_element_type=jnp.float32)
                    + bias_ref[...])


def _finish_body(aggp_ref, cnt_ref, x_ref, root_ref, bias_ref, out_ref):
    agg = aggp_ref[0] + aggp_ref[1]
    out_ref[...] = (agg / jnp.maximum(cnt_ref[...], 1.0)
                    + jnp.dot(x_ref[...], root_ref[...],
                              preferred_element_type=jnp.float32)
                    + bias_ref[...])


def _tc_finish1(aggp, cntp, x, root, bias2d):
    return pl.pallas_call(
        _finish1_body,
        grid=(N // BN,),
        in_specs=[
            pl.BlockSpec((NC, BN, D), lambda i: (0, i, 0)),
            pl.BlockSpec((NC, BN, D), lambda i: (0, i, 0)),
            pl.BlockSpec((BN, D), lambda i: (i, 0)),
            pl.BlockSpec((D, D), lambda i: (0, 0)),
            pl.BlockSpec((1, D), lambda i: (0, 0)),
        ],
        out_specs=[
            pl.BlockSpec((BN, D), lambda i: (i, 0)),
            pl.BlockSpec((BN, D), lambda i: (i, 0)),
        ],
        out_shape=[
            jax.ShapeDtypeStruct((N, D), jnp.float32),
            jax.ShapeDtypeStruct((N, D), jnp.float32),
        ],
    )(aggp, cntp, x, root, bias2d)


def _tc_finish(aggp, cntm, x, root, bias2d):
    return pl.pallas_call(
        _finish_body,
        grid=(N // BN,),
        in_specs=[
            pl.BlockSpec((NC, BN, D), lambda i: (0, i, 0)),
            pl.BlockSpec((BN, D), lambda i: (i, 0)),
            pl.BlockSpec((BN, D), lambda i: (i, 0)),
            pl.BlockSpec((D, D), lambda i: (0, 0)),
            pl.BlockSpec((1, D), lambda i: (0, 0)),
        ],
        out_specs=pl.BlockSpec((BN, D), lambda i: (i, 0)),
        out_shape=jax.ShapeDtypeStruct((N, D), jnp.float32),
    )(aggp, cntm, x, root, bias2d)


@functools.lru_cache(maxsize=1)
def _sc_mesh():
    return plsc.VectorSubcoreMesh(core_axis_name="c", subcore_axis_name="s",
                                  num_cores=NC, num_subcores=NS)


def _sc_gather(h, src3):

    @functools.partial(
        pl.kernel,
        out_type=jax.ShapeDtypeStruct((E, D), jnp.float32),
        mesh=_sc_mesh(),
        scratch_types=[
            pltpu.VMEM((NCH, CH), jnp.int32),
            [pltpu.VMEM((CH, D), jnp.float32)] * GRP,
            pltpu.VMEM_SHARED((N, D), jnp.float32),
            [pltpu.SemaphoreType.DMA] * GRP,
            pltpu.SemaphoreType.DMA,
        ],
    )
    def k(h_hbm, src_hbm, out_hbm, idx_v, bufs, h_sh, gsems, wsem):
        cid = lax.axis_index("c")
        sid = lax.axis_index("s")
        wid = sid * NC + cid
        pltpu.sync_copy(h_hbm.at[pl.ds(sid * OWN, OWN)],
                        h_sh.at[pl.ds(sid * OWN, OWN)])

        @pl.when(sid == 0)
        def _():
            pltpu.sync_copy(h_hbm.at[pl.ds(REM_OFF, REM)],
                            h_sh.at[pl.ds(REM_OFF, REM)])

        pltpu.sync_copy(src_hbm.at[wid], idx_v)
        plsc.subcore_barrier()

        def body(g, carry):
            cps = [pltpu.async_copy(h_sh.at[idx_v.at[g * GRP + b]],
                                    bufs[b], gsems[b])
                   for b in range(GRP)]
            for b in range(GRP):
                cps[b].wait()
                pltpu.sync_copy(
                    bufs[b],
                    out_hbm.at[pl.ds(wid * EPW + (g * GRP + b) * CH, CH)])
            return carry

        lax.fori_loop(0, NGRP, body, 0)

    return k(h, src3)


def _sc_scatter_cnt(msg, dst3, zeros_nd, ones_cd):

    @functools.partial(
        pl.kernel,
        out_type=(
            jax.ShapeDtypeStruct((NC, N, D), jnp.float32),
            jax.ShapeDtypeStruct((NC, N, D), jnp.float32),
        ),
        mesh=_sc_mesh(),
        scratch_types=[
            pltpu.VMEM((NCH, CH), jnp.int32),
            pltpu.VMEM((CH, D), jnp.float32),
            pltpu.VMEM((CH, D), jnp.float32),
            pltpu.VMEM_SHARED((N, D), jnp.float32),
            pltpu.VMEM_SHARED((N, D), jnp.float32),
        ],
    )
    def k(msg_hbm, dst_hbm, z_hbm, ones_hbm, agg_out, cnt_out,
          idx_v, rows_v, ones_v, agg_sh, cnt_sh):
        cid = lax.axis_index("c")
        sid = lax.axis_index("s")
        wid = sid * NC + cid
        pltpu.sync_copy(z_hbm.at[pl.ds(sid * OWN, OWN)],
                        agg_sh.at[pl.ds(sid * OWN, OWN)])
        pltpu.sync_copy(z_hbm.at[pl.ds(sid * OWN, OWN)],
                        cnt_sh.at[pl.ds(sid * OWN, OWN)])

        @pl.when(sid == 0)
        def _():
            pltpu.sync_copy(z_hbm.at[pl.ds(REM_OFF, REM)],
                            agg_sh.at[pl.ds(REM_OFF, REM)])
            pltpu.sync_copy(z_hbm.at[pl.ds(REM_OFF, REM)],
                            cnt_sh.at[pl.ds(REM_OFF, REM)])

        pltpu.sync_copy(ones_hbm, ones_v)
        pltpu.sync_copy(dst_hbm.at[wid], idx_v)
        plsc.subcore_barrier()

        def body(j, carry):
            pltpu.sync_copy(msg_hbm.at[pl.ds(wid * EPW + j * CH, CH)], rows_v)
            pltpu.sync_copy(rows_v, agg_sh.at[idx_v.at[j]], add=True)
            pltpu.sync_copy(ones_v, cnt_sh.at[idx_v.at[j]], add=True)
            return carry

        lax.fori_loop(0, NCH, body, 0)
        plsc.subcore_barrier()
        pltpu.sync_copy(agg_sh.at[pl.ds(sid * OWN, OWN)],
                        agg_out.at[cid, pl.ds(sid * OWN, OWN)])
        pltpu.sync_copy(cnt_sh.at[pl.ds(sid * OWN, OWN)],
                        cnt_out.at[cid, pl.ds(sid * OWN, OWN)])

        @pl.when(sid == 0)
        def _():
            pltpu.sync_copy(agg_sh.at[pl.ds(REM_OFF, REM)],
                            agg_out.at[cid, pl.ds(REM_OFF, REM)])
            pltpu.sync_copy(cnt_sh.at[pl.ds(REM_OFF, REM)],
                            cnt_out.at[cid, pl.ds(REM_OFF, REM)])

    return k(msg, dst3, zeros_nd, ones_cd)


def _sc_scatter(msg, dst3, zeros_nd):

    @functools.partial(
        pl.kernel,
        out_type=jax.ShapeDtypeStruct((NC, N, D), jnp.float32),
        mesh=_sc_mesh(),
        scratch_types=[
            pltpu.VMEM((NCH, CH), jnp.int32),
            pltpu.VMEM((CH, D), jnp.float32),
            pltpu.VMEM_SHARED((N, D), jnp.float32),
        ],
    )
    def k(msg_hbm, dst_hbm, z_hbm, agg_out, idx_v, rows_v, agg_sh):
        cid = lax.axis_index("c")
        sid = lax.axis_index("s")
        wid = sid * NC + cid
        pltpu.sync_copy(z_hbm.at[pl.ds(sid * OWN, OWN)],
                        agg_sh.at[pl.ds(sid * OWN, OWN)])

        @pl.when(sid == 0)
        def _():
            pltpu.sync_copy(z_hbm.at[pl.ds(REM_OFF, REM)],
                            agg_sh.at[pl.ds(REM_OFF, REM)])

        pltpu.sync_copy(dst_hbm.at[wid], idx_v)
        plsc.subcore_barrier()

        def body(j, carry):
            pltpu.sync_copy(msg_hbm.at[pl.ds(wid * EPW + j * CH, CH)], rows_v)
            pltpu.sync_copy(rows_v, agg_sh.at[idx_v.at[j]], add=True)
            return carry

        lax.fori_loop(0, NCH, body, 0)
        plsc.subcore_barrier()
        pltpu.sync_copy(agg_sh.at[pl.ds(sid * OWN, OWN)],
                        agg_out.at[cid, pl.ds(sid * OWN, OWN)])

        @pl.when(sid == 0)
        def _():
            pltpu.sync_copy(agg_sh.at[pl.ds(REM_OFF, REM)],
                            agg_out.at[cid, pl.ds(REM_OFF, REM)])

    return k(msg, dst3, zeros_nd)


def kernel(x, edge_index, edge_attr, A1, bnn1, root1, bias1,
           A2, bnn2, root2, bias2, A3, bnn3, root3, bias3):
    src3 = edge_index[0].reshape(NW, NCH, CH)
    dst3 = edge_index[1].reshape(NW, NCH, CH)
    r_c = jnp.asarray(_R_np)
    s_c = jnp.asarray(_S_np)
    zeros_nd = jnp.zeros((N, D), jnp.float32)
    ones_cd = jnp.ones((CH, D), jnp.float32)

    h = x
    cntm = None
    for li, (a, bnn, root, bias) in enumerate((
            (A1, bnn1, root1, bias1),
            (A2, bnn2, root2, bias2),
            (A3, bnn3, root3, bias3))):
        xs = _sc_gather(h, src3)
        msg = _tc_messages(edge_attr, xs, a, bnn.reshape(1, DD), r_c, s_c)
        if li == 0:
            aggp, cntp = _sc_scatter_cnt(msg, dst3, zeros_nd, ones_cd)
            h, cntm = _tc_finish1(aggp, cntp, h, root, bias.reshape(1, D))
        else:
            aggp = _sc_scatter(msg, dst3, zeros_nd)
            h = _tc_finish(aggp, cntm, h, root, bias.reshape(1, D))
    return h

# --- scband reference (transcript-rebuilt; emitter-appended) ---
"""Pipeline reference for scband-dgnbackbone-19181323944559 (READ-ONLY COPY).

The authoritative reference and input builder live on the scoring server;
editing this copy changes nothing except your own understanding.
"""

import jax, jax.numpy as jnp
import numpy as np

N = 10000
E = 160000
D = 32


def _nnconv(x, edge_index, edge_attr, A, bnn, root, bias):
    # NNConv (ECC): per-edge weight matrix from edge MLP (Linear + ReLU)
    w = jax.nn.relu(edge_attr @ A + bnn).reshape(E, D, D)
    src = edge_index[0]
    dst = edge_index[1]
    msg = jnp.einsum('ei,eio->eo', x[src], w)
    agg = jax.ops.segment_sum(msg, dst, num_segments=N)
    cnt = jax.ops.segment_sum(jnp.ones((E,), jnp.float32), dst, num_segments=N)
    mean = agg / jnp.maximum(cnt, 1.0)[:, None]
    return mean + x @ root + bias


def setup_inputs(seed: int = 0):
    key = jax.random.key(seed)
    ks = jax.random.split(key, 16)
    s = 1.0 / np.sqrt(D)
    inp = {}
    inp['x'] = jax.random.normal(ks[0], (N, D), dtype=jnp.float32)
    inp['edge_index'] = jax.random.randint(ks[1], (2, E), 0, N, dtype=jnp.int32)
    inp['edge_attr'] = jax.random.normal(ks[2], (E, D), dtype=jnp.float32)
    for i, k in zip((1, 2, 3), (3, 7, 11)):
        inp['A%d' % i] = jax.random.normal(ks[k], (D, D * D), dtype=jnp.float32) * s
        inp['bnn%d' % i] = jnp.zeros((D * D,), dtype=jnp.float32)
        inp['root%d' % i] = jax.random.normal(ks[k + 1], (D, D), dtype=jnp.float32) * s
        inp['bias%d' % i] = jnp.zeros((D,), dtype=jnp.float32)
    return inp


def reference(x, edge_index, edge_attr, A1, bnn1, root1, bias1, A2, bnn2, root2, bias2, A3, bnn3, root3, bias3):
    h = _nnconv(x, edge_index, edge_attr, A1, bnn1, root1, bias1)
    h = _nnconv(h, edge_index, edge_attr, A2, bnn2, root2, bias2)
    h = _nnconv(h, edge_index, edge_attr, A3, bnn3, root3, bias3)
    return h.reshape(x.shape)

if __name__ == "__main__":
    import jax
    _d = setup_inputs()
    print(jax.jit(kernel)(*tuple(_d.values())))

</pallas_src>

<mosaic_0001>
#map = affine_map<(d0, d1) -> (0, 0)>
#map1 = affine_map<(d0, d1) -> (0, 0, 0)>
module attributes {stable_mosaic.version = 14 : i64} {
  func.func @k(%arg0: i32, %arg1: i32, %arg2: memref<10000x32xf32, #tpu.memory_space<hbm>>, %arg3: memref<32x125x40xi32, #tpu.memory_space<hbm>>, %arg4: memref<160000x32xf32, #tpu.memory_space<hbm>>, %arg5: memref<125x40xi32, #tpu.memory_space<vmem>>, %arg6: memref<40x32xf32, #tpu.memory_space<vmem>>, %arg7: memref<40x32xf32, #tpu.memory_space<vmem>>, %arg8: memref<40x32xf32, #tpu.memory_space<vmem>>, %arg9: memref<40x32xf32, #tpu.memory_space<vmem>>, %arg10: memref<40x32xf32, #tpu.memory_space<vmem>>, %arg11: memref<10000x32xf32, #tpu.memory_space<vmem_shared>>, %arg12: memref<!tpu.dma_semaphore, #tpu.memory_space<semaphore_mem>>, %arg13: memref<!tpu.dma_semaphore, #tpu.memory_space<semaphore_mem>>, %arg14: memref<!tpu.dma_semaphore, #tpu.memory_space<semaphore_mem>>, %arg15: memref<!tpu.dma_semaphore, #tpu.memory_space<semaphore_mem>>, %arg16: memref<!tpu.dma_semaphore, #tpu.memory_space<semaphore_mem>>, %arg17: memref<!tpu.dma_semaphore, #tpu.memory_space<semaphore_mem>>) attributes {dimension_semantics = [#tpu.dimension_semantics<core_parallel>, #tpu.dimension_semantics<subcore_parallel>], iteration_bounds = array<i64: 2, 16>, scalar_prefetch = 0 : i64, scratch_operands = 13 : i64, tpu.core_type = #tpu.core_type<sc_vector_subcore>, window_params = [{transform_indices = #map}, {transform_indices = #map1}, {transform_indices = #map}]} {
    %mul3A = arith.constant 2 : i32
    %mul3A_0 = arith.muli %arg1, %mul3A : i32
    %add3A = arith.addi %mul3A_0, %arg0 : i32
    %mul3A_1 = arith.constant 624 : i32
    %mul3A_2 = arith.muli %arg1, %mul3A_1 : i32
    %mul3A_3 = arith.constant 624 : i32
    %mul3A_4 = arith.muli %arg1, %mul3A_3 : i32
    "tpu.region"() ({
      %run_scoped3A = tpu.sem_alloc : memref<!tpu.dma_semaphore, #tpu.memory_space<semaphore_mem>>
      %dma_start3A = arith.constant 0 : i32
      %dma_start3A_12 = tpu.memref_slice %arg11[%mul3A_4, %dma_start3A] : memref<10000x32xf32, #tpu.memory_space<vmem_shared>> -> memref<624x32xf32, #tpu.memory_space<vmem_shared>>
      %dma_start3A_13 = arith.constant 0 : i32
      %dma_start3A_14 = tpu.memref_slice %arg2[%mul3A_2, %dma_start3A_13] : memref<10000x32xf32, #tpu.memory_space<hbm>> -> memref<624x32xf32, #tpu.memory_space<hbm>>
      tpu.enqueue_dma source(%dma_start3A_14 : memref<624x32xf32, #tpu.memory_space<hbm>>) target(%dma_start3A_12 : memref<624x32xf32, #tpu.memory_space<vmem_shared>>) target_semaphore(%run_scoped3A : memref<!tpu.dma_semaphore, #tpu.memory_space<semaphore_mem>>)
      %dma_wait3A = arith.constant 0 : i32
      %dma_wait3A_15 = tpu.memref_slice %arg11[%mul3A_4, %dma_wait3A] : memref<10000x32xf32, #tpu.memory_space<vmem_shared>> -> memref<624x32xf32, #tpu.memory_space<vmem_shared>>
      %dma_wait3A_16 = arith.constant 0 : i32
      %dma_wait3A_17 = tpu.memref_slice %arg2[%mul3A_2, %dma_wait3A_16] : memref<10000x32xf32, #tpu.memory_space<hbm>> -> memref<624x32xf32, #tpu.memory_space<hbm>>
      tpu.wait_dma2 semaphore(%run_scoped3A : memref<!tpu.dma_semaphore, #tpu.memory_space<semaphore_mem>>) src(%dma_wait3A_17 : memref<624x32xf32, #tpu.memory_space<hbm>>) dst(%dma_wait3A_15 : memref<624x32xf32, #tpu.memory_space<vmem_shared>>)
      tpu.yield
    }) : () -> ()
    %eq3A = arith.constant 0 : i32
    %eq3A_5 = arith.cmpi eq, %arg1, %eq3A : i32
    %convert_element_type3A = arith.extui %eq3A_5 : i1 to i32
    %cond3A = arith.constant 0 : i32
    %cond3A_6 = arith.cmpi ne, %convert_element_type3A, %cond3A : i32
    scf.if %cond3A_6 {
      "tpu.region"() ({
        %run_scoped3A = tpu.sem_alloc : memref<!tpu.dma_semaphore, #tpu.memory_space<semaphore_mem>>
        %dma_start3A = arith.constant 9984 : i32
        %dma_start3A_12 = arith.constant 0 : i32
        %dma_start3A_13 = tpu.memref_slice %arg11[%dma_start3A, %dma_start3A_12] : memref<10000x32xf32, #tpu.memory_space<vmem_shared>> -> memref<16x32xf32, #tpu.memory_space<vmem_shared>>
        %dma_start3A_14 = arith.constant 9984 : i32
        %dma_start3A_15 = arith.constant 0 : i32
        %dma_start3A_16 = tpu.memref_slice %arg2[%dma_start3A_14, %dma_start3A_15] : memref<10000x32xf32, #tpu.memory_space<hbm>> -> memref<16x32xf32, #tpu.memory_space<hbm>>
        tpu.enqueue_dma source(%dma_start3A_16 : memref<16x32xf32, #tpu.memory_space<hbm>>) target(%dma_start3A_13 : memref<16x32xf32, #tpu.memory_space<vmem_shared>>) target_semaphore(%run_scoped3A : memref<!tpu.dma_semaphore, #tpu.memory_space<semaphore_mem>>)
        %dma_wait3A = arith.constant 9984 : i32
        %dma_wait3A_17 = arith.constant 0 : i32
        %dma_wait3A_18 = tpu.memref_slice %arg11[%dma_wait3A, %dma_wait3A_17] : memref<10000x32xf32, #tpu.memory_space<vmem_shared>> -> memref<16x32xf32, #tpu.memory_space<vmem_shared>>
        %dma_wait3A_19 = arith.constant 9984 : i32
        %dma_wait3A_20 = arith.constant 0 : i32
        %dma_wait3A_21 = tpu.memref_slice %arg2[%dma_wait3A_19, %dma_wait3A_20] : memref<10000x32xf32, #tpu.memory_space<hbm>> -> memref<16x32xf32, #tpu.memory_space<hbm>>
        tpu.wait_dma2 semaphore(%run_scoped3A : memref<!tpu.dma_semaphore, #tpu.memory_space<semaphore_mem>>) src(%dma_wait3A_21 : memref<16x32xf32, #tpu.memory_space<hbm>>) dst(%dma_wait3A_18 : memref<16x32xf32, #tpu.memory_space<vmem_shared>>)
        tpu.yield
      }) : () -> ()
    } else {
    }
    "tpu.region"() ({
      %run_scoped3A = tpu.sem_alloc : memref<!tpu.dma_semaphore, #tpu.memory_space<semaphore_mem>>
      %dma_start3A = arith.constant 0 : i32
      %dma_start3A_12 = arith.constant 0 : i32
      %dma_start3A_13 = tpu.memref_slice %arg3[%add3A, %dma_start3A, %dma_start3A_12] : memref<32x125x40xi32, #tpu.memory_space<hbm>> -> memref<1x125x40xi32, #tpu.memory_space<hbm>>
      %dma_start3A_14 = tpu.memref_squeeze %dma_start3A_13 : memref<1x125x40xi32, #tpu.memory_space<hbm>> -> memref<125x40xi32, #tpu.memory_space<hbm>>
      %dma_start3A_15 = arith.constant 0 : i32
      %dma_start3A_16 = arith.constant 0 : i32
      %dma_start3A_17 = tpu.memref_slice %arg3[%add3A, %dma_start3A_15, %dma_start3A_16] : memref<32x125x40xi32, #tpu.memory_space<hbm>> -> memref<1x125x40xi32, #tpu.memory_space<hbm>>
      %dma_start3A_18 = tpu.memref_squeeze %dma_start3A_17 : memref<1x125x40xi32, #tpu.memory_space<hbm>> -> memref<125x40xi32, #tpu.memory_space<hbm>>
      tpu.enqueue_dma source(%dma_start3A_18 : memref<125x40xi32, #tpu.memory_space<hbm>>) target(%arg5 : memref<125x40xi32, #tpu.memory_space<vmem>>) target_semaphore(%run_scoped3A : memref<!tpu.dma_semaphore, #tpu.memory_space<semaphore_mem>>)
      %dma_wait3A = arith.constant 0 : i32
      %dma_wait3A_19 = arith.constant 0 : i32
      %dma_wait3A_20 = tpu.memref_slice %arg3[%add3A, %dma_wait3A, %dma_wait3A_19] : memref<32x125x40xi32, #tpu.memory_space<hbm>> -> memref<1x125x40xi32, #tpu.memory_space<hbm>>
      %dma_wait3A_21 = tpu.memref_squeeze %dma_wait3A_20 : memref<1x125x40xi32, #tpu.memory_space<hbm>> -> memref<125x40xi32, #tpu.memory_space<hbm>>
      %dma_wait3A_22 = arith.constant 0 : i32
      %dma_wait3A_23 = arith.constant 0 : i32
      %dma_wait3A_24 = tpu.memref_slice %arg3[%add3A, %dma_wait3A_22, %dma_wait3A_23] : memref<32x125x40xi32, #tpu.memory_space<hbm>> -> memref<1x125x40xi32, #tpu.memory_space<hbm>>
      %dma_wait3A_25 = tpu.memref_squeeze %dma_wait3A_24 : memref<1x125x40xi32, #tpu.memory_space<hbm>> -> memref<125x40xi32, #tpu.memory_space<hbm>>
      tpu.wait_dma2 semaphore(%run_scoped3A : memref<!tpu.dma_semaphore, #tpu.memory_space<semaphore_mem>>) src(%dma_wait3A_25 : memref<125x40xi32, #tpu.memory_space<hbm>>) dst(%arg5 : memref<125x40xi32, #tpu.memory_space<vmem>>)
      tpu.yield
    }) : () -> ()
    %barrier3A = arith.constant 0 : index
    tpu.barrier barrier_id(%barrier3A)
    %scan3A = arith.constant 0 : i32
    %scan3A_7 = arith.constant 0 : i32
    %scan3A_8 = arith.constant 25 : i32
    %scan3A_9 = arith.addi %scan3A_7, %scan3A_8 : i32
    %scan3A_10 = arith.constant 1 : i32
    scf.for %scan3A_12 = %scan3A_7 to %scan3A_9 step %scan3A_10  : i32 {
      %mul3A_13 = arith.constant 5 : i32
      %mul3A_14 = arith.muli %scan3A_12, %mul3A_13 : i32
      %add3A_15 = arith.constant 0 : i32
      %add3A_16 = arith.addi %mul3A_14, %add3A_15 : i32
      %dma_start3A = arith.constant 0 : i32
      %dma_start3A_17 = tpu.memref_slice %arg5[%add3A_16, %dma_start3A] : memref<125x40xi32, #tpu.memory_space<vmem>> -> memref<1x40xi32, #tpu.memory_space<vmem>>
      %dma_start3A_18 = tpu.memref_squeeze %dma_start3A_17 : memref<1x40xi32, #tpu.memory_space<vmem>> -> memref<40xi32, #tpu.memory_space<vmem>>
      %dma_start3A_19 = arith.constant 0 : i32
      %dma_start3A_20 = arith.constant 0 : i32
      %dma_start3A_21 = tpu.memref_slice %arg11[%dma_start3A_19, %dma_start3A_20] : memref<10000x32xf32, #tpu.memory_space<vmem_shared>> -> memref<10000x32xf32, #tpu.memory_space<vmem_shared>>
      tpu.enqueue_indirect_dma source(%dma_start3A_21 : memref<10000x32xf32, #tpu.memory_space<vmem_shared>>) target(%arg6 : memref<40x32xf32, #tpu.memory_space<vmem>>) offsets(%dma_start3A_18 : memref<40xi32, #tpu.memory_space<vmem>>) semaphore(%arg12 : memref<!tpu.dma_semaphore, #tpu.memory_space<semaphore_mem>>)
      %mul3A_22 = arith.constant 5 : i32
      %mul3A_23 = arith.muli %scan3A_12, %mul3A_22 : i32
      %add3A_24 = arith.constant 1 : i32
      %add3A_25 = arith.addi %mul3A_23, %add3A_24 : i32
      %dma_start3A_26 = arith.constant 0 : i32
      %dma_start3A_27 = tpu.memref_slice %arg5[%add3A_25, %dma_start3A_26] : memref<125x40xi32, #tpu.memory_space<vmem>> -> memref<1x40xi32, #tpu.memory_space<vmem>>
      %dma_start3A_28 = tpu.memref_squeeze %dma_start3A_27 : memref<1x40xi32, #tpu.memory_space<vmem>> -> memref<40xi32, #tpu.memory_space<vmem>>
      %dma_start3A_29 = arith.constant 0 : i32
      %dma_start3A_30 = arith.constant 0 : i32
      %dma_start3A_31 = tpu.memref_slice %arg11[%dma_start3A_29, %dma_start3A_30] : memref<10000x32xf32, #tpu.memory_space<vmem_shared>> -> memref<10000x32xf32, #tpu.memory_space<vmem_shared>>
      tpu.enqueue_indirect_dma source(%dma_start3A_31 : memref<10000x32xf32, #tpu.memory_space<vmem_shared>>) target(%arg7 : memref<40x32xf32, #tpu.memory_space<vmem>>) offsets(%dma_start3A_28 : memref<40xi32, #tpu.memory_space<vmem>>) semaphore(%arg13 : memref<!tpu.dma_semaphore, #tpu.memory_space<semaphore_mem>>)
      %mul3A_32 = arith.constant 5 : i32
      %mul3A_33 = arith.muli %scan3A_12, %mul3A_32 : i32
      %add3A_34 = arith.constant 2 : i32
      %add3A_35 = arith.addi %mul3A_33, %add3A_34 : i32
      %dma_start3A_36 = arith.constant 0 : i32
      %dma_start3A_37 = tpu.memref_slice %arg5[%add3A_35, %dma_start3A_36] : memref<125x40xi32, #tpu.memory_space<vmem>> -> memref<1x40xi32, #tpu.memory_space<vmem>>
      %dma_start3A_38 = tpu.memref_squeeze %dma_start3A_37 : memref<1x40xi32, #tpu.memory_space<vmem>> -> memref<40xi32, #tpu.memory_space<vmem>>
      %dma_start3A_39 = arith.constant 0 : i32
      %dma_start3A_40 = arith.constant 0 : i32
      %dma_start3A_41 = tpu.memref_slice %arg11[%dma_start3A_39, %dma_start3A_40] : memref<10000x32xf32, #tpu.memory_space<vmem_shared>> -> memref<10000x32xf32, #tpu.memory_space<vmem_shared>>
      tpu.enqueue_indirect_dma source(%dma_start3A_41 : memref<10000x32xf32, #tpu.memory_space<vmem_shared>>) target(%arg8 : memref<40x32xf32, #tpu.memory_space<vmem>>) offsets(%dma_start3A_38 : memref<40xi32, #tpu.memory_space<vmem>>) semaphore(%arg14 : memref<!tpu.dma_semaphore, #tpu.memory_space<semaphore_mem>>)
      %mul3A_42 = arith.constant 5 : i32
      %mul3A_43 = arith.muli %scan3A_12, %mul3A_42 : i32
      %add3A_44 = arith.constant 3 : i32
      %add3A_45 = arith.addi %mul3A_43, %add3A_44 : i32
      %dma_start3A_46 = arith.constant 0 : i32
      %dma_start3A_47 = tpu.memref_slice %arg5[%add3A_45, %dma_start3A_46] : memref<125x40xi32, #tpu.memory_space<vmem>> -> memref<1x40xi32, #tpu.memory_space<vmem>>
      %dma_start3A_48 = tpu.memref_squeeze %dma_start3A_47 : memref<1x40xi32, #tpu.memory_space<vmem>> -> memref<40xi32, #tpu.memory_space<vmem>>
      %dma_start3A_49 = arith.constant 0 : i32
      %dma_start3A_50 = arith.constant 0 : i32
      %dma_start3A_51 = tpu.memref_slice %arg11[%dma_start3A_49, %dma_start3A_50] : memref<10000x32xf32, #tpu.memory_space<vmem_shared>> -> memref<10000x32xf32, #tpu.memory_space<vmem_shared>>
      tpu.enqueue_indirect_dma source(%dma_start3A_51 : memref<10000x32xf32, #tpu.memory_space<vmem_shared>>) target(%arg9 : memref<40x32xf32, #tpu.memory_space<vmem>>) offsets(%dma_start3A_48 : memref<40xi32, #tpu.memory_space<vmem>>) semaphore(%arg15 : memref<!tpu.dma_semaphore, #tpu.memory_space<semaphore_mem>>)
      %mul3A_52 = arith.constant 5 : i32
      %mul3A_53 = arith.muli %scan3A_12, %mul3A_52 : i32
      %add3A_54 = arith.constant 4 : i32
      %add3A_55 = arith.addi %mul3A_53, %add3A_54 : i32
      %dma_start3A_56 = arith.constant 0 : i32
      %dma_start3A_57 = tpu.memref_slice %arg5[%add3A_55, %dma_start3A_56] : memref<125x40xi32, #tpu.memory_space<vmem>> -> memref<1x40xi32, #tpu.memory_space<vmem>>
      %dma_start3A_58 = tpu.memref_squeeze %dma_start3A_57 : memref<1x40xi32, #tpu.memory_space<vmem>> -> memref<40xi32, #tpu.memory_space<vmem>>
      %dma_start3A_59 = arith.constant 0 : i32
      %dma_start3A_60 = arith.constant 0 : i32
      %dma_start3A_61 = tpu.memref_slice %arg11[%dma_start3A_59, %dma_start3A_60] : memref<10000x32xf32, #tpu.memory_space<vmem_shared>> -> memref<10000x32xf32, #tpu.memory_space<vmem_shared>>
      tpu.enqueue_indirect_dma source(%dma_start3A_61 : memref<10000x32xf32, #tpu.memory_space<vmem_shared>>) target(%arg10 : memref<40x32xf32, #tpu.memory_space<vmem>>) offsets(%dma_start3A_58 : memref<40xi32, #tpu.memory_space<vmem>>) semaphore(%arg16 : memref<!tpu.dma_semaphore, #tpu.memory_space<semaphore_mem>>)
      %dma_wait3A = arith.constant 0 : i32
      %dma_wait3A_62 = tpu.memref_slice %arg5[%add3A_16, %dma_wait3A] : memref<125x40xi32, #tpu.memory_space<vmem>> -> memref<1x40xi32, #tpu.memory_space<vmem>>
      %dma_wait3A_63 = tpu.memref_squeeze %dma_wait3A_62 : memref<1x40xi32, #tpu.memory_space<vmem>> -> memref<40xi32, #tpu.memory_space<vmem>>
      %dma_wait3A_64 = arith.constant 0 : i32
      %dma_wait3A_65 = arith.constant 0 : i32
      %dma_wait3A_66 = tpu.memref_slice %arg11[%dma_wait3A_64, %dma_wait3A_65] : memref<10000x32xf32, #tpu.memory_space<vmem_shared>> -> memref<10000x32xf32, #tpu.memory_space<vmem_shared>>
      tpu.wait_indirect_dma semaphore(%arg12 : memref<!tpu.dma_semaphore, #tpu.memory_space<semaphore_mem>>) src(%dma_wait3A_66 : memref<10000x32xf32, #tpu.memory_space<vmem_shared>>) dst(%arg6 : memref<40x32xf32, #tpu.memory_space<vmem>>)
      %mul3A_67 = arith.constant 5000 : i32
      %mul3A_68 = arith.muli %add3A, %mul3A_67 : i32
      %mul3A_69 = arith.constant 5 : i32
      %mul3A_70 = arith.muli %scan3A_12, %mul3A_69 : i32
      %add3A_71 = arith.constant 0 : i32
      %add3A_72 = arith.addi %mul3A_70, %add3A_71 : i32
      %mul3A_73 = arith.constant 40 : i32
      %mul3A_74 = arith.muli %add3A_72, %mul3A_73 : i32
      %add3A_75 = arith.addi %mul3A_68, %mul3A_74 : i32
      "tpu.region"() ({
        %run_scoped3A = tpu.sem_alloc : memref<!tpu.dma_semaphore, #tpu.memory_space<semaphore_mem>>
        %dma_start3A_136 = arith.constant 0 : i32
        %dma_start3A_137 = tpu.memref_slice %arg4[%add3A_75, %dma_start3A_136] : memref<160000x32xf32, #tpu.memory_space<hbm>> -> memref<40x32xf32, #tpu.memory_space<hbm>>
        %dma_start3A_138 = arith.constant 0 : i32
        %dma_start3A_139 = tpu.memref_slice %arg4[%add3A_75, %dma_start3A_138] : memref<160000x32xf32, #tpu.memory_space<hbm>> -> memref<40x32xf32, #tpu.memory_space<hbm>>
        tpu.enqueue_dma source(%arg6 : memref<40x32xf32, #tpu.memory_space<vmem>>) target(%dma_start3A_139 : memref<40x32xf32, #tpu.memory_space<hbm>>) target_semaphore(%run_scoped3A : memref<!tpu.dma_semaphore, #tpu.memory_space<semaphore_mem>>)
        %dma_wait3A_140 = arith.constant 0 : i32
        %dma_wait3A_141 = tpu.memref_slice %arg4[%add3A_75, %dma_wait3A_140] : memref<160000x32xf32, #tpu.memory_space<hbm>> -> memref<40x32xf32, #tpu.memory_space<hbm>>
        %dma_wait3A_142 = arith.constant 0 : i32
        %dma_wait3A_143 = tpu.memref_slice %arg4[%add3A_75, %dma_wait3A_142] : memref<160000x32xf32, #tpu.memory_space<hbm>> -> memref<40x32xf32, #tpu.memory_space<hbm>>
        tpu.wait_dma2 semaphore(%run_scoped3A : memref<!tpu.dma_semaphore, #tpu.memory_space<semaphore_mem>>) src(%arg6 : memref<40x32xf32, #tpu.memory_space<vmem>>) dst(%dma_wait3A_143 : memref<40x32xf32, #tpu.memory_space<hbm>>)
        tpu.yield
      }) : () -> ()
      %dma_wait3A_76 = arith.constant 0 : i32
      %dma_wait3A_77 = tpu.memref_slice %arg5[%add3A_25, %dma_wait3A_76] : memref<125x40xi32, #tpu.memory_space<vmem>> -> memref<1x40xi32, #tpu.memory_space<vmem>>
      %dma_wait3A_78 = tpu.memref_squeeze %dma_wait3A_77 : memref<1x40xi32, #tpu.memory_space<vmem>> -> memref<40xi32, #tpu.memory_space<vmem>>
      %dma_wait3A_79 = arith.constant 0 : i32
      %dma_wait3A_80 = arith.constant 0 : i32
      %dma_wait3A_81 = tpu.memref_slice %arg11[%dma_wait3A_79, %dma_wait3A_80] : memref<10000x32xf32, #tpu.memory_space<vmem_shared>> -> memref<10000x32xf32, #tpu.memory_space<vmem_shared>>
      tpu.wait_indirect_dma semaphore(%arg13 : memref<!tpu.dma_semaphore, #tpu.memory_space<semaphore_mem>>) src(%dma_wait3A_81 : memref<10000x32xf32, #tpu.memory_space<vmem_shared>>) dst(%arg7 : memref<40x32xf32, #tpu.memory_space<vmem>>)
      %mul3A_82 = arith.constant 5000 : i32
      %mul3A_83 = arith.muli %add3A, %mul3A_82 : i32
      %mul3A_84 = arith.constant 5 : i32
      %mul3A_85 = arith.muli %scan3A_12, %mul3A_84 : i32
      %add3A_86 = arith.constant 1 : i32
      %add3A_87 = arith.addi %mul3A_85, %add3A_86 : i32
      %mul3A_88 = arith.constant 40 : i32
      %mul3A_89 = arith.muli %add3A_87, %mul3A_88 : i32
      %add3A_90 = arith.addi %mul3A_83, %mul3A_89 : i32
      "tpu.region"() ({
        %run_scoped3A = tpu.sem_alloc : memref<!tpu.dma_semaphore, #tpu.memory_space<semaphore_mem>>
        %dma_start3A_136 = arith.constant 0 : i32
        %dma_start3A_137 = tpu.memref_slice %arg4[%add3A_90, %dma_start3A_136] : memref<160000x32xf32, #tpu.memory_space<hbm>> -> memref<40x32xf32, #tpu.memory_space<hbm>>
        %dma_start3A_138 = arith.constant 0 : i32
        %dma_start3A_139 = tpu.memref_slice %arg4[%add3A_90, %dma_start3A_138] : memref<160000x32xf32, #tpu.memory_space<hbm>> -> memref<40x32xf32, #tpu.memory_space<hbm>>
        tpu.enqueue_dma source(%arg7 : memref<40x32xf32, #tpu.memory_space<vmem>>) target(%dma_start3A_139 : memref<40x32xf32, #tpu.memory_space<hbm>>) target_semaphore(%run_scoped3A : memref<!tpu.dma_semaphore, #tpu.memory_space<semaphore_mem>>)
        %dma_wait3A_140 = arith.constant 0 : i32
        %dma_wait3A_141 = tpu.memref_slice %arg4[%add3A_90, %dma_wait3A_140] : memref<160000x32xf32, #tpu.memory_space<hbm>> -> memref<40x32xf32, #tpu.memory_space<hbm>>
        %dma_wait3A_142 = arith.constant 0 : i32
        %dma_wait3A_143 = tpu.memref_slice %arg4[%add3A_90, %dma_wait3A_142] : memref<160000x32xf32, #tpu.memory_space<hbm>> -> memref<40x32xf32, #tpu.memory_space<hbm>>
        tpu.wait_dma2 semaphore(%run_scoped3A : memref<!tpu.dma_semaphore, #tpu.memory_space<semaphore_mem>>) src(%arg7 : memref<40x32xf32, #tpu.memory_space<vmem>>) dst(%dma_wait3A_143 : memref<40x32xf32, #tpu.memory_space<hbm>>)
        tpu.yield
      }) : () -> ()
      %dma_wait3A_91 = arith.constant 0 : i32
      %dma_wait3A_92 = tpu.memref_slice %arg5[%add3A_35, %dma_wait3A_91] : memref<125x40xi32, #tpu.memory_space<vmem>> -> memref<1x40xi32, #tpu.memory_space<vmem>>
      %dma_wait3A_93 = tpu.memref_squeeze %dma_wait3A_92 : memref<1x40xi32, #tpu.memory_space<vmem>> -> memref<40xi32, #tpu.memory_space<vmem>>
      %dma_wait3A_94 = arith.constant 0 : i32
      %dma_wait3A_95 = arith.constant 0 : i32
      %dma_wait3A_96 = tpu.memref_slice %arg11[%dma_wait3A_94, %dma_wait3A_95] : memref<10000x32xf32, #tpu.memory_space<vmem_shared>> -> memref<10000x32xf32, #tpu.memory_space<vmem_shared>>
      tpu.wait_indirect_dma semaphore(%arg14 : memref<!tpu.dma_semaphore, #tpu.memory_space<semaphore_mem>>) src(%dma_wait3A_96 : memref<10000x32xf32, #tpu.memory_space<vmem_shared>>) dst(%arg8 : memref<40x32xf32, #tpu.memory_space<vmem>>)
      %mul3A_97 = arith.constant 5000 : i32
      %mul3A_98 = arith.muli %add3A, %mul3A_97 : i32
      %mul3A_99 = arith.constant 5 : i32
      %mul3A_100 = arith.muli %scan3A_12, %mul3A_99 : i32
      %add3A_101 = arith.constant 2 : i32
      %add3A_102 = arith.addi %mul3A_100, %add3A_101 : i32
      %mul3A_103 = arith.constant 40 : i32
      %mul3A_104 = arith.muli %add3A_102, %mul3A_103 : i32
      %add3A_105 = arith.addi %mul3A_98, %mul3A_104 : i32
      "tpu.region"() ({
        %run_scoped3A = tpu.sem_alloc : memref<!tpu.dma_semaphore, #tpu.memory_space<semaphore_mem>>
        %dma_start3A_136 = arith.constant 0 : i32
        %dma_start3A_137 = tpu.memref_slice %arg4[%add3A_105, %dma_start3A_136] : memref<160000x32xf32, #tpu.memory_space<hbm>> -> memref<40x32xf32, #tpu.memory_space<hbm>>
        %dma_start3A_138 = arith.constant 0 : i32
        %dma_start3A_139 = tpu.memref_slice %arg4[%add3A_105, %dma_start3A_138] : memref<160000x32xf32, #tpu.memory_space<hbm>> -> memref<40x32xf32, #tpu.memory_space<hbm>>
        tpu.enqueue_dma source(%arg8 : memref<40x32xf32, #tpu.memory_space<vmem>>) target(%dma_start3A_139 : memref<40x32xf32, #tpu.memory_space<hbm>>) target_semaphore(%run_scoped3A : memref<!tpu.dma_semaphore, #tpu.memory_space<semaphore_mem>>)
        %dma_wait3A_140 = arith.constant 0 : i32
        %dma_wait3A_141 = tpu.memref_slice %arg4[%add3A_105, %dma_wait3A_140] : memref<160000x32xf32, #tpu.memory_space<hbm>> -> memref<40x32xf32, #tpu.memory_space<hbm>>
        %dma_wait3A_142 = arith.constant 0 : i32
        %dma_wait3A_143 = tpu.memref_slice %arg4[%add3A_105, %dma_wait3A_142] : memref<160000x32xf32, #tpu.memory_space<hbm>> -> memref<40x32xf32, #tpu.memory_space<hbm>>
        tpu.wait_dma2 semaphore(%run_scoped3A : memref<!tpu.dma_semaphore, #tpu.memory_space<semaphore_mem>>) src(%arg8 : memref<40x32xf32, #tpu.memory_space<vmem>>) dst(%dma_wait3A_143 : memref<40x32xf32, #tpu.memory_space<hbm>>)
        tpu.yield
      }) : () -> ()
      %dma_wait3A_106 = arith.constant 0 : i32
      %dma_wait3A_107 = tpu.memref_slice %arg5[%add3A_45, %dma_wait3A_106] : memref<125x40xi32, #tpu.memory_space<vmem>> -> memref<1x40xi32, #tpu.memory_space<vmem>>
      %dma_wait3A_108 = tpu.memref_squeeze %dma_wait3A_107 : memref<1x40xi32, #tpu.memory_space<vmem>> -> memref<40xi32, #tpu.memory_space<vmem>>
      %dma_wait3A_109 = arith.constant 0 : i32
      %dma_wait3A_110 = arith.constant 0 : i32
      %dma_wait3A_111 = tpu.memref_slice %arg11[%dma_wait3A_109, %dma_wait3A_110] : memref<10000x32xf32, #tpu.memory_space<vmem_shared>> -> memref<10000x32xf32, #tpu.memory_space<vmem_shared>>
      tpu.wait_indirect_dma semaphore(%arg15 : memref<!tpu.dma_semaphore, #tpu.memory_space<semaphore_mem>>) src(%dma_wait3A_111 : memref<10000x32xf32, #tpu.memory_space<vmem_shared>>) dst(%arg9 : memref<40x32xf32, #tpu.memory_space<vmem>>)
      %mul3A_112 = arith.constant 5000 : i32
      %mul3A_113 = arith.muli %add3A, %mul3A_112 : i32
      %mul3A_114 = arith.constant 5 : i32
      %mul3A_115 = arith.muli %scan3A_12, %mul3A_114 : i32
      %add3A_116 = arith.constant 3 : i32
      %add3A_117 = arith.addi %mul3A_115, %add3A_116 : i32
      %mul3A_118 = arith.constant 40 : i32
      %mul3A_119 = arith.muli %add3A_117, %mul3A_118 : i32
      %add3A_120 = arith.addi %mul3A_113, %mul3A_119 : i32
      "tpu.region"() ({
        %run_scoped3A = tpu.sem_alloc : memref<!tpu.dma_semaphore, #tpu.memory_space<semaphore_mem>>
        %dma_start3A_136 = arith.constant 0 : i32
        %dma_start3A_137 = tpu.memref_slice %arg4[%add3A_120, %dma_start3A_136] : memref<160000x32xf32, #tpu.memory_space<hbm>> -> memref<40x32xf32, #tpu.memory_space<hbm>>
        %dma_start3A_138 = arith.constant 0 : i32
        %dma_start3A_139 = tpu.memref_slice %arg4[%add3A_120, %dma_start3A_138] : memref<160000x32xf32, #tpu.memory_space<hbm>> -> memref<40x32xf32, #tpu.memory_space<hbm>>
        tpu.enqueue_dma source(%arg9 : memref<40x32xf32, #tpu.memory_space<vmem>>) target(%dma_start3A_139 : memref<40x32xf32, #tpu.memory_space<hbm>>) target_semaphore(%run_scoped3A : memref<!tpu.dma_semaphore, #tpu.memory_space<semaphore_mem>>)
        %dma_wait3A_140 = arith.constant 0 : i32
        %dma_wait3A_141 = tpu.memref_slice %arg4[%add3A_120, %dma_wait3A_140] : memref<160000x32xf32, #tpu.memory_space<hbm>> -> memref<40x32xf32, #tpu.memory_space<hbm>>
        %dma_wait3A_142 = arith.constant 0 : i32
        %dma_wait3A_143 = tpu.memref_slice %arg4[%add3A_120, %dma_wait3A_142] : memref<160000x32xf32, #tpu.memory_space<hbm>> -> memref<40x32xf32, #tpu.memory_space<hbm>>
        tpu.wait_dma2 semaphore(%run_scoped3A : memref<!tpu.dma_semaphore, #tpu.memory_space<semaphore_mem>>) src(%arg9 : memref<40x32xf32, #tpu.memory_space<vmem>>) dst(%dma_wait3A_143 : memref<40x32xf32, #tpu.memory_space<hbm>>)
        tpu.yield
      }) : () -> ()
      %dma_wait3A_121 = arith.constant 0 : i32
      %dma_wait3A_122 = tpu.memref_slice %arg5[%add3A_55, %dma_wait3A_121] : memref<125x40xi32, #tpu.memory_space<vmem>> -> memref<1x40xi32, #tpu.memory_space<vmem>>
      %dma_wait3A_123 = tpu.memref_squeeze %dma_wait3A_122 : memref<1x40xi32, #tpu.memory_space<vmem>> -> memref<40xi32, #tpu.memory_space<vmem>>
      %dma_wait3A_124 = arith.constant 0 : i32
      %dma_wait3A_125 = arith.constant 0 : i32
      %dma_wait3A_126 = tpu.memref_slice %arg11[%dma_wait3A_124, %dma_wait3A_125] : memref<10000x32xf32, #tpu.memory_space<vmem_shared>> -> memref<10000x32xf32, #tpu.memory_space<vmem_shared>>
      tpu.wait_indirect_dma semaphore(%arg16 : memref<!tpu.dma_semaphore, #tpu.memory_space<semaphore_mem>>) src(%dma_wait3A_126 : memref<10000x32xf32, #tpu.memory_space<vmem_shared>>) dst(%arg10 : memref<40x32xf32, #tpu.memory_space<vmem>>)
      %mul3A_127 = arith.constant 5000 : i32
      %mul3A_128 = arith.muli %add3A, %mul3A_127 : i32
      %mul3A_129 = arith.constant 5 : i32
      %mul3A_130 = arith.muli %scan3A_12, %mul3A_129 : i32
      %add3A_131 = arith.constant 4 : i32
      %add3A_132 = arith.addi %mul3A_130, %add3A_131 : i32
      %mul3A_133 = arith.constant 40 : i32
      %mul3A_134 = arith.muli %add3A_132, %mul3A_133 : i32
      %add3A_135 = arith.addi %mul3A_128, %mul3A_134 : i32
      "tpu.region"() ({
        %run_scoped3A = tpu.sem_alloc : memref<!tpu.dma_semaphore, #tpu.memory_space<semaphore_mem>>
        %dma_start3A_136 = arith.constant 0 : i32
        %dma_start3A_137 = tpu.memref_slice %arg4[%add3A_135, %dma_start3A_136] : memref<160000x32xf32, #tpu.memory_space<hbm>> -> memref<40x32xf32, #tpu.memory_space<hbm>>
        %dma_start3A_138 = arith.constant 0 : i32
        %dma_start3A_139 = tpu.memref_slice %arg4[%add3A_135, %dma_start3A_138] : memref<160000x32xf32, #tpu.memory_space<hbm>> -> memref<40x32xf32, #tpu.memory_space<hbm>>
        tpu.enqueue_dma source(%arg10 : memref<40x32xf32, #tpu.memory_space<vmem>>) target(%dma_start3A_139 : memref<40x32xf32, #tpu.memory_space<hbm>>) target_semaphore(%run_scoped3A : memref<!tpu.dma_semaphore, #tpu.memory_space<semaphore_mem>>)
        %dma_wait3A_140 = arith.constant 0 : i32
        %dma_wait3A_141 = tpu.memref_slice %arg4[%add3A_135, %dma_wait3A_140] : memref<160000x32xf32, #tpu.memory_space<hbm>> -> memref<40x32xf32, #tpu.memory_space<hbm>>
        %dma_wait3A_142 = arith.constant 0 : i32
        %dma_wait3A_143 = tpu.memref_slice %arg4[%add3A_135, %dma_wait3A_142] : memref<160000x32xf32, #tpu.memory_space<hbm>> -> memref<40x32xf32, #tpu.memory_space<hbm>>
        tpu.wait_dma2 semaphore(%run_scoped3A : memref<!tpu.dma_semaphore, #tpu.memory_space<semaphore_mem>>) src(%arg10 : memref<40x32xf32, #tpu.memory_space<vmem>>) dst(%dma_wait3A_143 : memref<40x32xf32, #tpu.memory_space<hbm>>)
        tpu.yield
      }) : () -> ()
    }
    %scan3A_11 = arith.constant 25 : i32
    return
  }
}

#map = affine_map<(d0, d1) -> (0, 0)>
#map1 = affine_map<(d0, d1) -> (0, 0, 0)>
module attributes {stable_mosaic.version = 14 : i64} {
  func.func @k(%arg0: i32, %arg1: i32, %arg2: memref<160000x32xf32, #tpu.memory_space<hbm>>, %arg3: memref<32x125x40xi32, #tpu.memory_space<hbm>>, %arg4: memref<10000x32xf32, #tpu.memory_space<hbm>>, %arg5: memref<40x32xf32, #tpu.memory_space<hbm>>, %arg6: memref<2x10000x32xf32, #tpu.memory_space<hbm>>, %arg7: memref<2x10000x32xf32, #tpu.memory_space<hbm>>, %arg8: memref<125x40xi32, #tpu.memory_space<vmem>>, %arg9: memref<40x32xf32, #tpu.memory_space<vmem>>, %arg10: memref<40x32xf32, #tpu.memory_space<vmem>>, %arg11: memref<10000x32xf32, #tpu.memory_space<vmem_shared>>, %arg12: memref<10000x32xf32, #tpu.memory_space<vmem_shared>>) attributes {dimension_semantics = [#tpu.dimension_semantics<core_parallel>, #tpu.dimension_semantics<subcore_parallel>], iteration_bounds = array<i64: 2, 16>, scalar_prefetch = 0 : i64, scratch_operands = 5 : i64, tpu.core_type = #tpu.core_type<sc_vector_subcore>, window_params = [{transform_indices = #map}, {transform_indices = #map1}, {transform_indices = #map}, {transform_indices = #map}, {transform_indices = #map1}, {transform_indices = #map1}]} {
    %mul3A = arith.constant 2 : i32
    %mul3A_0 = arith.muli %arg1, %mul3A : i32
    %add3A = arith.addi %mul3A_0, %arg0 : i32
    %mul3A_1 = arith.constant 624 : i32
    %mul3A_2 = arith.muli %arg1, %mul3A_1 : i32
    %mul3A_3 = arith.constant 624 : i32
    %mul3A_4 = arith.muli %arg1, %mul3A_3 : i32
    "tpu.region"() ({
      %run_scoped3A = tpu.sem_alloc : memref<!tpu.dma_semaphore, #tpu.memory_space<semaphore_mem>>
      %dma_start3A = arith.constant 0 : i32
      %dma_start3A_30 = tpu.memref_slice %arg11[%mul3A_4, %dma_start3A] : memref<10000x32xf32, #tpu.memory_space<vmem_shared>> -> memref<624x32xf32, #tpu.memory_space<vmem_shared>>
      %dma_start3A_31 = arith.constant 0 : i32
      %dma_start3A_32 = tpu.memref_slice %arg4[%mul3A_2, %dma_start3A_31] : memref<10000x32xf32, #tpu.memory_space<hbm>> -> memref<624x32xf32, #tpu.memory_space<hbm>>
      tpu.enqueue_dma source(%dma_start3A_32 : memref<624x32xf32, #tpu.memory_space<hbm>>) target(%dma_start3A_30 : memref<624x32xf32, #tpu.memory_space<vmem_shared>>) target_semaphore(%run_scoped3A : memref<!tpu.dma_semaphore, #tpu.memory_space<semaphore_mem>>)
      %dma_wait3A = arith.constant 0 : i32
      %dma_wait3A_33 = tpu.memref_slice %arg11[%mul3A_4, %dma_wait3A] : memref<10000x32xf32, #tpu.memory_space<vmem_shared>> -> memref<624x32xf32, #tpu.memory_space<vmem_shared>>
      %dma_wait3A_34 = arith.constant 0 : i32
      %dma_wait3A_35 = tpu.memref_slice %arg4[%mul3A_2, %dma_wait3A_34] : memref<10000x32xf32, #tpu.memory_space<hbm>> -> memref<624x32xf32, #tpu.memory_space<hbm>>
      tpu.wait_dma2 semaphore(%run_scoped3A : memref<!tpu.dma_semaphore, #tpu.memory_space<semaphore_mem>>) src(%dma_wait3A_35 : memref<624x32xf32, #tpu.memory_space<hbm>>) dst(%dma_wait3A_33 : memref<624x32xf32, #tpu.memory_space<vmem_shared>>)
      tpu.yield
    }) : () -> ()
    %mul3A_5 = arith.constant 624 : i32
    %mul3A_6 = arith.muli %arg1, %mul3A_5 : i32
    %mul3A_7 = arith.constant 624 : i32
    %mul3A_8 = arith.muli %arg1, %mul3A_7 : i32
    "tpu.region"() ({
      %run_scoped3A = tpu.sem_alloc : memref<!tpu.dma_semaphore, #tpu.memory_space<semaphore_mem>>
      %dma_start3A = arith.constant 0 : i32
      %dma_start3A_30 = tpu.memref_slice %arg12[%mul3A_8, %dma_start3A] : memref<10000x32xf32, #tpu.memory_space<vmem_shared>> -> memref<624x32xf32, #tpu.memory_space<vmem_shared>>
      %dma_start3A_31 = arith.constant 0 : i32
      %dma_start3A_32 = tpu.memref_slice %arg4[%mul3A_6, %dma_start3A_31] : memref<10000x32xf32, #tpu.memory_space<hbm>> -> memref<624x32xf32, #tpu.memory_space<hbm>>
      tpu.enqueue_dma source(%dma_start3A_32 : memref<624x32xf32, #tpu.memory_space<hbm>>) target(%dma_start3A_30 : memref<624x32xf32, #tpu.memory_space<vmem_shared>>) target_semaphore(%run_scoped3A : memref<!tpu.dma_semaphore, #tpu.memory_space<semaphore_mem>>)
      %dma_wait3A = arith.constant 0 : i32
      %dma_wait3A_33 = tpu.memref_slice %arg12[%mul3A_8, %dma_wait3A] : memref<10000x32xf32, #tpu.memory_space<vmem_shared>> -> memref<624x32xf32, #tpu.memory_space<vmem_shared>>
      %dma_wait3A_34 = arith.constant 0 : i32
      %dma_wait3A_35 = tpu.memref_slice %arg4[%mul3A_6, %dma_wait3A_34] : memref<10000x32xf32, #tpu.memory_space<hbm>> -> memref<624x32xf32, #tpu.memory_space<hbm>>
      tpu.wait_dma2 semaphore(%run_scoped3A : memref<!tpu.dma_semaphore, #tpu.memory_space<semaphore_mem>>) src(%dma_wait3A_35 : memref<624x32xf32, #tpu.memory_space<hbm>>) dst(%dma_wait3A_33 : memref<624x32xf32, #tpu.memory_space<vmem_shared>>)
      tpu.yield
    }) : () -> ()
    %eq3A = arith.constant 0 : i32
    %eq3A_9 = arith.cmpi eq, %arg1, %eq3A : i32
    %convert_element_type3A = arith.extui %eq3A_9 : i1 to i32
    %cond3A = arith.constant 0 : i32
    %cond3A_10 = arith.cmpi ne, %convert_element_type3A, %cond3A : i32
    scf.if %cond3A_10 {
      "tpu.region"() ({
        %run_scoped3A = tpu.sem_alloc : memref<!tpu.dma_semaphore, #tpu.memory_space<semaphore_mem>>
        %dma_start3A = arith.constant 9984 : i32
        %dma_start3A_30 = arith.constant 0 : i32
        %dma_start3A_31 = tpu.memref_slice %arg11[%dma_start3A, %dma_start3A_30] : memref<10000x32xf32, #tpu.memory_space<vmem_shared>> -> memref<16x32xf32, #tpu.memory_space<vmem_shared>>
        %dma_start3A_32 = arith.constant 9984 : i32
        %dma_start3A_33 = arith.constant 0 : i32
        %dma_start3A_34 = tpu.memref_slice %arg4[%dma_start3A_32, %dma_start3A_33] : memref<10000x32xf32, #tpu.memory_space<hbm>> -> memref<16x32xf32, #tpu.memory_space<hbm>>
        tpu.enqueue_dma source(%dma_start3A_34 : memref<16x32xf32, #tpu.memory_space<hbm>>) target(%dma_start3A_31 : memref<16x32xf32, #tpu.memory_space<vmem_shared>>) target_semaphore(%run_scoped3A : memref<!tpu.dma_semaphore, #tpu.memory_space<semaphore_mem>>)
        %dma_wait3A = arith.constant 9984 : i32
        %dma_wait3A_35 = arith.constant 0 : i32
        %dma_wait3A_36 = tpu.memref_slice %arg11[%dma_wait3A, %dma_wait3A_35] : memref<10000x32xf32, #tpu.memory_space<vmem_shared>> -> memref<16x32xf32, #tpu.memory_space<vmem_shared>>
        %dma_wait3A_37 = arith.constant 9984 : i32
        %dma_wait3A_38 = arith.constant 0 : i32
        %dma_wait3A_39 = tpu.memref_slice %arg4[%dma_wait3A_37, %dma_wait3A_38] : memref<10000x32xf32, #tpu.memory_space<hbm>> -> memref<16x32xf32, #tpu.memory_space<hbm>>
        tpu.wait_dma2 semaphore(%run_scoped3A : memref<!tpu.dma_semaphore, #tpu.memory_space<semaphore_mem>>) src(%dma_wait3A_39 : memref<16x32xf32, #tpu.memory_space<hbm>>) dst(%dma_wait3A_36 : memref<16x32xf32, #tpu.memory_space<vmem_shared>>)
        tpu.yield
      }) : () -> ()
      "tpu.region"() ({
        %run_scoped3A = tpu.sem_alloc : memref<!tpu.dma_semaphore, #tpu.memory_space<semaphore_mem>>
        %dma_start3A = arith.constant 9984 : i32
        %dma_start3A_30 = arith.constant 0 : i32
        %dma_start3A_31 = tpu.memref_slice %arg12[%dma_start3A, %dma_start3A_30] : memref<10000x32xf32, #tpu.memory_space<vmem_shared>> -> memref<16x32xf32, #tpu.memory_space<vmem_shared>>
        %dma_start3A_32 = arith.constant 9984 : i32
        %dma_start3A_33 = arith.constant 0 : i32
        %dma_start3A_34 = tpu.memref_slice %arg4[%dma_start3A_32, %dma_start3A_33] : memref<10000x32xf32, #tpu.memory_space<hbm>> -> memref<16x32xf32, #tpu.memory_space<hbm>>
        tpu.enqueue_dma source(%dma_start3A_34 : memref<16x32xf32, #tpu.memory_space<hbm>>) target(%dma_start3A_31 : memref<16x32xf32, #tpu.memory_space<vmem_shared>>) target_semaphore(%run_scoped3A : memref<!tpu.dma_semaphore, #tpu.memory_space<semaphore_mem>>)
        %dma_wait3A = arith.constant 9984 : i32
        %dma_wait3A_35 = arith.constant 0 : i32
        %dma_wait3A_36 = tpu.memref_slice %arg12[%dma_wait3A, %dma_wait3A_35] : memref<10000x32xf32, #tpu.memory_space<vmem_shared>> -> memref<16x32xf32, #tpu.memory_space<vmem_shared>>
        %dma_wait3A_37 = arith.constant 9984 : i32
        %dma_wait3A_38 = arith.constant 0 : i32
        %dma_wait3A_39 = tpu.memref_slice %arg4[%dma_wait3A_37, %dma_wait3A_38] : memref<10000x32xf32, #tpu.memory_space<hbm>> -> memref<16x32xf32, #tpu.memory_space<hbm>>
        tpu.wait_dma2 semaphore(%run_scoped3A : memref<!tpu.dma_semaphore, #tpu.memory_space<semaphore_mem>>) src(%dma_wait3A_39 : memref<16x32xf32, #tpu.memory_space<hbm>>) dst(%dma_wait3A_36 : memref<16x32xf32, #tpu.memory_space<vmem_shared>>)
        tpu.yield
      }) : () -> ()
    } else {
    }
    "tpu.region"() ({
      %run_scoped3A = tpu.sem_alloc : memref<!tpu.dma_semaphore, #tpu.memory_space<semaphore_mem>>
      tpu.enqueue_dma source(%arg5 : memref<40x32xf32, #tpu.memory_space<hbm>>) target(%arg10 : memref<40x32xf32, #tpu.memory_space<vmem>>) target_semaphore(%run_scoped3A : memref<!tpu.dma_semaphore, #tpu.memory_space<semaphore_mem>>)
      tpu.wait_dma2 semaphore(%run_scoped3A : memref<!tpu.dma_semaphore, #tpu.memory_space<semaphore_mem>>) src(%arg5 : memref<40x32xf32, #tpu.memory_space<hbm>>) dst(%arg10 : memref<40x32xf32, #tpu.memory_space<vmem>>)
      tpu.yield
    }) : () -> ()
    "tpu.region"() ({
      %run_scoped3A = tpu.sem_alloc : memref<!tpu.dma_semaphore, #tpu.memory_space<semaphore_mem>>
      %dma_start3A = arith.constant 0 : i32
      %dma_start3A_30 = arith.constant 0 : i32
      %dma_start3A_31 = tpu.memref_slice %arg3[%add3A, %dma_start3A, %dma_start3A_30] : memref<32x125x40xi32, #tpu.memory_space<hbm>> -> memref<1x125x40xi32, #tpu.memory_space<hbm>>
      %dma_start3A_32 = tpu.memref_squeeze %dma_start3A_31 : memref<1x125x40xi32, #tpu.memory_space<hbm>> -> memref<125x40xi32, #tpu.memory_space<hbm>>
      %dma_start3A_33 = arith.constant 0 : i32
      %dma_start3A_34 = arith.constant 0 : i32
      %dma_start3A_35 = tpu.memref_slice %arg3[%add3A, %dma_start3A_33, %dma_start3A_34] : memref<32x125x40xi32, #tpu.memory_space<hbm>> -> memref<1x125x40xi32, #tpu.memory_space<hbm>>
      %dma_start3A_36 = tpu.memref_squeeze %dma_start3A_35 : memref<1x125x40xi32, #tpu.memory_space<hbm>> -> memref<125x40xi32, #tpu.memory_space<hbm>>
      tpu.enqueue_dma source(%dma_start3A_36 : memref<125x40xi32, #tpu.memory_space<hbm>>) target(%arg8 : memref<125x40xi32, #tpu.memory_space<vmem>>) target_semaphore(%run_scoped3A : memref<!tpu.dma_semaphore, #tpu.memory_space<semaphore_mem>>)
      %dma_wait3A = arith.constant 0 : i32
      %dma_wait3A_37 = arith.constant 0 : i32
      %dma_wait3A_38 = tpu.memref_slice %arg3[%add3A, %dma_wait3A, %dma_wait3A_37] : memref<32x125x40xi32, #tpu.memory_space<hbm>> -> memref<1x125x40xi32, #tpu.memory_space<hbm>>
      %dma_wait3A_39 = tpu.memref_squeeze %dma_wait3A_38 : memref<1x125x40xi32, #tpu.memory_space<hbm>> -> memref<125x40xi32, #tpu.memory_space<hbm>>
      %dma_wait3A_40 = arith.constant 0 : i32
      %dma_wait3A_41 = arith.constant 0 : i32
      %dma_wait3A_42 = tpu.memref_slice %arg3[%add3A, %dma_wait3A_40, %dma_wait3A_41] : memref<32x125x40xi32, #tpu.memory_space<hbm>> -> memref<1x125x40xi32, #tpu.memory_space<hbm>>
      %dma_wait3A_43 = tpu.memref_squeeze %dma_wait3A_42 : memref<1x125x40xi32, #tpu.memory_space<hbm>> -> memref<125x40xi32, #tpu.memory_space<hbm>>
      tpu.wait_dma2 semaphore(%run_scoped3A : memref<!tpu.dma_semaphore, #tpu.memory_space<semaphore_mem>>) src(%dma_wait3A_43 : memref<125x40xi32, #tpu.memory_space<hbm>>) dst(%arg8 : memref<125x40xi32, #tpu.memory_space<vmem>>)
      tpu.yield
    }) : () -> ()
    %barrier3A = arith.constant 0 : index
    tpu.barrier barrier_id(%barrier3A)
    %scan3A = arith.constant 0 : i32
    %scan3A_11 = arith.constant 0 : i32
    %scan3A_12 = arith.constant 125 : i32
    %scan3A_13 = arith.addi %scan3A_11, %scan3A_12 : i32
    %scan3A_14 = arith.constant 1 : i32
    scf.for %scan3A_30 = %scan3A_11 to %scan3A_13 step %scan3A_14  : i32 {
      %mul3A_31 = arith.constant 5000 : i32
      %mul3A_32 = arith.muli %add3A, %mul3A_31 : i32
      %mul3A_33 = arith.constant 40 : i32
      %mul3A_34 = arith.muli %scan3A_30, %mul3A_33 : i32
      %add3A_35 = arith.addi %mul3A_32, %mul3A_34 : i32
      "tpu.region"() ({
        %run_scoped3A = tpu.sem_alloc : memref<!tpu.dma_semaphore, #tpu.memory_space<semaphore_mem>>
        %dma_start3A = arith.constant 0 : i32
        %dma_start3A_36 = tpu.memref_slice %arg2[%add3A_35, %dma_start3A] : memref<160000x32xf32, #tpu.memory_space<hbm>> -> memref<40x32xf32, #tpu.memory_space<hbm>>
        %dma_start3A_37 = arith.constant 0 : i32
        %dma_start3A_38 = tpu.memref_slice %arg2[%add3A_35, %dma_start3A_37] : memref<160000x32xf32, #tpu.memory_space<hbm>> -> memref<40x32xf32, #tpu.memory_space<hbm>>
        tpu.enqueue_dma source(%dma_start3A_38 : memref<40x32xf32, #tpu.memory_space<hbm>>) target(%arg9 : memref<40x32xf32, #tpu.memory_space<vmem>>) target_semaphore(%run_scoped3A : memref<!tpu.dma_semaphore, #tpu.memory_space<semaphore_mem>>)
        %dma_wait3A = arith.constant 0 : i32
        %dma_wait3A_39 = tpu.memref_slice %arg2[%add3A_35, %dma_wait3A] : memref<160000x32xf32, #tpu.memory_space<hbm>> -> memref<40x32xf32, #tpu.memory_space<hbm>>
        %dma_wait3A_40 = arith.constant 0 : i32
        %dma_wait3A_41 = tpu.memref_slice %arg2[%add3A_35, %dma_wait3A_40] : memref<160000x32xf32, #tpu.memory_space<hbm>> -> memref<40x32xf32, #tpu.memory_space<hbm>>
        tpu.wait_dma2 semaphore(%run_scoped3A : memref<!tpu.dma_semaphore, #tpu.memory_space<semaphore_mem>>) src(%dma_wait3A_41 : memref<40x32xf32, #tpu.memory_space<hbm>>) dst(%arg9 : memref<40x32xf32, #tpu.memory_space<vmem>>)
        tpu.yield
      }) : () -> ()
      "tpu.region"() ({
        %run_scoped3A = tpu.sem_alloc : memref<!tpu.dma_semaphore, #tpu.memory_space<semaphore_mem>>
        %dma_start3A = arith.constant 0 : i32
        %dma_start3A_36 = tpu.memref_slice %arg8[%scan3A_30, %dma_start3A] : memref<125x40xi32, #tpu.memory_space<vmem>> -> memref<1x40xi32, #tpu.memory_space<vmem>>
        %dma_start3A_37 = tpu.memref_squeeze %dma_start3A_36 : memref<1x40xi32, #tpu.memory_space<vmem>> -> memref<40xi32, #tpu.memory_space<vmem>>
        %dma_start3A_38 = arith.constant 0 : i32
        %dma_start3A_39 = arith.constant 0 : i32
        %dma_start3A_40 = tpu.memref_slice %arg11[%dma_start3A_38, %dma_start3A_39] : memref<10000x32xf32, #tpu.memory_space<vmem_shared>> -> memref<10000x32xf32, #tpu.memory_space<vmem_shared>>
        tpu.enqueue_indirect_dma source(%arg9 : memref<40x32xf32, #tpu.memory_space<vmem>>) target(%dma_start3A_40 : memref<10000x32xf32, #tpu.memory_space<vmem_shared>>) offsets(%dma_start3A_37 : memref<40xi32, #tpu.memory_space<vmem>>) semaphore(%run_scoped3A : memref<!tpu.dma_semaphore, #tpu.memory_space<semaphore_mem>>) {add = true}
        %dma_wait3A = arith.constant 0 : i32
        %dma_wait3A_41 = tpu.memref_slice %arg8[%scan3A_30, %dma_wait3A] : memref<125x40xi32, #tpu.memory_space<vmem>> -> memref<1x40xi32, #tpu.memory_space<vmem>>
        %dma_wait3A_42 = tpu.memref_squeeze %dma_wait3A_41 : memref<1x40xi32, #tpu.memory_space<vmem>> -> memref<40xi32, #tpu.memory_space<vmem>>
        %dma_wait3A_43 = arith.constant 0 : i32
        %dma_wait3A_44 = arith.constant 0 : i32
        %dma_wait3A_45 = tpu.memref_slice %arg11[%dma_wait3A_43, %dma_wait3A_44] : memref<10000x32xf32, #tpu.memory_space<vmem_shared>> -> memref<10000x32xf32, #tpu.memory_space<vmem_shared>>
        tpu.wait_indirect_dma semaphore(%run_scoped3A : memref<!tpu.dma_semaphore, #tpu.memory_space<semaphore_mem>>) src(%arg9 : memref<40x32xf32, #tpu.memory_space<vmem>>) dst(%dma_wait3A_45 : memref<10000x32xf32, #tpu.memory_space<vmem_shared>>)
        tpu.yield
      }) : () -> ()
      "tpu.region"() ({
        %run_scoped3A = tpu.sem_alloc : memref<!tpu.dma_semaphore, #tpu.memory_space<semaphore_mem>>
        %dma_start3A = arith.constant 0 : i32
        %dma_start3A_36 = tpu.memref_slice %arg8[%scan3A_30, %dma_start3A] : memref<125x40xi32, #tpu.memory_space<vmem>> -> memref<1x40xi32, #tpu.memory_space<vmem>>
        %dma_start3A_37 = tpu.memref_squeeze %dma_start3A_36 : memref<1x40xi32, #tpu.memory_space<vmem>> -> memref<40xi32, #tpu.memory_space<vmem>>
        %dma_start3A_38 = arith.constant 0 : i32
        %dma_start3A_39 = arith.constant 0 : i32
        %dma_start3A_40 = tpu.memref_slice %arg12[%dma_start3A_38, %dma_start3A_39] : memref<10000x32xf32, #tpu.memory_space<vmem_shared>> -> memref<10000x32xf32, #tpu.memory_space<vmem_shared>>
        tpu.enqueue_indirect_dma source(%arg10 : memref<40x32xf32, #tpu.memory_space<vmem>>) target(%dma_start3A_40 : memref<10000x32xf32, #tpu.memory_space<vmem_shared>>) offsets(%dma_start3A_37 : memref<40xi32, #tpu.memory_space<vmem>>) semaphore(%run_scoped3A : memref<!tpu.dma_semaphore, #tpu.memory_space<semaphore_mem>>) {add = true}
        %dma_wait3A = arith.constant 0 : i32
        %dma_wait3A_41 = tpu.memref_slice %arg8[%scan3A_30, %dma_wait3A] : memref<125x40xi32, #tpu.memory_space<vmem>> -> memref<1x40xi32, #tpu.memory_space<vmem>>
        %dma_wait3A_42 = tpu.memref_squeeze %dma_wait3A_41 : memref<1x40xi32, #tpu.memory_space<vmem>> -> memref<40xi32, #tpu.memory_space<vmem>>
        %dma_wait3A_43 = arith.constant 0 : i32
        %dma_wait3A_44 = arith.constant 0 : i32
        %dma_wait3A_45 = tpu.memref_slice %arg12[%dma_wait3A_43, %dma_wait3A_44] : memref<10000x32xf32, #tpu.memory_space<vmem_shared>> -> memref<10000x32xf32, #tpu.memory_space<vmem_shared>>
        tpu.wait_indirect_dma semaphore(%run_scoped3A : memref<!tpu.dma_semaphore, #tpu.memory_space<semaphore_mem>>) src(%arg10 : memref<40x32xf32, #tpu.memory_space<vmem>>) dst(%dma_wait3A_45 : memref<10000x32xf32, #tpu.memory_space<vmem_shared>>)
        tpu.yield
      }) : () -> ()
    }
    %scan3A_15 = arith.constant 125 : i32
    %barrier3A_16 = arith.constant 0 : index
    tpu.barrier barrier_id(%barrier3A_16)
    %mul3A_17 = arith.constant 624 : i32
    %mul3A_18 = arith.muli %arg1, %mul3A_17 : i32
    %mul3A_19 = arith.constant 624 : i32
    %mul3A_20 = arith.muli %arg1, %mul3A_19 : i32
    "tpu.region"() ({
      %run_scoped3A = tpu.sem_alloc : memref<!tpu.dma_semaphore, #tpu.memory_space<semaphore_mem>>
      %dma_start3A = arith.constant 0 : i32
      %dma_start3A_30 = tpu.memref_slice %arg6[%arg0, %mul3A_20, %dma_start3A] : memref<2x10000x32xf32, #tpu.memory_space<hbm>> -> memref<1x624x32xf32, #tpu.memory_space<hbm>>
      %dma_start3A_31 = tpu.memref_squeeze %dma_start3A_30 : memref<1x624x32xf32, #tpu.memory_space<hbm>> -> memref<624x32xf32, #tpu.memory_space<hbm>>
      %dma_start3A_32 = arith.constant 0 : i32
      %dma_start3A_33 = tpu.memref_slice %arg11[%mul3A_18, %dma_start3A_32] : memref<10000x32xf32, #tpu.memory_space<vmem_shared>> -> memref<624x32xf32, #tpu.memory_space<vmem_shared>>
      tpu.enqueue_dma source(%dma_start3A_33 : memref<624x32xf32, #tpu.memory_space<vmem_shared>>) target(%dma_start3A_31 : memref<624x32xf32, #tpu.memory_space<hbm>>) target_semaphore(%run_scoped3A : memref<!tpu.dma_semaphore, #tpu.memory_space<semaphore_mem>>)
      %dma_wait3A = arith.constant 0 : i32
      %dma_wait3A_34 = tpu.memref_slice %arg6[%arg0, %mul3A_20, %dma_wait3A] : memref<2x10000x32xf32, #tpu.memory_space<hbm>> -> memref<1x624x32xf32, #tpu.memory_space<hbm>>
      %dma_wait3A_35 = tpu.memref_squeeze %dma_wait3A_34 : memref<1x624x32xf32, #tpu.memory_space<hbm>> -> memref<624x32xf32, #tpu.memory_space<hbm>>
      %dma_wait3A_36 = arith.constant 0 : i32
      %dma_wait3A_37 = tpu.memref_slice %arg11[%mul3A_18, %dma_wait3A_36] : memref<10000x32xf32, #tpu.memory_space<vmem_shared>> -> memref<624x32xf32, #tpu.memory_space<vmem_shared>>
      tpu.wait_dma2 semaphore(%run_scoped3A : memref<!tpu.dma_semaphore, #tpu.memory_space<semaphore_mem>>) src(%dma_wait3A_37 : memref<624x32xf32, #tpu.memory_space<vmem_shared>>) dst(%dma_wait3A_35 : memref<624x32xf32, #tpu.memory_space<hbm>>)
      tpu.yield
    }) : () -> ()
    %mul3A_21 = arith.constant 624 : i32
    %mul3A_22 = arith.muli %arg1, %mul3A_21 : i32
    %mul3A_23 = arith.constant 624 : i32
    %mul3A_24 = arith.muli %arg1, %mul3A_23 : i32
    "tpu.region"() ({
      %run_scoped3A = tpu.sem_alloc : memref<!tpu.dma_semaphore, #tpu.memory_space<semaphore_mem>>
      %dma_start3A = arith.constant 0 : i32
      %dma_start3A_30 = tpu.memref_slice %arg7[%arg0, %mul3A_24, %dma_start3A] : memref<2x10000x32xf32, #tpu.memory_space<hbm>> -> memref<1x624x32xf32, #tpu.memory_space<hbm>>
      %dma_start3A_31 = tpu.memref_squeeze %dma_start3A_30 : memref<1x624x32xf32, #tpu.memory_space<hbm>> -> memref<624x32xf32, #tpu.memory_space<hbm>>
      %dma_start3A_32 = arith.constant 0 : i32
      %dma_start3A_33 = tpu.memref_slice %arg12[%mul3A_22, %dma_start3A_32] : memref<10000x32xf32, #tpu.memory_space<vmem_shared>> -> memref<624x32xf32, #tpu.memory_space<vmem_shared>>
      tpu.enqueue_dma source(%dma_start3A_33 : memref<624x32xf32, #tpu.memory_space<vmem_shared>>) target(%dma_start3A_31 : memref<624x32xf32, #tpu.memory_space<hbm>>) target_semaphore(%run_scoped3A : memref<!tpu.dma_semaphore, #tpu.memory_space<semaphore_mem>>)
      %dma_wait3A = arith.constant 0 : i32
      %dma_wait3A_34 = tpu.memref_slice %arg7[%arg0, %mul3A_24, %dma_wait3A] : memref<2x10000x32xf32, #tpu.memory_space<hbm>> -> memref<1x624x32xf32, #tpu.memory_space<hbm>>
      %dma_wait3A_35 = tpu.memref_squeeze %dma_wait3A_34 : memref<1x624x32xf32, #tpu.memory_space<hbm>> -> memref<624x32xf32, #tpu.memory_space<hbm>>
      %dma_wait3A_36 = arith.constant 0 : i32
      %dma_wait3A_37 = tpu.memref_slice %arg12[%mul3A_22, %dma_wait3A_36] : memref<10000x32xf32, #tpu.memory_space<vmem_shared>> -> memref<624x32xf32, #tpu.memory_space<vmem_shared>>
      tpu.wait_dma2 semaphore(%run_scoped3A : memref<!tpu.dma_semaphore, #tpu.memory_space<semaphore_mem>>) src(%dma_wait3A_37 : memref<624x32xf32, #tpu.memory_space<vmem_shared>>) dst(%dma_wait3A_35 : memref<624x32xf32, #tpu.memory_space<hbm>>)
      tpu.yield
    }) : () -> ()
    %eq3A_25 = arith.constant 0 : i32
    %eq3A_26 = arith.cmpi eq, %arg1, %eq3A_25 : i32
    %convert_element_type3A_27 = arith.extui %eq3A_26 : i1 to i32
    %cond3A_28 = arith.constant 0 : i32
    %cond3A_29 = arith.cmpi ne, %convert_element_type3A_27, %cond3A_28 : i32
    scf.if %cond3A_29 {
      "tpu.region"() ({
        %run_scoped3A = tpu.sem_alloc : memref<!tpu.dma_semaphore, #tpu.memory_space<semaphore_mem>>
        %dma_start3A = arith.constant 9984 : i32
        %dma_start3A_30 = arith.constant 0 : i32
        %dma_start3A_31 = tpu.memref_slice %arg6[%arg0, %dma_start3A, %dma_start3A_30] : memref<2x10000x32xf32, #tpu.memory_space<hbm>> -> memref<1x16x32xf32, #tpu.memory_space<hbm>>
        %dma_start3A_32 = tpu.memref_squeeze %dma_start3A_31 : memref<1x16x32xf32, #tpu.memory_space<hbm>> -> memref<16x32xf32, #tpu.memory_space<hbm>>
        %dma_start3A_33 = arith.constant 9984 : i32
        %dma_start3A_34 = arith.constant 0 : i32
        %dma_start3A_35 = tpu.memref_slice %arg11[%dma_start3A_33, %dma_start3A_34] : memref<10000x32xf32, #tpu.memory_space<vmem_shared>> -> memref<16x32xf32, #tpu.memory_space<vmem_shared>>
        tpu.enqueue_dma source(%dma_start3A_35 : memref<16x32xf32, #tpu.memory_space<vmem_shared>>) target(%dma_start3A_32 : memref<16x32xf32, #tpu.memory_space<hbm>>) target_semaphore(%run_scoped3A : memref<!tpu.dma_semaphore, #tpu.memory_space<semaphore_mem>>)
        %dma_wait3A = arith.constant 9984 : i32
        %dma_wait3A_36 = arith.constant 0 : i32
        %dma_wait3A_37 = tpu.memref_slice %arg6[%arg0, %dma_wait3A, %dma_wait3A_36] : memref<2x10000x32xf32, #tpu.memory_space<hbm>> -> memref<1x16x32xf32, #tpu.memory_space<hbm>>
        %dma_wait3A_38 = tpu.memref_squeeze %dma_wait3A_37 : memref<1x16x32xf32, #tpu.memory_space<hbm>> -> memref<16x32xf32, #tpu.memory_space<hbm>>
        %dma_wait3A_39 = arith.constant 9984 : i32
        %dma_wait3A_40 = arith.constant 0 : i32
        %dma_wait3A_41 = tpu.memref_slice %arg11[%dma_wait3A_39, %dma_wait3A_40] : memref<10000x32xf32, #tpu.memory_space<vmem_shared>> -> memref<16x32xf32, #tpu.memory_space<vmem_shared>>
        tpu.wait_dma2 semaphore(%run_scoped3A : memref<!tpu.dma_semaphore, #tpu.memory_space<semaphore_mem>>) src(%dma_wait3A_41 : memref<16x32xf32, #tpu.memory_space<vmem_shared>>) dst(%dma_wait3A_38 : memref<16x32xf32, #tpu.memory_space<hbm>>)
        tpu.yield
      }) : () -> ()
      "tpu.region"() ({
        %run_scoped3A = tpu.sem_alloc : memref<!tpu.dma_semaphore, #tpu.memory_space<semaphore_mem>>
        %dma_start3A = arith.constant 9984 : i32
        %dma_start3A_30 = arith.constant 0 : i32
        %dma_start3A_31 = tpu.memref_slice %arg7[%arg0, %dma_start3A, %dma_start3A_30] : memref<2x10000x32xf32, #tpu.memory_space<hbm>> -> memref<1x16x32xf32, #tpu.memory_space<hbm>>
        %dma_start3A_32 = tpu.memref_squeeze %dma_start3A_31 : memref<1x16x32xf32, #tpu.memory_space<hbm>> -> memref<16x32xf32, #tpu.memory_space<hbm>>
        %dma_start3A_33 = arith.constant 9984 : i32
        %dma_start3A_34 = arith.constant 0 : i32
        %dma_start3A_35 = tpu.memref_slice %arg12[%dma_start3A_33, %dma_start3A_34] : memref<10000x32xf32, #tpu.memory_space<vmem_shared>> -> memref<16x32xf32, #tpu.memory_space<vmem_shared>>
        tpu.enqueue_dma source(%dma_start3A_35 : memref<16x32xf32, #tpu.memory_space<vmem_shared>>) target(%dma_start3A_32 : memref<16x32xf32, #tpu.memory_space<hbm>>) target_semaphore(%run_scoped3A : memref<!tpu.dma_semaphore, #tpu.memory_space<semaphore_mem>>)
        %dma_wait3A = arith.constant 9984 : i32
        %dma_wait3A_36 = arith.constant 0 : i32
        %dma_wait3A_37 = tpu.memref_slice %arg7[%arg0, %dma_wait3A, %dma_wait3A_36] : memref<2x10000x32xf32, #tpu.memory_space<hbm>> -> memref<1x16x32xf32, #tpu.memory_space<hbm>>
        %dma_wait3A_38 = tpu.memref_squeeze %dma_wait3A_37 : memref<1x16x32xf32, #tpu.memory_space<hbm>> -> memref<16x32xf32, #tpu.memory_space<hbm>>
        %dma_wait3A_39 = arith.constant 9984 : i32
        %dma_wait3A_40 = arith.constant 0 : i32
        %dma_wait3A_41 = tpu.memref_slice %arg12[%dma_wait3A_39, %dma_wait3A_40] : memref<10000x32xf32, #tpu.memory_space<vmem_shared>> -> memref<16x32xf32, #tpu.memory_space<vmem_shared>>
        tpu.wait_dma2 semaphore(%run_scoped3A : memref<!tpu.dma_semaphore, #tpu.memory_space<semaphore_mem>>) src(%dma_wait3A_41 : memref<16x32xf32, #tpu.memory_space<vmem_shared>>) dst(%dma_wait3A_38 : memref<16x32xf32, #tpu.memory_space<hbm>>)
        tpu.yield
      }) : () -> ()
    } else {
    }
    return
  }
}

#map = affine_map<(d0, d1) -> (0, 0)>
#map1 = affine_map<(d0, d1) -> (0, 0, 0)>
module attributes {stable_mosaic.version = 14 : i64} {
  func.func @k(%arg0: i32, %arg1: i32, %arg2: memref<10000x32xf32, #tpu.memory_space<hbm>>, %arg3: memref<32x125x40xi32, #tpu.memory_space<hbm>>, %arg4: memref<160000x32xf32, #tpu.memory_space<hbm>>, %arg5: memref<125x40xi32, #tpu.memory_space<vmem>>, %arg6: memref<40x32xf32, #tpu.memory_space<vmem>>, %arg7: memref<40x32xf32, #tpu.memory_space<vmem>>, %arg8: memref<40x32xf32, #tpu.memory_space<vmem>>, %arg9: memref<40x32xf32, #tpu.memory_space<vmem>>, %arg10: memref<40x32xf32, #tpu.memory_space<vmem>>, %arg11: memref<10000x32xf32, #tpu.memory_space<vmem_shared>>, %arg12: memref<!tpu.dma_semaphore, #tpu.memory_space<semaphore_mem>>, %arg13: memref<!tpu.dma_semaphore, #tpu.memory_space<semaphore_mem>>, %arg14: memref<!tpu.dma_semaphore, #tpu.memory_space<semaphore_mem>>, %arg15: memref<!tpu.dma_semaphore, #tpu.memory_space<semaphore_mem>>, %arg16: memref<!tpu.dma_semaphore, #tpu.memory_space<semaphore_mem>>, %arg17: memref<!tpu.dma_semaphore, #tpu.memory_space<semaphore_mem>>) attributes {dimension_semantics = [#tpu.dimension_semantics<core_parallel>, #tpu.dimension_semantics<subcore_parallel>], iteration_bounds = array<i64: 2, 16>, scalar_prefetch = 0 : i64, scratch_operands = 13 : i64, tpu.core_type = #tpu.core_type<sc_vector_subcore>, window_params = [{transform_indices = #map}, {transform_indices = #map1}, {transform_indices = #map}]} {
    %mul3A = arith.constant 2 : i32
    %mul3A_0 = arith.muli %arg1, %mul3A : i32
    %add3A = arith.addi %mul3A_0, %arg0 : i32
    %mul3A_1 = arith.constant 624 : i32
    %mul3A_2 = arith.muli %arg1, %mul3A_1 : i32
    %mul3A_3 = arith.constant 624 : i32
    %mul3A_4 = arith.muli %arg1, %mul3A_3 : i32
    "tpu.region"() ({
      %run_scoped3A = tpu.sem_alloc : memref<!tpu.dma_semaphore, #tpu.memory_space<semaphore_mem>>
      %dma_start3A = arith.constant 0 : i32
      %dma_start3A_12 = tpu.memref_slice %arg11[%mul3A_4, %dma_start3A] : memref<10000x32xf32, #tpu.memory_space<vmem_shared>> -> memref<624x32xf32, #tpu.memory_space<vmem_shared>>
      %dma_start3A_13 = arith.constant 0 : i32
      %dma_start3A_14 = tpu.memref_slice %arg2[%mul3A_2, %dma_start3A_13] : memref<10000x32xf32, #tpu.memory_space<hbm>> -> memref<624x32xf32, #tpu.memory_space<hbm>>
      tpu.enqueue_dma source(%dma_start3A_14 : memref<624x32xf32, #tpu.memory_space<hbm>>) target(%dma_start3A_12 : memref<624x32xf32, #tpu.memory_space<vmem_shared>>) target_semaphore(%run_scoped3A : memref<!tpu.dma_semaphore, #tpu.memory_space<semaphore_mem>>)
      %dma_wait3A = arith.constant 0 : i32
      %dma_wait3A_15 = tpu.memref_slice %arg11[%mul3A_4, %dma_wait3A] : memref<10000x32xf32, #tpu.memory_space<vmem_shared>> -> memref<624x32xf32, #tpu.memory_space<vmem_shared>>
      %dma_wait3A_16 = arith.constant 0 : i32
      %dma_wait3A_17 = tpu.memref_slice %arg2[%mul3A_2, %dma_wait3A_16] : memref<10000x32xf32, #tpu.memory_space<hbm>> -> memref<624x32xf32, #tpu.memory_space<hbm>>
      tpu.wait_dma2 semaphore(%run_scoped3A : memref<!tpu.dma_semaphore, #tpu.memory_space<semaphore_mem>>) src(%dma_wait3A_17 : memref<624x32xf32, #tpu.memory_space<hbm>>) dst(%dma_wait3A_15 : memref<624x32xf32, #tpu.memory_space<vmem_shared>>)
      tpu.yield
    }) : () -> ()
    %eq3A = arith.constant 0 : i32
    %eq3A_5 = arith.cmpi eq, %arg1, %eq3A : i32
    %convert_element_type3A = arith.extui %eq3A_5 : i1 to i32
    %cond3A = arith.constant 0 : i32
    %cond3A_6 = arith.cmpi ne, %convert_element_type3A, %cond3A : i32
    scf.if %cond3A_6 {
      "tpu.region"() ({
        %run_scoped3A = tpu.sem_alloc : memref<!tpu.dma_semaphore, #tpu.memory_space<semaphore_mem>>
        %dma_start3A = arith.constant 9984 : i32
        %dma_start3A_12 = arith.constant 0 : i32
        %dma_start3A_13 = tpu.memref_slice %arg11[%dma_start3A, %dma_start3A_12] : memref<10000x32xf32, #tpu.memory_space<vmem_shared>> -> memref<16x32xf32, #tpu.memory_space<vmem_shared>>
        %dma_start3A_14 = arith.constant 9984 : i32
        %dma_start3A_15 = arith.constant 0 : i32
        %dma_start3A_16 = tpu.memref_slice %arg2[%dma_start3A_14, %dma_start3A_15] : memref<10000x32xf32, #tpu.memory_space<hbm>> -> memref<16x32xf32, #tpu.memory_space<hbm>>
        tpu.enqueue_dma source(%dma_start3A_16 : memref<16x32xf32, #tpu.memory_space<hbm>>) target(%dma_start3A_13 : memref<16x32xf32, #tpu.memory_space<vmem_shared>>) target_semaphore(%run_scoped3A : memref<!tpu.dma_semaphore, #tpu.memory_space<semaphore_mem>>)
        %dma_wait3A = arith.constant 9984 : i32
        %dma_wait3A_17 = arith.constant 0 : i32
        %dma_wait3A_18 = tpu.memref_slice %arg11[%dma_wait3A, %dma_wait3A_17] : memref<10000x32xf32, #tpu.memory_space<vmem_shared>> -> memref<16x32xf32, #tpu.memory_space<vmem_shared>>
        %dma_wait3A_19 = arith.constant 9984 : i32
        %dma_wait3A_20 = arith.constant 0 : i32
        %dma_wait3A_21 = tpu.memref_slice %arg2[%dma_wait3A_19, %dma_wait3A_20] : memref<10000x32xf32, #tpu.memory_space<hbm>> -> memref<16x32xf32, #tpu.memory_space<hbm>>
        tpu.wait_dma2 semaphore(%run_scoped3A : memref<!tpu.dma_semaphore, #tpu.memory_space<semaphore_mem>>) src(%dma_wait3A_21 : memref<16x32xf32, #tpu.memory_space<hbm>>) dst(%dma_wait3A_18 : memref<16x32xf32, #tpu.memory_space<vmem_shared>>)
        tpu.yield
      }) : () -> ()
    } else {
    }
    "tpu.region"() ({
      %run_scoped3A = tpu.sem_alloc : memref<!tpu.dma_semaphore, #tpu.memory_space<semaphore_mem>>
      %dma_start3A = arith.constant 0 : i32
      %dma_start3A_12 = arith.constant 0 : i32
      %dma_start3A_13 = tpu.memref_slice %arg3[%add3A, %dma_start3A, %dma_start3A_12] : memref<32x125x40xi32, #tpu.memory_space<hbm>> -> memref<1x125x40xi32, #tpu.memory_space<hbm>>
      %dma_start3A_14 = tpu.memref_squeeze %dma_start3A_13 : memref<1x125x40xi32, #tpu.memory_space<hbm>> -> memref<125x40xi32, #tpu.memory_space<hbm>>
      %dma_start3A_15 = arith.constant 0 : i32
      %dma_start3A_16 = arith.constant 0 : i32
      %dma_start3A_17 = tpu.memref_slice %arg3[%add3A, %dma_start3A_15, %dma_start3A_16] : memref<32x125x40xi32, #tpu.memory_space<hbm>> -> memref<1x125x40xi32, #tpu.memory_space<hbm>>
      %dma_start3A_18 = tpu.memref_squeeze %dma_start3A_17 : memref<1x125x40xi32, #tpu.memory_space<hbm>> -> memref<125x40xi32, #tpu.memory_space<hbm>>
      tpu.enqueue_dma source(%dma_start3A_18 : memref<125x40xi32, #tpu.memory_space<hbm>>) target(%arg5 : memref<125x40xi32, #tpu.memory_space<vmem>>) target_semaphore(%run_scoped3A : memref<!tpu.dma_semaphore, #tpu.memory_space<semaphore_mem>>)
      %dma_wait3A = arith.constant 0 : i32
      %dma_wait3A_19 = arith.constant 0 : i32
      %dma_wait3A_20 = tpu.memref_slice %arg3[%add3A, %dma_wait3A, %dma_wait3A_19] : memref<32x125x40xi32, #tpu.memory_space<hbm>> -> memref<1x125x40xi32, #tpu.memory_space<hbm>>
      %dma_wait3A_21 = tpu.memref_squeeze %dma_wait3A_20 : memref<1x125x40xi32, #tpu.memory_space<hbm>> -> memref<125x40xi32, #tpu.memory_space<hbm>>
      %dma_wait3A_22 = arith.constant 0 : i32
      %dma_wait3A_23 = arith.constant 0 : i32
      %dma_wait3A_24 = tpu.memref_slice %arg3[%add3A, %dma_wait3A_22, %dma_wait3A_23] : memref<32x125x40xi32, #tpu.memory_space<hbm>> -> memref<1x125x40xi32, #tpu.memory_space<hbm>>
      %dma_wait3A_25 = tpu.memref_squeeze %dma_wait3A_24 : memref<1x125x40xi32, #tpu.memory_space<hbm>> -> memref<125x40xi32, #tpu.memory_space<hbm>>
      tpu.wait_dma2 semaphore(%run_scoped3A : memref<!tpu.dma_semaphore, #tpu.memory_space<semaphore_mem>>) src(%dma_wait3A_25 : memref<125x40xi32, #tpu.memory_space<hbm>>) dst(%arg5 : memref<125x40xi32, #tpu.memory_space<vmem>>)
      tpu.yield
    }) : () -> ()
    %barrier3A = arith.constant 0 : index
    tpu.barrier barrier_id(%barrier3A)
    %scan3A = arith.constant 0 : i32
    %scan3A_7 = arith.constant 0 : i32
    %scan3A_8 = arith.constant 25 : i32
    %scan3A_9 = arith.addi %scan3A_7, %scan3A_8 : i32
    %scan3A_10 = arith.constant 1 : i32
    scf.for %scan3A_12 = %scan3A_7 to %scan3A_9 step %scan3A_10  : i32 {
      %mul3A_13 = arith.constant 5 : i32
      %mul3A_14 = arith.muli %scan3A_12, %mul3A_13 : i32
      %add3A_15 = arith.constant 0 : i32
      %add3A_16 = arith.addi %mul3A_14, %add3A_15 : i32
      %dma_start3A = arith.constant 0 : i32
      %dma_start3A_17 = tpu.memref_slice %arg5[%add3A_16, %dma_start3A] : memref<125x40xi32, #tpu.memory_space<vmem>> -> memref<1x40xi32, #tpu.memory_space<vmem>>
      %dma_start3A_18 = tpu.memref_squeeze %dma_start3A_17 : memref<1x40xi32, #tpu.memory_space<vmem>> -> memref<40xi32, #tpu.memory_space<vmem>>
      %dma_start3A_19 = arith.constant 0 : i32
      %dma_start3A_20 = arith.constant 0 : i32
      %dma_start3A_21 = tpu.memref_slice %arg11[%dma_start3A_19, %dma_start3A_20] : memref<10000x32xf32, #tpu.memory_space<vmem_shared>> -> memref<10000x32xf32, #tpu.memory_space<vmem_shared>>
      tpu.enqueue_indirect_dma source(%dma_start3A_21 : memref<10000x32xf32, #tpu.memory_space<vmem_shared>>) target(%arg6 : memref<40x32xf32, #tpu.memory_space<vmem>>) offsets(%dma_start3A_18 : memref<40xi32, #tpu.memory_space<vmem>>) semaphore(%arg12 : memref<!tpu.dma_semaphore, #tpu.memory_space<semaphore_mem>>)
      %mul3A_22 = arith.constant 5 : i32
      %mul3A_23 = arith.muli %scan3A_12, %mul3A_22 : i32
      %add3A_24 = arith.constant 1 : i32
      %add3A_25 = arith.addi %mul3A_23, %add3A_24 : i32
      %dma_start3A_26 = arith.constant 0 : i32
      %dma_start3A_27 = tpu.memref_slice %arg5[%add3A_25, %dma_start3A_26] : memref<125x40xi32, #tpu.memory_space<vmem>> -> memref<1x40xi32, #tpu.memory_space<vmem>>
      %dma_start3A_28 = tpu.memref_squeeze %dma_start3A_27 : memref<1x40xi32, #tpu.memory_space<vmem>> -> memref<40xi32, #tpu.memory_space<vmem>>
      %dma_start3A_29 = arith.constant 0 : i32
      %dma_start3A_30 = arith.constant 0 : i32
      %dma_start3A_31 = tpu.memref_slice %arg11[%dma_start3A_29, %dma_start3A_30] : memref<10000x32xf32, #tpu.memory_space<vmem_shared>> -> memref<10000x32xf32, #tpu.memory_space<vmem_shared>>
      tpu.enqueue_indirect_dma source(%dma_start3A_31 : memref<10000x32xf32, #tpu.memory_space<vmem_shared>>) target(%arg7 : memref<40x32xf32, #tpu.memory_space<vmem>>) offsets(%dma_start3A_28 : memref<40xi32, #tpu.memory_space<vmem>>) semaphore(%arg13 : memref<!tpu.dma_semaphore, #tpu.memory_space<semaphore_mem>>)
      %mul3A_32 = arith.constant 5 : i32
      %mul3A_33 = arith.muli %scan3A_12, %mul3A_32 : i32
      %add3A_34 = arith.constant 2 : i32
      %add3A_35 = arith.addi %mul3A_33, %add3A_34 : i32
      %dma_start3A_36 = arith.constant 0 : i32
      %dma_start3A_37 = tpu.memref_slice %arg5[%add3A_35, %dma_start3A_36] : memref<125x40xi32, #tpu.memory_space<vmem>> -> memref<1x40xi32, #tpu.memory_space<vmem>>
      %dma_start3A_38 = tpu.memref_squeeze %dma_start3A_37 : memref<1x40xi32, #tpu.memory_space<vmem>> -> memref<40xi32, #tpu.memory_space<vmem>>
      %dma_start3A_39 = arith.constant 0 : i32
      %dma_start3A_40 = arith.constant 0 : i32
      %dma_start3A_41 = tpu.memref_slice %arg11[%dma_start3A_39, %dma_start3A_40] : memref<10000x32xf32, #tpu.memory_space<vmem_shared>> -> memref<10000x32xf32, #tpu.memory_space<vmem_shared>>
      tpu.enqueue_indirect_dma source(%dma_start3A_41 : memref<10000x32xf32, #tpu.memory_space<vmem_shared>>) target(%arg8 : memref<40x32xf32, #tpu.memory_space<vmem>>) offsets(%dma_start3A_38 : memref<40xi32, #tpu.memory_space<vmem>>) semaphore(%arg14 : memref<!tpu.dma_semaphore, #tpu.memory_space<semaphore_mem>>)
      %mul3A_42 = arith.constant 5 : i32
      %mul3A_43 = arith.muli %scan3A_12, %mul3A_42 : i32
      %add3A_44 = arith.constant 3 : i32
      %add3A_45 = arith.addi %mul3A_43, %add3A_44 : i32
      %dma_start3A_46 = arith.constant 0 : i32
      %dma_start3A_47 = tpu.memref_slice %arg5[%add3A_45, %dma_start3A_46] : memref<125x40xi32, #tpu.memory_space<vmem>> -> memref<1x40xi32, #tpu.memory_space<vmem>>
      %dma_start3A_48 = tpu.memref_squeeze %dma_start3A_47 : memref<1x40xi32, #tpu.memory_space<vmem>> -> memref<40xi32, #tpu.memory_space<vmem>>
      %dma_start3A_49 = arith.constant 0 : i32
      %dma_start3A_50 = arith.constant 0 : i32
      %dma_start3A_51 = tpu.memref_slice %arg11[%dma_start3A_49, %dma_start3A_50] : memref<10000x32xf32, #tpu.memory_space<vmem_shared>> -> memref<10000x32xf32, #tpu.memory_space<vmem_shared>>
      tpu.enqueue_indirect_dma source(%dma_start3A_51 : memref<10000x32xf32, #tpu.memory_space<vmem_shared>>) target(%arg9 : memref<40x32xf32, #tpu.memory_space<vmem>>) offsets(%dma_start3A_48 : memref<40xi32, #tpu.memory_space<vmem>>) semaphore(%arg15 : memref<!tpu.dma_semaphore, #tpu.memory_space<semaphore_mem>>)
      %mul3A_52 = arith.constant 5 : i32
      %mul3A_53 = arith.muli %scan3A_12, %mul3A_52 : i32
      %add3A_54 = arith.constant 4 : i32
      %add3A_55 = arith.addi %mul3A_53, %add3A_54 : i32
      %dma_start3A_56 = arith.constant 0 : i32
      %dma_start3A_57 = tpu.memref_slice %arg5[%add3A_55, %dma_start3A_56] : memref<125x40xi32, #tpu.memory_space<vmem>> -> memref<1x40xi32, #tpu.memory_space<vmem>>
      %dma_start3A_58 = tpu.memref_squeeze %dma_start3A_57 : memref<1x40xi32, #tpu.memory_space<vmem>> -> memref<40xi32, #tpu.memory_space<vmem>>
      %dma_start3A_59 = arith.constant 0 : i32
      %dma_start3A_60 = arith.constant 0 : i32
      %dma_start3A_61 = tpu.memref_slice %arg11[%dma_start3A_59, %dma_start3A_60] : memref<10000x32xf32, #tpu.memory_space<vmem_shared>> -> memref<10000x32xf32, #tpu.memory_space<vmem_shared>>
      tpu.enqueue_indirect_dma source(%dma_start3A_61 : memref<10000x32xf32, #tpu.memory_space<vmem_shared>>) target(%arg10 : memref<40x32xf32, #tpu.memory_space<vmem>>) offsets(%dma_start3A_58 : memref<40xi32, #tpu.memory_space<vmem>>) semaphore(%arg16 : memref<!tpu.dma_semaphore, #tpu.memory_space<semaphore_mem>>)
      %dma_wait3A = arith.constant 0 : i32
      %dma_wait3A_62 = tpu.memref_slice %arg5[%add3A_16, %dma_wait3A] : memref<125x40xi32, #tpu.memory_space<vmem>> -> memref<1x40xi32, #tpu.memory_space<vmem>>
      %dma_wait3A_63 = tpu.memref_squeeze %dma_wait3A_62 : memref<1x40xi32, #tpu.memory_space<vmem>> -> memref<40xi32, #tpu.memory_space<vmem>>
      %dma_wait3A_64 = arith.constant 0 : i32
      %dma_wait3A_65 = arith.constant 0 : i32
      %dma_wait3A_66 = tpu.memref_slice %arg11[%dma_wait3A_64, %dma_wait3A_65] : memref<10000x32xf32, #tpu.memory_space<vmem_shared>> -> memref<10000x32xf32, #tpu.memory_space<vmem_shared>>
      tpu.wait_indirect_dma semaphore(%arg12 : memref<!tpu.dma_semaphore, #tpu.memory_space<semaphore_mem>>) src(%dma_wait3A_66 : memref<10000x32xf32, #tpu.memory_space<vmem_shared>>) dst(%arg6 : memref<40x32xf32, #tpu.memory_space<vmem>>)
      %mul3A_67 = arith.constant 5000 : i32
      %mul3A_68 = arith.muli %add3A, %mul3A_67 : i32
      %mul3A_69 = arith.constant 5 : i32
      %mul3A_70 = arith.muli %scan3A_12, %mul3A_69 : i32
      %add3A_71 = arith.constant 0 : i32
      %add3A_72 = arith.addi %mul3A_70, %add3A_71 : i32
      %mul3A_73 = arith.constant 40 : i32
      %mul3A_74 = arith.muli %add3A_72, %mul3A_73 : i32
      %add3A_75 = arith.addi %mul3A_68, %mul3A_74 : i32
      "tpu.region"() ({
        %run_scoped3A = tpu.sem_alloc : memref<!tpu.dma_semaphore, #tpu.memory_space<semaphore_mem>>
        %dma_start3A_136 = arith.constant 0 : i32
        %dma_start3A_137 = tpu.memref_slice %arg4[%add3A_75, %dma_start3A_136] : memref<160000x32xf32, #tpu.memory_space<hbm>> -> memref<40x32xf32, #tpu.memory_space<hbm>>
        %dma_start3A_138 = arith.constant 0 : i32
        %dma_start3A_139 = tpu.memref_slice %arg4[%add3A_75, %dma_start3A_138] : memref<160000x32xf32, #tpu.memory_space<hbm>> -> memref<40x32xf32, #tpu.memory_space<hbm>>
        tpu.enqueue_dma source(%arg6 : memref<40x32xf32, #tpu.memory_space<vmem>>) target(%dma_start3A_139 : memref<40x32xf32, #tpu.memory_space<hbm>>) target_semaphore(%run_scoped3A : memref<!tpu.dma_semaphore, #tpu.memory_space<semaphore_mem>>)
        %dma_wait3A_140 = arith.constant 0 : i32
        %dma_wait3A_141 = tpu.memref_slice %arg4[%add3A_75, %dma_wait3A_140] : memref<160000x32xf32, #tpu.memory_space<hbm>> -> memref<40x32xf32, #tpu.memory_space<hbm>>
        %dma_wait3A_142 = arith.constant 0 : i32
        %dma_wait3A_143 = tpu.memref_slice %arg4[%add3A_75, %dma_wait3A_142] : memref<160000x32xf32, #tpu.memory_space<hbm>> -> memref<40x32xf32, #tpu.memory_space<hbm>>
        tpu.wait_dma2 semaphore(%run_scoped3A : memref<!tpu.dma_semaphore, #tpu.memory_space<semaphore_mem>>) src(%arg6 : memref<40x32xf32, #tpu.memory_space<vmem>>) dst(%dma_wait3A_143 : memref<40x32xf32, #tpu.memory_space<hbm>>)
        tpu.yield
      }) : () -> ()
      %dma_wait3A_76 = arith.constant 0 : i32
      %dma_wait3A_77 = tpu.memref_slice %arg5[%add3A_25, %dma_wait3A_76] : memref<125x40xi32, #tpu.memory_space<vmem>> -> memref<1x40xi32, #tpu.memory_space<vmem>>
      %dma_wait3A_78 = tpu.memref_squeeze %dma_wait3A_77 : memref<1x40xi32, #tpu.memory_space<vmem>> -> memref<40xi32, #tpu.memory_space<vmem>>
      %dma_wait3A_79 = arith.constant 0 : i32
      %dma_wait3A_80 = arith.constant 0 : i32
      %dma_wait3A_81 = tpu.memref_slice %arg11[%dma_wait3A_79, %dma_wait3A_80] : memref<10000x32xf32, #tpu.memory_space<vmem_shared>> -> memref<10000x32xf32, #tpu.memory_space<vmem_shared>>
      tpu.wait_indirect_dma semaphore(%arg13 : memref<!tpu.dma_semaphore, #tpu.memory_space<semaphore_mem>>) src(%dma_wait3A_81 : memref<10000x32xf32, #tpu.memory_space<vmem_shared>>) dst(%arg7 : memref<40x32xf32, #tpu.memory_space<vmem>>)
      %mul3A_82 = arith.constant 5000 : i32
      %mul3A_83 = arith.muli %add3A, %mul3A_82 : i32
      %mul3A_84 = arith.constant 5 : i32
      %mul3A_85 = arith.muli %scan3A_12, %mul3A_84 : i32
      %add3A_86 = arith.constant 1 : i32
      %add3A_87 = arith.addi %mul3A_85, %add3A_86 : i32
      %mul3A_88 = arith.constant 40 : i32
      %mul3A_89 = arith.muli %add3A_87, %mul3A_88 : i32
      %add3A_90 = arith.addi %mul3A_83, %mul3A_89 : i32
      "tpu.region"() ({
        %run_scoped3A = tpu.sem_alloc : memref<!tpu.dma_semaphore, #tpu.memory_space<semaphore_mem>>
        %dma_start3A_136 = arith.constant 0 : i32
        %dma_start3A_137 = tpu.memref_slice %arg4[%add3A_90, %dma_start3A_136] : memref<160000x32xf32, #tpu.memory_space<hbm>> -> memref<40x32xf32, #tpu.memory_space<hbm>>
        %dma_start3A_138 = arith.constant 0 : i32
        %dma_start3A_139 = tpu.memref_slice %arg4[%add3A_90, %dma_start3A_138] : memref<160000x32xf32, #tpu.memory_space<hbm>> -> memref<40x32xf32, #tpu.memory_space<hbm>>
        tpu.enqueue_dma source(%arg7 : memref<40x32xf32, #tpu.memory_space<vmem>>) target(%dma_start3A_139 : memref<40x32xf32, #tpu.memory_space<hbm>>) target_semaphore(%run_scoped3A : memref<!tpu.dma_semaphore, #tpu.memory_space<semaphore_mem>>)
        %dma_wait3A_140 = arith.constant 0 : i32
        %dma_wait3A_141 = tpu.memref_slice %arg4[%add3A_90, %dma_wait3A_140] : memref<160000x32xf32, #tpu.memory_space<hbm>> -> memref<40x32xf32, #tpu.memory_space<hbm>>
        %dma_wait3A_142 = arith.constant 0 : i32
        %dma_wait3A_143 = tpu.memref_slice %arg4[%add3A_90, %dma_wait3A_142] : memref<160000x32xf32, #tpu.memory_space<hbm>> -> memref<40x32xf32, #tpu.memory_space<hbm>>
        tpu.wait_dma2 semaphore(%run_scoped3A : memref<!tpu.dma_semaphore, #tpu.memory_space<semaphore_mem>>) src(%arg7 : memref<40x32xf32, #tpu.memory_space<vmem>>) dst(%dma_wait3A_143 : memref<40x32xf32, #tpu.memory_space<hbm>>)
        tpu.yield
      }) : () -> ()
      %dma_wait3A_91 = arith.constant 0 : i32
      %dma_wait3A_92 = tpu.memref_slice %arg5[%add3A_35, %dma_wait3A_91] : memref<125x40xi32, #tpu.memory_space<vmem>> -> memref<1x40xi32, #tpu.memory_space<vmem>>
      %dma_wait3A_93 = tpu.memref_squeeze %dma_wait3A_92 : memref<1x40xi32, #tpu.memory_space<vmem>> -> memref<40xi32, #tpu.memory_space<vmem>>
      %dma_wait3A_94 = arith.constant 0 : i32
      %dma_wait3A_95 = arith.constant 0 : i32
      %dma_wait3A_96 = tpu.memref_slice %arg11[%dma_wait3A_94, %dma_wait3A_95] : memref<10000x32xf32, #tpu.memory_space<vmem_shared>> -> memref<10000x32xf32, #tpu.memory_space<vmem_shared>>
      tpu.wait_indirect_dma semaphore(%arg14 : memref<!tpu.dma_semaphore, #tpu.memory_space<semaphore_mem>>) src(%dma_wait3A_96 : memref<10000x32xf32, #tpu.memory_space<vmem_shared>>) dst(%arg8 : memref<40x32xf32, #tpu.memory_space<vmem>>)
      %mul3A_97 = arith.constant 5000 : i32
      %mul3A_98 = arith.muli %add3A, %mul3A_97 : i32
      %mul3A_99 = arith.constant 5 : i32
      %mul3A_100 = arith.muli %scan3A_12, %mul3A_99 : i32
      %add3A_101 = arith.constant 2 : i32
      %add3A_102 = arith.addi %mul3A_100, %add3A_101 : i32
      %mul3A_103 = arith.constant 40 : i32
      %mul3A_104 = arith.muli %add3A_102, %mul3A_103 : i32
      %add3A_105 = arith.addi %mul3A_98, %mul3A_104 : i32
      "tpu.region"() ({
        %run_scoped3A = tpu.sem_alloc : memref<!tpu.dma_semaphore, #tpu.memory_space<semaphore_mem>>
        %dma_start3A_136 = arith.constant 0 : i32
        %dma_start3A_137 = tpu.memref_slice %arg4[%add3A_105, %dma_start3A_136] : memref<160000x32xf32, #tpu.memory_space<hbm>> -> memref<40x32xf32, #tpu.memory_space<hbm>>
        %dma_start3A_138 = arith.constant 0 : i32
        %dma_start3A_139 = tpu.memref_slice %arg4[%add3A_105, %dma_start3A_138] : memref<160000x32xf32, #tpu.memory_space<hbm>> -> memref<40x32xf32, #tpu.memory_space<hbm>>
        tpu.enqueue_dma source(%arg8 : memref<40x32xf32, #tpu.memory_space<vmem>>) target(%dma_start3A_139 : memref<40x32xf32, #tpu.memory_space<hbm>>) target_semaphore(%run_scoped3A : memref<!tpu.dma_semaphore, #tpu.memory_space<semaphore_mem>>)
        %dma_wait3A_140 = arith.constant 0 : i32
        %dma_wait3A_141 = tpu.memref_slice %arg4[%add3A_105, %dma_wait3A_140] : memref<160000x32xf32, #tpu.memory_space<hbm>> -> memref<40x32xf32, #tpu.memory_space<hbm>>
        %dma_wait3A_142 = arith.constant 0 : i32
        %dma_wait3A_143 = tpu.memref_slice %arg4[%add3A_105, %dma_wait3A_142] : memref<160000x32xf32, #tpu.memory_space<hbm>> -> memref<40x32xf32, #tpu.memory_space<hbm>>
        tpu.wait_dma2 semaphore(%run_scoped3A : memref<!tpu.dma_semaphore, #tpu.memory_space<semaphore_mem>>) src(%arg8 : memref<40x32xf32, #tpu.memory_space<vmem>>) dst(%dma_wait3A_143 : memref<40x32xf32, #tpu.memory_space<hbm>>)
        tpu.yield
      }) : () -> ()
      %dma_wait3A_106 = arith.constant 0 : i32
      %dma_wait3A_107 = tpu.memref_slice %arg5[%add3A_45, %dma_wait3A_106] : memref<125x40xi32, #tpu.memory_space<vmem>> -> memref<1x40xi32, #tpu.memory_space<vmem>>
      %dma_wait3A_108 = tpu.memref_squeeze %dma_wait3A_107 : memref<1x40xi32, #tpu.memory_space<vmem>> -> memref<40xi32, #tpu.memory_space<vmem>>
      %dma_wait3A_109 = arith.constant 0 : i32
      %dma_wait3A_110 = arith.constant 0 : i32
      %dma_wait3A_111 = tpu.memref_slice %arg11[%dma_wait3A_109, %dma_wait3A_110] : memref<10000x32xf32, #tpu.memory_space<vmem_shared>> -> memref<10000x32xf32, #tpu.memory_space<vmem_shared>>
      tpu.wait_indirect_dma semaphore(%arg15 : memref<!tpu.dma_semaphore, #tpu.memory_space<semaphore_mem>>) src(%dma_wait3A_111 : memref<10000x32xf32, #tpu.memory_space<vmem_shared>>) dst(%arg9 : memref<40x32xf32, #tpu.memory_space<vmem>>)
      %mul3A_112 = arith.constant 5000 : i32
      %mul3A_113 = arith.muli %add3A, %mul3A_112 : i32
      %mul3A_114 = arith.constant 5 : i32
      %mul3A_115 = arith.muli %scan3A_12, %mul3A_114 : i32
      %add3A_116 = arith.constant 3 : i32
      %add3A_117 = arith.addi %mul3A_115, %add3A_116 : i32
      %mul3A_118 = arith.constant 40 : i32
      %mul3A_119 = arith.muli %add3A_117, %mul3A_118 : i32
      %add3A_120 = arith.addi %mul3A_113, %mul3A_119 : i32
      "tpu.region"() ({
        %run_scoped3A = tpu.sem_alloc : memref<!tpu.dma_semaphore, #tpu.memory_space<semaphore_mem>>
        %dma_start3A_136 = arith.constant 0 : i32
        %dma_start3A_137 = tpu.memref_slice %arg4[%add3A_120, %dma_start3A_136] : memref<160000x32xf32, #tpu.memory_space<hbm>> -> memref<40x32xf32, #tpu.memory_space<hbm>>
        %dma_start3A_138 = arith.constant 0 : i32
        %dma_start3A_139 = tpu.memref_slice %arg4[%add3A_120, %dma_start3A_138] : memref<160000x32xf32, #tpu.memory_space<hbm>> -> memref<40x32xf32, #tpu.memory_space<hbm>>
        tpu.enqueue_dma source(%arg9 : memref<40x32xf32, #tpu.memory_space<vmem>>) target(%dma_start3A_139 : memref<40x32xf32, #tpu.memory_space<hbm>>) target_semaphore(%run_scoped3A : memref<!tpu.dma_semaphore, #tpu.memory_space<semaphore_mem>>)
        %dma_wait3A_140 = arith.constant 0 : i32
        %dma_wait3A_141 = tpu.memref_slice %arg4[%add3A_120, %dma_wait3A_140] : memref<160000x32xf32, #tpu.memory_space<hbm>> -> memref<40x32xf32, #tpu.memory_space<hbm>>
        %dma_wait3A_142 = arith.constant 0 : i32
        %dma_wait3A_143 = tpu.memref_slice %arg4[%add3A_120, %dma_wait3A_142] : memref<160000x32xf32, #tpu.memory_space<hbm>> -> memref<40x32xf32, #tpu.memory_space<hbm>>
        tpu.wait_dma2 semaphore(%run_scoped3A : memref<!tpu.dma_semaphore, #tpu.memory_space<semaphore_mem>>) src(%arg9 : memref<40x32xf32, #tpu.memory_space<vmem>>) dst(%dma_wait3A_143 : memref<40x32xf32, #tpu.memory_space<hbm>>)
        tpu.yield
      }) : () -> ()
      %dma_wait3A_121 = arith.constant 0 : i32
      %dma_wait3A_122 = tpu.memref_slice %arg5[%add3A_55, %dma_wait3A_121] : memref<125x40xi32, #tpu.memory_space<vmem>> -> memref<1x40xi32, #tpu.memory_space<vmem>>
      %dma_wait3A_123 = tpu.memref_squeeze %dma_wait3A_122 : memref<1x40xi32, #tpu.memory_space<vmem>> -> memref<40xi32, #tpu.memory_space<vmem>>
      %dma_wait3A_124 = arith.constant 0 : i32
      %dma_wait3A_125 = arith.constant 0 : i32
      %dma_wait3A_126 = tpu.memref_slice %arg11[%dma_wait3A_124, %dma_wait3A_125] : memref<10000x32xf32, #tpu.memory_space<vmem_shared>> -> memref<10000x32xf32, #tpu.memory_space<vmem_shared>>
      tpu.wait_indirect_dma semaphore(%arg16 : memref<!tpu.dma_semaphore, #tpu.memory_space<semaphore_mem>>) src(%dma_wait3A_126 : memref<10000x32xf32, #tpu.memory_space<vmem_shared>>) dst(%arg10 : memref<40x32xf32, #tpu.memory_space<vmem>>)
      %mul3A_127 = arith.constant 5000 : i32
      %mul3A_128 = arith.muli %add3A, %mul3A_127 : i32
      %mul3A_129 = arith.constant 5 : i32
      %mul3A_130 = arith.muli %scan3A_12, %mul3A_129 : i32
      %add3A_131 = arith.constant 4 : i32
      %add3A_132 = arith.addi %mul3A_130, %add3A_131 : i32
      %mul3A_133 = arith.constant 40 : i32
      %mul3A_134 = arith.muli %add3A_132, %mul3A_133 : i32
      %add3A_135 = arith.addi %mul3A_128, %mul3A_134 : i32
      "tpu.region"() ({
        %run_scoped3A = tpu.sem_alloc : memref<!tpu.dma_semaphore, #tpu.memory_space<semaphore_mem>>
        %dma_start3A_136 = arith.constant 0 : i32
        %dma_start3A_137 = tpu.memref_slice %arg4[%add3A_135, %dma_start3A_136] : memref<160000x32xf32, #tpu.memory_space<hbm>> -> memref<40x32xf32, #tpu.memory_space<hbm>>
        %dma_start3A_138 = arith.constant 0 : i32
        %dma_start3A_139 = tpu.memref_slice %arg4[%add3A_135, %dma_start3A_138] : memref<160000x32xf32, #tpu.memory_space<hbm>> -> memref<40x32xf32, #tpu.memory_space<hbm>>
        tpu.enqueue_dma source(%arg10 : memref<40x32xf32, #tpu.memory_space<vmem>>) target(%dma_start3A_139 : memref<40x32xf32, #tpu.memory_space<hbm>>) target_semaphore(%run_scoped3A : memref<!tpu.dma_semaphore, #tpu.memory_space<semaphore_mem>>)
        %dma_wait3A_140 = arith.constant 0 : i32
        %dma_wait3A_141 = tpu.memref_slice %arg4[%add3A_135, %dma_wait3A_140] : memref<160000x32xf32, #tpu.memory_space<hbm>> -> memref<40x32xf32, #tpu.memory_space<hbm>>
        %dma_wait3A_142 = arith.constant 0 : i32
        %dma_wait3A_143 = tpu.memref_slice %arg4[%add3A_135, %dma_wait3A_142] : memref<160000x32xf32, #tpu.memory_space<hbm>> -> memref<40x32xf32, #tpu.memory_space<hbm>>
        tpu.wait_dma2 semaphore(%run_scoped3A : memref<!tpu.dma_semaphore, #tpu.memory_space<semaphore_mem>>) src(%arg10 : memref<40x32xf32, #tpu.memory_space<vmem>>) dst(%dma_wait3A_143 : memref<40x32xf32, #tpu.memory_space<hbm>>)
        tpu.yield
      }) : () -> ()
    }
    %scan3A_11 = arith.constant 25 : i32
    return
  }
}

#map = affine_map<(d0, d1) -> (0, 0)>
#map1 = affine_map<(d0, d1) -> (0, 0, 0)>
module attributes {stable_mosaic.version = 14 : i64} {
  func.func @k(%arg0: i32, %arg1: i32, %arg2: memref<160000x32xf32, #tpu.memory_space<hbm>>, %arg3: memref<32x125x40xi32, #tpu.memory_space<hbm>>, %arg4: memref<10000x32xf32, #tpu.memory_space<hbm>>, %arg5: memref<2x10000x32xf32, #tpu.memory_space<hbm>>, %arg6: memref<125x40xi32, #tpu.memory_space<vmem>>, %arg7: memref<40x32xf32, #tpu.memory_space<vmem>>, %arg8: memref<10000x32xf32, #tpu.memory_space<vmem_shared>>) attributes {dimension_semantics = [#tpu.dimension_semantics<core_parallel>, #tpu.dimension_semantics<subcore_parallel>], iteration_bounds = array<i64: 2, 16>, scalar_prefetch = 0 : i64, scratch_operands = 3 : i64, tpu.core_type = #tpu.core_type<sc_vector_subcore>, window_params = [{transform_indices = #map}, {transform_indices = #map1}, {transform_indices = #map}, {transform_indices = #map1}]} {
    %mul3A = arith.constant 2 : i32
    %mul3A_0 = arith.muli %arg1, %mul3A : i32
    %add3A = arith.addi %mul3A_0, %arg0 : i32
    %mul3A_1 = arith.constant 624 : i32
    %mul3A_2 = arith.muli %arg1, %mul3A_1 : i32
    %mul3A_3 = arith.constant 624 : i32
    %mul3A_4 = arith.muli %arg1, %mul3A_3 : i32
    "tpu.region"() ({
      %run_scoped3A = tpu.sem_alloc : memref<!tpu.dma_semaphore, #tpu.memory_space<semaphore_mem>>
      %dma_start3A = arith.constant 0 : i32
      %dma_start3A_22 = tpu.memref_slice %arg8[%mul3A_4, %dma_start3A] : memref<10000x32xf32, #tpu.memory_space<vmem_shared>> -> memref<624x32xf32, #tpu.memory_space<vmem_shared>>
      %dma_start3A_23 = arith.constant 0 : i32
      %dma_start3A_24 = tpu.memref_slice %arg4[%mul3A_2, %dma_start3A_23] : memref<10000x32xf32, #tpu.memory_space<hbm>> -> memref<624x32xf32, #tpu.memory_space<hbm>>
      tpu.enqueue_dma source(%dma_start3A_24 : memref<624x32xf32, #tpu.memory_space<hbm>>) target(%dma_start3A_22 : memref<624x32xf32, #tpu.memory_space<vmem_shared>>) target_semaphore(%run_scoped3A : memref<!tpu.dma_semaphore, #tpu.memory_space<semaphore_mem>>)
      %dma_wait3A = arith.constant 0 : i32
      %dma_wait3A_25 = tpu.memref_slice %arg8[%mul3A_4, %dma_wait3A] : memref<10000x32xf32, #tpu.memory_space<vmem_shared>> -> memref<624x32xf32, #tpu.memory_space<vmem_shared>>
      %dma_wait3A_26 = arith.constant 0 : i32
      %dma_wait3A_27 = tpu.memref_slice %arg4[%mul3A_2, %dma_wait3A_26] : memref<10000x32xf32, #tpu.memory_space<hbm>> -> memref<624x32xf32, #tpu.memory_space<hbm>>
      tpu.wait_dma2 semaphore(%run_scoped3A : memref<!tpu.dma_semaphore, #tpu.memory_space<semaphore_mem>>) src(%dma_wait3A_27 : memref<624x32xf32, #tpu.memory_space<hbm>>) dst(%dma_wait3A_25 : memref<624x32xf32, #tpu.memory_space<vmem_shared>>)
      tpu.yield
    }) : () -> ()
    %eq3A = arith.constant 0 : i32
    %eq3A_5 = arith.cmpi eq, %arg1, %eq3A : i32
    %convert_element_type3A = arith.extui %eq3A_5 : i1 to i32
    %cond3A = arith.constant 0 : i32
    %cond3A_6 = arith.cmpi ne, %convert_element_type3A, %cond3A : i32
    scf.if %cond3A_6 {
      "tpu.region"() ({
        %run_scoped3A = tpu.sem_alloc : memref<!tpu.dma_semaphore, #tpu.memory_space<semaphore_mem>>
        %dma_start3A = arith.constant 9984 : i32
        %dma_start3A_22 = arith.constant 0 : i32
        %dma_start3A_23 = tpu.memref_slice %arg8[%dma_start3A, %dma_start3A_22] : memref<10000x32xf32, #tpu.memory_space<vmem_shared>> -> memref<16x32xf32, #tpu.memory_space<vmem_shared>>
        %dma_start3A_24 = arith.constant 9984 : i32
        %dma_start3A_25 = arith.constant 0 : i32
        %dma_start3A_26 = tpu.memref_slice %arg4[%dma_start3A_24, %dma_start3A_25] : memref<10000x32xf32, #tpu.memory_space<hbm>> -> memref<16x32xf32, #tpu.memory_space<hbm>>
        tpu.enqueue_dma source(%dma_start3A_26 : memref<16x32xf32, #tpu.memory_space<hbm>>) target(%dma_start3A_23 : memref<16x32xf32, #tpu.memory_space<vmem_shared>>) target_semaphore(%run_scoped3A : memref<!tpu.dma_semaphore, #tpu.memory_space<semaphore_mem>>)
        %dma_wait3A = arith.constant 9984 : i32
        %dma_wait3A_27 = arith.constant 0 : i32
        %dma_wait3A_28 = tpu.memref_slice %arg8[%dma_wait3A, %dma_wait3A_27] : memref<10000x32xf32, #tpu.memory_space<vmem_shared>> -> memref<16x32xf32, #tpu.memory_space<vmem_shared>>
        %dma_wait3A_29 = arith.constant 9984 : i32
        %dma_wait3A_30 = arith.constant 0 : i32
        %dma_wait3A_31 = tpu.memref_slice %arg4[%dma_wait3A_29, %dma_wait3A_30] : memref<10000x32xf32, #tpu.memory_space<hbm>> -> memref<16x32xf32, #tpu.memory_space<hbm>>
        tpu.wait_dma2 semaphore(%run_scoped3A : memref<!tpu.dma_semaphore, #tpu.memory_space<semaphore_mem>>) src(%dma_wait3A_31 : memref<16x32xf32, #tpu.memory_space<hbm>>) dst(%dma_wait3A_28 : memref<16x32xf32, #tpu.memory_space<vmem_shared>>)
        tpu.yield
      }) : () -> ()
    } else {
    }
    "tpu.region"() ({
      %run_scoped3A = tpu.sem_alloc : memref<!tpu.dma_semaphore, #tpu.memory_space<semaphore_mem>>
      %dma_start3A = arith.constant 0 : i32
      %dma_start3A_22 = arith.constant 0 : i32
      %dma_start3A_23 = tpu.memref_slice %arg3[%add3A, %dma_start3A, %dma_start3A_22] : memref<32x125x40xi32, #tpu.memory_space<hbm>> -> memref<1x125x40xi32, #tpu.memory_space<hbm>>
      %dma_start3A_24 = tpu.memref_squeeze %dma_start3A_23 : memref<1x125x40xi32, #tpu.memory_space<hbm>> -> memref<125x40xi32, #tpu.memory_space<hbm>>
      %dma_start3A_25 = arith.constant 0 : i32
      %dma_start3A_26 = arith.constant 0 : i32
      %dma_start3A_27 = tpu.memref_slice %arg3[%add3A, %dma_start3A_25, %dma_start3A_26] : memref<32x125x40xi32, #tpu.memory_space<hbm>> -> memref<1x125x40xi32, #tpu.memory_space<hbm>>
      %dma_start3A_28 = tpu.memref_squeeze %dma_start3A_27 : memref<1x125x40xi32, #tpu.memory_space<hbm>> -> memref<125x40xi32, #tpu.memory_space<hbm>>
      tpu.enqueue_dma source(%dma_start3A_28 : memref<125x40xi32, #tpu.memory_space<hbm>>) target(%arg6 : memref<125x40xi32, #tpu.memory_space<vmem>>) target_semaphore(%run_scoped3A : memref<!tpu.dma_semaphore, #tpu.memory_space<semaphore_mem>>)
      %dma_wait3A = arith.constant 0 : i32
      %dma_wait3A_29 = arith.constant 0 : i32
      %dma_wait3A_30 = tpu.memref_slice %arg3[%add3A, %dma_wait3A, %dma_wait3A_29] : memref<32x125x40xi32, #tpu.memory_space<hbm>> -> memref<1x125x40xi32, #tpu.memory_space<hbm>>
      %dma_wait3A_31 = tpu.memref_squeeze %dma_wait3A_30 : memref<1x125x40xi32, #tpu.memory_space<hbm>> -> memref<125x40xi32, #tpu.memory_space<hbm>>
      %dma_wait3A_32 = arith.constant 0 : i32
      %dma_wait3A_33 = arith.constant 0 : i32
      %dma_wait3A_34 = tpu.memref_slice %arg3[%add3A, %dma_wait3A_32, %dma_wait3A_33] : memref<32x125x40xi32, #tpu.memory_space<hbm>> -> memref<1x125x40xi32, #tpu.memory_space<hbm>>
      %dma_wait3A_35 = tpu.memref_squeeze %dma_wait3A_34 : memref<1x125x40xi32, #tpu.memory_space<hbm>> -> memref<125x40xi32, #tpu.memory_space<hbm>>
      tpu.wait_dma2 semaphore(%run_scoped3A : memref<!tpu.dma_semaphore, #tpu.memory_space<semaphore_mem>>) src(%dma_wait3A_35 : memref<125x40xi32, #tpu.memory_space<hbm>>) dst(%arg6 : memref<125x40xi32, #tpu.memory_space<vmem>>)
      tpu.yield
    }) : () -> ()
    %barrier3A = arith.constant 0 : index
    tpu.barrier barrier_id(%barrier3A)
    %scan3A = arith.constant 0 : i32
    %scan3A_7 = arith.constant 0 : i32
    %scan3A_8 = arith.constant 125 : i32
    %scan3A_9 = arith.addi %scan3A_7, %scan3A_8 : i32
    %scan3A_10 = arith.constant 1 : i32
    scf.for %scan3A_22 = %scan3A_7 to %scan3A_9 step %scan3A_10  : i32 {
      %mul3A_23 = arith.constant 5000 : i32
      %mul3A_24 = arith.muli %add3A, %mul3A_23 : i32
      %mul3A_25 = arith.constant 40 : i32
      %mul3A_26 = arith.muli %scan3A_22, %mul3A_25 : i32
      %add3A_27 = arith.addi %mul3A_24, %mul3A_26 : i32
      "tpu.region"() ({
        %run_scoped3A = tpu.sem_alloc : memref<!tpu.dma_semaphore, #tpu.memory_space<semaphore_mem>>
        %dma_start3A = arith.constant 0 : i32
        %dma_start3A_28 = tpu.memref_slice %arg2[%add3A_27, %dma_start3A] : memref<160000x32xf32, #tpu.memory_space<hbm>> -> memref<40x32xf32, #tpu.memory_space<hbm>>
        %dma_start3A_29 = arith.constant 0 : i32
        %dma_start3A_30 = tpu.memref_slice %arg2[%add3A_27, %dma_start3A_29] : memref<160000x32xf32, #tpu.memory_space<hbm>> -> memref<40x32xf32, #tpu.memory_space<hbm>>
        tpu.enqueue_dma source(%dma_start3A_30 : memref<40x32xf32, #tpu.memory_space<hbm>>) target(%arg7 : memref<40x32xf32, #tpu.memory_space<vmem>>) target_semaphore(%run_scoped3A : memref<!tpu.dma_semaphore, #tpu.memory_space<semaphore_mem>>)
        %dma_wait3A = arith.constant 0 : i32
        %dma_wait3A_31 = tpu.memref_slice %arg2[%add3A_27, %dma_wait3A] : memref<160000x32xf32, #tpu.memory_space<hbm>> -> memref<40x32xf32, #tpu.memory_space<hbm>>
        %dma_wait3A_32 = arith.constant 0 : i32
        %dma_wait3A_33 = tpu.memref_slice %arg2[%add3A_27, %dma_wait3A_32] : memref<160000x32xf32, #tpu.memory_space<hbm>> -> memref<40x32xf32, #tpu.memory_space<hbm>>
        tpu.wait_dma2 semaphore(%run_scoped3A : memref<!tpu.dma_semaphore, #tpu.memory_space<semaphore_mem>>) src(%dma_wait3A_33 : memref<40x32xf32, #tpu.memory_space<hbm>>) dst(%arg7 : memref<40x32xf32, #tpu.memory_space<vmem>>)
        tpu.yield
      }) : () -> ()
      "tpu.region"() ({
        %run_scoped3A = tpu.sem_alloc : memref<!tpu.dma_semaphore, #tpu.memory_space<semaphore_mem>>
        %dma_start3A = arith.constant 0 : i32
        %dma_start3A_28 = tpu.memref_slice %arg6[%scan3A_22, %dma_start3A] : memref<125x40xi32, #tpu.memory_space<vmem>> -> memref<1x40xi32, #tpu.memory_space<vmem>>
        %dma_start3A_29 = tpu.memref_squeeze %dma_start3A_28 : memref<1x40xi32, #tpu.memory_space<vmem>> -> memref<40xi32, #tpu.memory_space<vmem>>
        %dma_start3A_30 = arith.constant 0 : i32
        %dma_start3A_31 = arith.constant 0 : i32
        %dma_start3A_32 = tpu.memref_slice %arg8[%dma_start3A_30, %dma_start3A_31] : memref<10000x32xf32, #tpu.memory_space<vmem_shared>> -> memref<10000x32xf32, #tpu.memory_space<vmem_shared>>
        tpu.enqueue_indirect_dma source(%arg7 : memref<40x32xf32, #tpu.memory_space<vmem>>) target(%dma_start3A_32 : memref<10000x32xf32, #tpu.memory_space<vmem_shared>>) offsets(%dma_start3A_29 : memref<40xi32, #tpu.memory_space<vmem>>) semaphore(%run_scoped3A : memref<!tpu.dma_semaphore, #tpu.memory_space<semaphore_mem>>) {add = true}
        %dma_wait3A = arith.constant 0 : i32
        %dma_wait3A_33 = tpu.memref_slice %arg6[%scan3A_22, %dma_wait3A] : memref<125x40xi32, #tpu.memory_space<vmem>> -> memref<1x40xi32, #tpu.memory_space<vmem>>
        %dma_wait3A_34 = tpu.memref_squeeze %dma_wait3A_33 : memref<1x40xi32, #tpu.memory_space<vmem>> -> memref<40xi32, #tpu.memory_space<vmem>>
        %dma_wait3A_35 = arith.constant 0 : i32
        %dma_wait3A_36 = arith.constant 0 : i32
        %dma_wait3A_37 = tpu.memref_slice %arg8[%dma_wait3A_35, %dma_wait3A_36] : memref<10000x32xf32, #tpu.memory_space<vmem_shared>> -> memref<10000x32xf32, #tpu.memory_space<vmem_shared>>
        tpu.wait_indirect_dma semaphore(%run_scoped3A : memref<!tpu.dma_semaphore, #tpu.memory_space<semaphore_mem>>) src(%arg7 : memref<40x32xf32, #tpu.memory_space<vmem>>) dst(%dma_wait3A_37 : memref<10000x32xf32, #tpu.memory_space<vmem_shared>>)
        tpu.yield
      }) : () -> ()
    }
    %scan3A_11 = arith.constant 125 : i32
    %barrier3A_12 = arith.constant 0 : index
    tpu.barrier barrier_id(%barrier3A_12)
    %mul3A_13 = arith.constant 624 : i32
    %mul3A_14 = arith.muli %arg1, %mul3A_13 : i32
    %mul3A_15 = arith.constant 624 : i32
    %mul3A_16 = arith.muli %arg1, %mul3A_15 : i32
    "tpu.region"() ({
      %run_scoped3A = tpu.sem_alloc : memref<!tpu.dma_semaphore, #tpu.memory_space<semaphore_mem>>
      %dma_start3A = arith.constant 0 : i32
      %dma_start3A_22 = tpu.memref_slice %arg5[%arg0, %mul3A_16, %dma_start3A] : memref<2x10000x32xf32, #tpu.memory_space<hbm>> -> memref<1x624x32xf32, #tpu.memory_space<hbm>>
      %dma_start3A_23 = tpu.memref_squeeze %dma_start3A_22 : memref<1x624x32xf32, #tpu.memory_space<hbm>> -> memref<624x32xf32, #tpu.memory_space<hbm>>
      %dma_start3A_24 = arith.constant 0 : i32
      %dma_start3A_25 = tpu.memref_slice %arg8[%mul3A_14, %dma_start3A_24] : memref<10000x32xf32, #tpu.memory_space<vmem_shared>> -> memref<624x32xf32, #tpu.memory_space<vmem_shared>>
      tpu.enqueue_dma source(%dma_start3A_25 : memref<624x32xf32, #tpu.memory_space<vmem_shared>>) target(%dma_start3A_23 : memref<624x32xf32, #tpu.memory_space<hbm>>) target_semaphore(%run_scoped3A : memref<!tpu.dma_semaphore, #tpu.memory_space<semaphore_mem>>)
      %dma_wait3A = arith.constant 0 : i32
      %dma_wait3A_26 = tpu.memref_slice %arg5[%arg0, %mul3A_16, %dma_wait3A] : memref<2x10000x32xf32, #tpu.memory_space<hbm>> -> memref<1x624x32xf32, #tpu.memory_space<hbm>>
      %dma_wait3A_27 = tpu.memref_squeeze %dma_wait3A_26 : memref<1x624x32xf32, #tpu.memory_space<hbm>> -> memref<624x32xf32, #tpu.memory_space<hbm>>
      %dma_wait3A_28 = arith.constant 0 : i32
      %dma_wait3A_29 = tpu.memref_slice %arg8[%mul3A_14, %dma_wait3A_28] : memref<10000x32xf32, #tpu.memory_space<vmem_shared>> -> memref<624x32xf32, #tpu.memory_space<vmem_shared>>
      tpu.wait_dma2 semaphore(%run_scoped3A : memref<!tpu.dma_semaphore, #tpu.memory_space<semaphore_mem>>) src(%dma_wait3A_29 : memref<624x32xf32, #tpu.memory_space<vmem_shared>>) dst(%dma_wait3A_27 : memref<624x32xf32, #tpu.memory_space<hbm>>)
      tpu.yield
    }) : () -> ()
    %eq3A_17 = arith.constant 0 : i32
    %eq3A_18 = arith.cmpi eq, %arg1, %eq3A_17 : i32
    %convert_element_type3A_19 = arith.extui %eq3A_18 : i1 to i32
    %cond3A_20 = arith.constant 0 : i32
    %cond3A_21 = arith.cmpi ne, %convert_element_type3A_19, %cond3A_20 : i32
    scf.if %cond3A_21 {
      "tpu.region"() ({
        %run_scoped3A = tpu.sem_alloc : memref<!tpu.dma_semaphore, #tpu.memory_space<semaphore_mem>>
        %dma_start3A = arith.constant 9984 : i32
        %dma_start3A_22 = arith.constant 0 : i32
        %dma_start3A_23 = tpu.memref_slice %arg5[%arg0, %dma_start3A, %dma_start3A_22] : memref<2x10000x32xf32, #tpu.memory_space<hbm>> -> memref<1x16x32xf32, #tpu.memory_space<hbm>>
        %dma_start3A_24 = tpu.memref_squeeze %dma_start3A_23 : memref<1x16x32xf32, #tpu.memory_space<hbm>> -> memref<16x32xf32, #tpu.memory_space<hbm>>
        %dma_start3A_25 = arith.constant 9984 : i32
        %dma_start3A_26 = arith.constant 0 : i32
        %dma_start3A_27 = tpu.memref_slice %arg8[%dma_start3A_25, %dma_start3A_26] : memref<10000x32xf32, #tpu.memory_space<vmem_shared>> -> memref<16x32xf32, #tpu.memory_space<vmem_shared>>
        tpu.enqueue_dma source(%dma_start3A_27 : memref<16x32xf32, #tpu.memory_space<vmem_shared>>) target(%dma_start3A_24 : memref<16x32xf32, #tpu.memory_space<hbm>>) target_semaphore(%run_scoped3A : memref<!tpu.dma_semaphore, #tpu.memory_space<semaphore_mem>>)
        %dma_wait3A = arith.constant 9984 : i32
        %dma_wait3A_28 = arith.constant 0 : i32
        %dma_wait3A_29 = tpu.memref_slice %arg5[%arg0, %dma_wait3A, %dma_wait3A_28] : memref<2x10000x32xf32, #tpu.memory_space<hbm>> -> memref<1x16x32xf32, #tpu.memory_space<hbm>>
        %dma_wait3A_30 = tpu.memref_squeeze %dma_wait3A_29 : memref<1x16x32xf32, #tpu.memory_space<hbm>> -> memref<16x32xf32, #tpu.memory_space<hbm>>
        %dma_wait3A_31 = arith.constant 9984 : i32
        %dma_wait3A_32 = arith.constant 0 : i32
        %dma_wait3A_33 = tpu.memref_slice %arg8[%dma_wait3A_31, %dma_wait3A_32] : memref<10000x32xf32, #tpu.memory_space<vmem_shared>> -> memref<16x32xf32, #tpu.memory_space<vmem_shared>>
        tpu.wait_dma2 semaphore(%run_scoped3A : memref<!tpu.dma_semaphore, #tpu.memory_space<semaphore_mem>>) src(%dma_wait3A_33 : memref<16x32xf32, #tpu.memory_space<vmem_shared>>) dst(%dma_wait3A_30 : memref<16x32xf32, #tpu.memory_space<hbm>>)
        tpu.yield
      }) : () -> ()
    } else {
    }
    return
  }
}

#map = affine_map<(d0, d1) -> (0, 0)>
#map1 = affine_map<(d0, d1) -> (0, 0, 0)>
module attributes {stable_mosaic.version = 14 : i64} {
  func.func @k(%arg0: i32, %arg1: i32, %arg2: memref<10000x32xf32, #tpu.memory_space<hbm>>, %arg3: memref<32x125x40xi32, #tpu.memory_space<hbm>>, %arg4: memref<160000x32xf32, #tpu.memory_space<hbm>>, %arg5: memref<125x40xi32, #tpu.memory_space<vmem>>, %arg6: memref<40x32xf32, #tpu.memory_space<vmem>>, %arg7: memref<40x32xf32, #tpu.memory_space<vmem>>, %arg8: memref<40x32xf32, #tpu.memory_space<vmem>>, %arg9: memref<40x32xf32, #tpu.memory_space<vmem>>, %arg10: memref<40x32xf32, #tpu.memory_space<vmem>>, %arg11: memref<10000x32xf32, #tpu.memory_space<vmem_shared>>, %arg12: memref<!tpu.dma_semaphore, #tpu.memory_space<semaphore_mem>>, %arg13: memref<!tpu.dma_semaphore, #tpu.memory_space<semaphore_mem>>, %arg14: memref<!tpu.dma_semaphore, #tpu.memory_space<semaphore_mem>>, %arg15: memref<!tpu.dma_semaphore, #tpu.memory_space<semaphore_mem>>, %arg16: memref<!tpu.dma_semaphore, #tpu.memory_space<semaphore_mem>>, %arg17: memref<!tpu.dma_semaphore, #tpu.memory_space<semaphore_mem>>) attributes {dimension_semantics = [#tpu.dimension_semantics<core_parallel>, #tpu.dimension_semantics<subcore_parallel>], iteration_bounds = array<i64: 2, 16>, scalar_prefetch = 0 : i64, scratch_operands = 13 : i64, tpu.core_type = #tpu.core_type<sc_vector_subcore>, window_params = [{transform_indices = #map}, {transform_indices = #map1}, {transform_indices = #map}]} {
    %mul3A = arith.constant 2 : i32
    %mul3A_0 = arith.muli %arg1, %mul3A : i32
    %add3A = arith.addi %mul3A_0, %arg0 : i32
    %mul3A_1 = arith.constant 624 : i32
    %mul3A_2 = arith.muli %arg1, %mul3A_1 : i32
    %mul3A_3 = arith.constant 624 : i32
    %mul3A_4 = arith.muli %arg1, %mul3A_3 : i32
    "tpu.region"() ({
      %run_scoped3A = tpu.sem_alloc : memref<!tpu.dma_semaphore, #tpu.memory_space<semaphore_mem>>
      %dma_start3A = arith.constant 0 : i32
      %dma_start3A_12 = tpu.memref_slice %arg11[%mul3A_4, %dma_start3A] : memref<10000x32xf32, #tpu.memory_space<vmem_shared>> -> memref<624x32xf32, #tpu.memory_space<vmem_shared>>
      %dma_start3A_13 = arith.constant 0 : i32
      %dma_start3A_14 = tpu.memref_slice %arg2[%mul3A_2, %dma_start3A_13] : memref<10000x32xf32, #tpu.memory_space<hbm>> -> memref<624x32xf32, #tpu.memory_space<hbm>>
      tpu.enqueue_dma source(%dma_start3A_14 : memref<624x32xf32, #tpu.memory_space<hbm>>) target(%dma_start3A_12 : memref<624x32xf32, #tpu.memory_space<vmem_shared>>) target_semaphore(%run_scoped3A : memref<!tpu.dma_semaphore, #tpu.memory_space<semaphore_mem>>)
      %dma_wait3A = arith.constant 0 : i32
      %dma_wait3A_15 = tpu.memref_slice %arg11[%mul3A_4, %dma_wait3A] : memref<10000x32xf32, #tpu.memory_space<vmem_shared>> -> memref<624x32xf32, #tpu.memory_space<vmem_shared>>
      %dma_wait3A_16 = arith.constant 0 : i32
      %dma_wait3A_17 = tpu.memref_slice %arg2[%mul3A_2, %dma_wait3A_16] : memref<10000x32xf32, #tpu.memory_space<hbm>> -> memref<624x32xf32, #tpu.memory_space<hbm>>
      tpu.wait_dma2 semaphore(%run_scoped3A : memref<!tpu.dma_semaphore, #tpu.memory_space<semaphore_mem>>) src(%dma_wait3A_17 : memref<624x32xf32, #tpu.memory_space<hbm>>) dst(%dma_wait3A_15 : memref<624x32xf32, #tpu.memory_space<vmem_shared>>)
      tpu.yield
    }) : () -> ()
    %eq3A = arith.constant 0 : i32
    %eq3A_5 = arith.cmpi eq, %arg1, %eq3A : i32
    %convert_element_type3A = arith.extui %eq3A_5 : i1 to i32
    %cond3A = arith.constant 0 : i32
    %cond3A_6 = arith.cmpi ne, %convert_element_type3A, %cond3A : i32
    scf.if %cond3A_6 {
      "tpu.region"() ({
        %run_scoped3A = tpu.sem_alloc : memref<!tpu.dma_semaphore, #tpu.memory_space<semaphore_mem>>
        %dma_start3A = arith.constant 9984 : i32
        %dma_start3A_12 = arith.constant 0 : i32
        %dma_start3A_13 = tpu.memref_slice %arg11[%dma_start3A, %dma_start3A_12] : memref<10000x32xf32, #tpu.memory_space<vmem_shared>> -> memref<16x32xf32, #tpu.memory_space<vmem_shared>>
        %dma_start3A_14 = arith.constant 9984 : i32
        %dma_start3A_15 = arith.constant 0 : i32
        %dma_start3A_16 = tpu.memref_slice %arg2[%dma_start3A_14, %dma_start3A_15] : memref<10000x32xf32, #tpu.memory_space<hbm>> -> memref<16x32xf32, #tpu.memory_space<hbm>>
        tpu.enqueue_dma source(%dma_start3A_16 : memref<16x32xf32, #tpu.memory_space<hbm>>) target(%dma_start3A_13 : memref<16x32xf32, #tpu.memory_space<vmem_shared>>) target_semaphore(%run_scoped3A : memref<!tpu.dma_semaphore, #tpu.memory_space<semaphore_mem>>)
        %dma_wait3A = arith.constant 9984 : i32
        %dma_wait3A_17 = arith.constant 0 : i32
        %dma_wait3A_18 = tpu.memref_slice %arg11[%dma_wait3A, %dma_wait3A_17] : memref<10000x32xf32, #tpu.memory_space<vmem_shared>> -> memref<16x32xf32, #tpu.memory_space<vmem_shared>>
        %dma_wait3A_19 = arith.constant 9984 : i32
        %dma_wait3A_20 = arith.constant 0 : i32
        %dma_wait3A_21 = tpu.memref_slice %arg2[%dma_wait3A_19, %dma_wait3A_20] : memref<10000x32xf32, #tpu.memory_space<hbm>> -> memref<16x32xf32, #tpu.memory_space<hbm>>
        tpu.wait_dma2 semaphore(%run_scoped3A : memref<!tpu.dma_semaphore, #tpu.memory_space<semaphore_mem>>) src(%dma_wait3A_21 : memref<16x32xf32, #tpu.memory_space<hbm>>) dst(%dma_wait3A_18 : memref<16x32xf32, #tpu.memory_space<vmem_shared>>)
        tpu.yield
      }) : () -> ()
    } else {
    }
    "tpu.region"() ({
      %run_scoped3A = tpu.sem_alloc : memref<!tpu.dma_semaphore, #tpu.memory_space<semaphore_mem>>
      %dma_start3A = arith.constant 0 : i32
      %dma_start3A_12 = arith.constant 0 : i32
      %dma_start3A_13 = tpu.memref_slice %arg3[%add3A, %dma_start3A, %dma_start3A_12] : memref<32x125x40xi32, #tpu.memory_space<hbm>> -> memref<1x125x40xi32, #tpu.memory_space<hbm>>
      %dma_start3A_14 = tpu.memref_squeeze %dma_start3A_13 : memref<1x125x40xi32, #tpu.memory_space<hbm>> -> memref<125x40xi32, #tpu.memory_space<hbm>>
      %dma_start3A_15 = arith.constant 0 : i32
      %dma_start3A_16 = arith.constant 0 : i32
      %dma_start3A_17 = tpu.memref_slice %arg3[%add3A, %dma_start3A_15, %dma_start3A_16] : memref<32x125x40xi32, #tpu.memory_space<hbm>> -> memref<1x125x40xi32, #tpu.memory_space<hbm>>
      %dma_start3A_18 = tpu.memref_squeeze %dma_start3A_17 : memref<1x125x40xi32, #tpu.memory_space<hbm>> -> memref<125x40xi32, #tpu.memory_space<hbm>>
      tpu.enqueue_dma source(%dma_start3A_18 : memref<125x40xi32, #tpu.memory_space<hbm>>) target(%arg5 : memref<125x40xi32, #tpu.memory_space<vmem>>) target_semaphore(%run_scoped3A : memref<!tpu.dma_semaphore, #tpu.memory_space<semaphore_mem>>)
      %dma_wait3A = arith.constant 0 : i32
      %dma_wait3A_19 = arith.constant 0 : i32
      %dma_wait3A_20 = tpu.memref_slice %arg3[%add3A, %dma_wait3A, %dma_wait3A_19] : memref<32x125x40xi32, #tpu.memory_space<hbm>> -> memref<1x125x40xi32, #tpu.memory_space<hbm>>
      %dma_wait3A_21 = tpu.memref_squeeze %dma_wait3A_20 : memref<1x125x40xi32, #tpu.memory_space<hbm>> -> memref<125x40xi32, #tpu.memory_space<hbm>>
      %dma_wait3A_22 = arith.constant 0 : i32
      %dma_wait3A_23 = arith.constant 0 : i32
      %dma_wait3A_24 = tpu.memref_slice %arg3[%add3A, %dma_wait3A_22, %dma_wait3A_23] : memref<32x125x40xi32, #tpu.memory_space<hbm>> -> memref<1x125x40xi32, #tpu.memory_space<hbm>>
      %dma_wait3A_25 = tpu.memref_squeeze %dma_wait3A_24 : memref<1x125x40xi32, #tpu.memory_space<hbm>> -> memref<125x40xi32, #tpu.memory_space<hbm>>
      tpu.wait_dma2 semaphore(%run_scoped3A : memref<!tpu.dma_semaphore, #tpu.memory_space<semaphore_mem>>) src(%dma_wait3A_25 : memref<125x40xi32, #tpu.memory_space<hbm>>) dst(%arg5 : memref<125x40xi32, #tpu.memory_space<vmem>>)
      tpu.yield
    }) : () -> ()
    %barrier3A = arith.constant 0 : index
    tpu.barrier barrier_id(%barrier3A)
    %scan3A = arith.constant 0 : i32
    %scan3A_7 = arith.constant 0 : i32
    %scan3A_8 = arith.constant 25 : i32
    %scan3A_9 = arith.addi %scan3A_7, %scan3A_8 : i32
    %scan3A_10 = arith.constant 1 : i32
    scf.for %scan3A_12 = %scan3A_7 to %scan3A_9 step %scan3A_10  : i32 {
      %mul3A_13 = arith.constant 5 : i32
      %mul3A_14 = arith.muli %scan3A_12, %mul3A_13 : i32
      %add3A_15 = arith.constant 0 : i32
      %add3A_16 = arith.addi %mul3A_14, %add3A_15 : i32
      %dma_start3A = arith.constant 0 : i32
      %dma_start3A_17 = tpu.memref_slice %arg5[%add3A_16, %dma_start3A] : memref<125x40xi32, #tpu.memory_space<vmem>> -> memref<1x40xi32, #tpu.memory_space<vmem>>
      %dma_start3A_18 = tpu.memref_squeeze %dma_start3A_17 : memref<1x40xi32, #tpu.memory_space<vmem>> -> memref<40xi32, #tpu.memory_space<vmem>>
      %dma_start3A_19 = arith.constant 0 : i32
      %dma_start3A_20 = arith.constant 0 : i32
      %dma_start3A_21 = tpu.memref_slice %arg11[%dma_start3A_19, %dma_start3A_20] : memref<10000x32xf32, #tpu.memory_space<vmem_shared>> -> memref<10000x32xf32, #tpu.memory_space<vmem_shared>>
      tpu.enqueue_indirect_dma source(%dma_start3A_21 : memref<10000x32xf32, #tpu.memory_space<vmem_shared>>) target(%arg6 : memref<40x32xf32, #tpu.memory_space<vmem>>) offsets(%dma_start3A_18 : memref<40xi32, #tpu.memory_space<vmem>>) semaphore(%arg12 : memref<!tpu.dma_semaphore, #tpu.memory_space<semaphore_mem>>)
      %mul3A_22 = arith.constant 5 : i32
      %mul3A_23 = arith.muli %scan3A_12, %mul3A_22 : i32
      %add3A_24 = arith.constant 1 : i32
      %add3A_25 = arith.addi %mul3A_23, %add3A_24 : i32
      %dma_start3A_26 = arith.constant 0 : i32
      %dma_start3A_27 = tpu.memref_slice %arg5[%add3A_25, %dma_start3A_26] : memref<125x40xi32, #tpu.memory_space<vmem>> -> memref<1x40xi32, #tpu.memory_space<vmem>>
      %dma_start3A_28 = tpu.memref_squeeze %dma_start3A_27 : memref<1x40xi32, #tpu.memory_space<vmem>> -> memref<40xi32, #tpu.memory_space<vmem>>
      %dma_start3A_29 = arith.constant 0 : i32
      %dma_start3A_30 = arith.constant 0 : i32
      %dma_start3A_31 = tpu.memref_slice %arg11[%dma_start3A_29, %dma_start3A_30] : memref<10000x32xf32, #tpu.memory_space<vmem_shared>> -> memref<10000x32xf32, #tpu.memory_space<vmem_shared>>
      tpu.enqueue_indirect_dma source(%dma_start3A_31 : memref<10000x32xf32, #tpu.memory_space<vmem_shared>>) target(%arg7 : memref<40x32xf32, #tpu.memory_space<vmem>>) offsets(%dma_start3A_28 : memref<40xi32, #tpu.memory_space<vmem>>) semaphore(%arg13 : memref<!tpu.dma_semaphore, #tpu.memory_space<semaphore_mem>>)
      %mul3A_32 = arith.constant 5 : i32
      %mul3A_33 = arith.muli %scan3A_12, %mul3A_32 : i32
      %add3A_34 = arith.constant 2 : i32
      %add3A_35 = arith.addi %mul3A_33, %add3A_34 : i32
      %dma_start3A_36 = arith.constant 0 : i32
      %dma_start3A_37 = tpu.memref_slice %arg5[%add3A_35, %dma_start3A_36] : memref<125x40xi32, #tpu.memory_space<vmem>> -> memref<1x40xi32, #tpu.memory_space<vmem>>
      %dma_start3A_38 = tpu.memref_squeeze %dma_start3A_37 : memref<1x40xi32, #tpu.memory_space<vmem>> -> memref<40xi32, #tpu.memory_space<vmem>>
      %dma_start3A_39 = arith.constant 0 : i32
      %dma_start3A_40 = arith.constant 0 : i32
      %dma_start3A_41 = tpu.memref_slice %arg11[%dma_start3A_39, %dma_start3A_40] : memref<10000x32xf32, #tpu.memory_space<vmem_shared>> -> memref<10000x32xf32, #tpu.memory_space<vmem_shared>>
      tpu.enqueue_indirect_dma source(%dma_start3A_41 : memref<10000x32xf32, #tpu.memory_space<vmem_shared>>) target(%arg8 : memref<40x32xf32, #tpu.memory_space<vmem>>) offsets(%dma_start3A_38 : memref<40xi32, #tpu.memory_space<vmem>>) semaphore(%arg14 : memref<!tpu.dma_semaphore, #tpu.memory_space<semaphore_mem>>)
      %mul3A_42 = arith.constant 5 : i32
      %mul3A_43 = arith.muli %scan3A_12, %mul3A_42 : i32
      %add3A_44 = arith.constant 3 : i32
      %add3A_45 = arith.addi %mul3A_43, %add3A_44 : i32
      %dma_start3A_46 = arith.constant 0 : i32
      %dma_start3A_47 = tpu.memref_slice %arg5[%add3A_45, %dma_start3A_46] : memref<125x40xi32, #tpu.memory_space<vmem>> -> memref<1x40xi32, #tpu.memory_space<vmem>>
      %dma_start3A_48 = tpu.memref_squeeze %dma_start3A_47 : memref<1x40xi32, #tpu.memory_space<vmem>> -> memref<40xi32, #tpu.memory_space<vmem>>
      %dma_start3A_49 = arith.constant 0 : i32
      %dma_start3A_50 = arith.constant 0 : i32
      %dma_start3A_51 = tpu.memref_slice %arg11[%dma_start3A_49, %dma_start3A_50] : memref<10000x32xf32, #tpu.memory_space<vmem_shared>> -> memref<10000x32xf32, #tpu.memory_space<vmem_shared>>
      tpu.enqueue_indirect_dma source(%dma_start3A_51 : memref<10000x32xf32, #tpu.memory_space<vmem_shared>>) target(%arg9 : memref<40x32xf32, #tpu.memory_space<vmem>>) offsets(%dma_start3A_48 : memref<40xi32, #tpu.memory_space<vmem>>) semaphore(%arg15 : memref<!tpu.dma_semaphore, #tpu.memory_space<semaphore_mem>>)
      %mul3A_52 = arith.constant 5 : i32
      %mul3A_53 = arith.muli %scan3A_12, %mul3A_52 : i32
      %add3A_54 = arith.constant 4 : i32
      %add3A_55 = arith.addi %mul3A_53, %add3A_54 : i32
      %dma_start3A_56 = arith.constant 0 : i32
      %dma_start3A_57 = tpu.memref_slice %arg5[%add3A_55, %dma_start3A_56] : memref<125x40xi32, #tpu.memory_space<vmem>> -> memref<1x40xi32, #tpu.memory_space<vmem>>
      %dma_start3A_58 = tpu.memref_squeeze %dma_start3A_57 : memref<1x40xi32, #tpu.memory_space<vmem>> -> memref<40xi32, #tpu.memory_space<vmem>>
      %dma_start3A_59 = arith.constant 0 : i32
      %dma_start3A_60 = arith.constant 0 : i32
      %dma_start3A_61 = tpu.memref_slice %arg11[%dma_start3A_59, %dma_start3A_60] : memref<10000x32xf32, #tpu.memory_space<vmem_shared>> -> memref<10000x32xf32, #tpu.memory_space<vmem_shared>>
      tpu.enqueue_indirect_dma source(%dma_start3A_61 : memref<10000x32xf32, #tpu.memory_space<vmem_shared>>) target(%arg10 : memref<40x32xf32, #tpu.memory_space<vmem>>) offsets(%dma_start3A_58 : memref<40xi32, #tpu.memory_space<vmem>>) semaphore(%arg16 : memref<!tpu.dma_semaphore, #tpu.memory_space<semaphore_mem>>)
      %dma_wait3A = arith.constant 0 : i32
      %dma_wait3A_62 = tpu.memref_slice %arg5[%add3A_16, %dma_wait3A] : memref<125x40xi32, #tpu.memory_space<vmem>> -> memref<1x40xi32, #tpu.memory_space<vmem>>
      %dma_wait3A_63 = tpu.memref_squeeze %dma_wait3A_62 : memref<1x40xi32, #tpu.memory_space<vmem>> -> memref<40xi32, #tpu.memory_space<vmem>>
      %dma_wait3A_64 = arith.constant 0 : i32
      %dma_wait3A_65 = arith.constant 0 : i32
      %dma_wait3A_66 = tpu.memref_slice %arg11[%dma_wait3A_64, %dma_wait3A_65] : memref<10000x32xf32, #tpu.memory_space<vmem_shared>> -> memref<10000x32xf32, #tpu.memory_space<vmem_shared>>
      tpu.wait_indirect_dma semaphore(%arg12 : memref<!tpu.dma_semaphore, #tpu.memory_space<semaphore_mem>>) src(%dma_wait3A_66 : memref<10000x32xf32, #tpu.memory_space<vmem_shared>>) dst(%arg6 : memref<40x32xf32, #tpu.memory_space<vmem>>)
      %mul3A_67 = arith.constant 5000 : i32
      %mul3A_68 = arith.muli %add3A, %mul3A_67 : i32
      %mul3A_69 = arith.constant 5 : i32
      %mul3A_70 = arith.muli %scan3A_12, %mul3A_69 : i32
      %add3A_71 = arith.constant 0 : i32
      %add3A_72 = arith.addi %mul3A_70, %add3A_71 : i32
      %mul3A_73 = arith.constant 40 : i32
      %mul3A_74 = arith.muli %add3A_72, %mul3A_73 : i32
      %add3A_75 = arith.addi %mul3A_68, %mul3A_74 : i32
      "tpu.region"() ({
        %run_scoped3A = tpu.sem_alloc : memref<!tpu.dma_semaphore, #tpu.memory_space<semaphore_mem>>
        %dma_start3A_136 = arith.constant 0 : i32
        %dma_start3A_137 = tpu.memref_slice %arg4[%add3A_75, %dma_start3A_136] : memref<160000x32xf32, #tpu.memory_space<hbm>> -> memref<40x32xf32, #tpu.memory_space<hbm>>
        %dma_start3A_138 = arith.constant 0 : i32
        %dma_start3A_139 = tpu.memref_slice %arg4[%add3A_75, %dma_start3A_138] : memref<160000x32xf32, #tpu.memory_space<hbm>> -> memref<40x32xf32, #tpu.memory_space<hbm>>
        tpu.enqueue_dma source(%arg6 : memref<40x32xf32, #tpu.memory_space<vmem>>) target(%dma_start3A_139 : memref<40x32xf32, #tpu.memory_space<hbm>>) target_semaphore(%run_scoped3A : memref<!tpu.dma_semaphore, #tpu.memory_space<semaphore_mem>>)
        %dma_wait3A_140 = arith.constant 0 : i32
        %dma_wait3A_141 = tpu.memref_slice %arg4[%add3A_75, %dma_wait3A_140] : memref<160000x32xf32, #tpu.memory_space<hbm>> -> memref<40x32xf32, #tpu.memory_space<hbm>>
        %dma_wait3A_142 = arith.constant 0 : i32
        %dma_wait3A_143 = tpu.memref_slice %arg4[%add3A_75, %dma_wait3A_142] : memref<160000x32xf32, #tpu.memory_space<hbm>> -> memref<40x32xf32, #tpu.memory_space<hbm>>
        tpu.wait_dma2 semaphore(%run_scoped3A : memref<!tpu.dma_semaphore, #tpu.memory_space<semaphore_mem>>) src(%arg6 : memref<40x32xf32, #tpu.memory_space<vmem>>) dst(%dma_wait3A_143 : memref<40x32xf32, #tpu.memory_space<hbm>>)
        tpu.yield
      }) : () -> ()
      %dma_wait3A_76 = arith.constant 0 : i32
      %dma_wait3A_77 = tpu.memref_slice %arg5[%add3A_25, %dma_wait3A_76] : memref<125x40xi32, #tpu.memory_space<vmem>> -> memref<1x40xi32, #tpu.memory_space<vmem>>
      %dma_wait3A_78 = tpu.memref_squeeze %dma_wait3A_77 : memref<1x40xi32, #tpu.memory_space<vmem>> -> memref<40xi32, #tpu.memory_space<vmem>>
      %dma_wait3A_79 = arith.constant 0 : i32
      %dma_wait3A_80 = arith.constant 0 : i32
      %dma_wait3A_81 = tpu.memref_slice %arg11[%dma_wait3A_79, %dma_wait3A_80] : memref<10000x32xf32, #tpu.memory_space<vmem_shared>> -> memref<10000x32xf32, #tpu.memory_space<vmem_shared>>
      tpu.wait_indirect_dma semaphore(%arg13 : memref<!tpu.dma_semaphore, #tpu.memory_space<semaphore_mem>>) src(%dma_wait3A_81 : memref<10000x32xf32, #tpu.memory_space<vmem_shared>>) dst(%arg7 : memref<40x32xf32, #tpu.memory_space<vmem>>)
      %mul3A_82 = arith.constant 5000 : i32
      %mul3A_83 = arith.muli %add3A, %mul3A_82 : i32
      %mul3A_84 = arith.constant 5 : i32
      %mul3A_85 = arith.muli %scan3A_12, %mul3A_84 : i32
      %add3A_86 = arith.constant 1 : i32
      %add3A_87 = arith.addi %mul3A_85, %add3A_86 : i32
      %mul3A_88 = arith.constant 40 : i32
      %mul3A_89 = arith.muli %add3A_87, %mul3A_88 : i32
      %add3A_90 = arith.addi %mul3A_83, %mul3A_89 : i32
      "tpu.region"() ({
        %run_scoped3A = tpu.sem_alloc : memref<!tpu.dma_semaphore, #tpu.memory_space<semaphore_mem>>
        %dma_start3A_136 = arith.constant 0 : i32
        %dma_start3A_137 = tpu.memref_slice %arg4[%add3A_90, %dma_start3A_136] : memref<160000x32xf32, #tpu.memory_space<hbm>> -> memref<40x32xf32, #tpu.memory_space<hbm>>
        %dma_start3A_138 = arith.constant 0 : i32
        %dma_start3A_139 = tpu.memref_slice %arg4[%add3A_90, %dma_start3A_138] : memref<160000x32xf32, #tpu.memory_space<hbm>> -> memref<40x32xf32, #tpu.memory_space<hbm>>
        tpu.enqueue_dma source(%arg7 : memref<40x32xf32, #tpu.memory_space<vmem>>) target(%dma_start3A_139 : memref<40x32xf32, #tpu.memory_space<hbm>>) target_semaphore(%run_scoped3A : memref<!tpu.dma_semaphore, #tpu.memory_space<semaphore_mem>>)
        %dma_wait3A_140 = arith.constant 0 : i32
        %dma_wait3A_141 = tpu.memref_slice %arg4[%add3A_90, %dma_wait3A_140] : memref<160000x32xf32, #tpu.memory_space<hbm>> -> memref<40x32xf32, #tpu.memory_space<hbm>>
        %dma_wait3A_142 = arith.constant 0 : i32
        %dma_wait3A_143 = tpu.memref_slice %arg4[%add3A_90, %dma_wait3A_142] : memref<160000x32xf32, #tpu.memory_space<hbm>> -> memref<40x32xf32, #tpu.memory_space<hbm>>
        tpu.wait_dma2 semaphore(%run_scoped3A : memref<!tpu.dma_semaphore, #tpu.memory_space<semaphore_mem>>) src(%arg7 : memref<40x32xf32, #tpu.memory_space<vmem>>) dst(%dma_wait3A_143 : memref<40x32xf32, #tpu.memory_space<hbm>>)
        tpu.yield
      }) : () -> ()
      %dma_wait3A_91 = arith.constant 0 : i32
      %dma_wait3A_92 = tpu.memref_slice %arg5[%add3A_35, %dma_wait3A_91] : memref<125x40xi32, #tpu.memory_space<vmem>> -> memref<1x40xi32, #tpu.memory_space<vmem>>
      %dma_wait3A_93 = tpu.memref_squeeze %dma_wait3A_92 : memref<1x40xi32, #tpu.memory_space<vmem>> -> memref<40xi32, #tpu.memory_space<vmem>>
      %dma_wait3A_94 = arith.constant 0 : i32
      %dma_wait3A_95 = arith.constant 0 : i32
      %dma_wait3A_96 = tpu.memref_slice %arg11[%dma_wait3A_94, %dma_wait3A_95] : memref<10000x32xf32, #tpu.memory_space<vmem_shared>> -> memref<10000x32xf32, #tpu.memory_space<vmem_shared>>
      tpu.wait_indirect_dma semaphore(%arg14 : memref<!tpu.dma_semaphore, #tpu.memory_space<semaphore_mem>>) src(%dma_wait3A_96 : memref<10000x32xf32, #tpu.memory_space<vmem_shared>>) dst(%arg8 : memref<40x32xf32, #tpu.memory_space<vmem>>)
      %mul3A_97 = arith.constant 5000 : i32
      %mul3A_98 = arith.muli %add3A, %mul3A_97 : i32
      %mul3A_99 = arith.constant 5 : i32
      %mul3A_100 = arith.muli %scan3A_12, %mul3A_99 : i32
      %add3A_101 = arith.constant 2 : i32
      %add3A_102 = arith.addi %mul3A_100, %add3A_101 : i32
      %mul3A_103 = arith.constant 40 : i32
      %mul3A_104 = arith.muli %add3A_102, %mul3A_103 : i32
      %add3A_105 = arith.addi %mul3A_98, %mul3A_104 : i32
      "tpu.region"() ({
        %run_scoped3A = tpu.sem_alloc : memref<!tpu.dma_semaphore, #tpu.memory_space<semaphore_mem>>
        %dma_start3A_136 = arith.constant 0 : i32
        %dma_start3A_137 = tpu.memref_slice %arg4[%add3A_105, %dma_start3A_136] : memref<160000x32xf32, #tpu.memory_space<hbm>> -> memref<40x32xf32, #tpu.memory_space<hbm>>
        %dma_start3A_138 = arith.constant 0 : i32
        %dma_start3A_139 = tpu.memref_slice %arg4[%add3A_105, %dma_start3A_138] : memref<160000x32xf32, #tpu.memory_space<hbm>> -> memref<40x32xf32, #tpu.memory_space<hbm>>
        tpu.enqueue_dma source(%arg8 : memref<40x32xf32, #tpu.memory_space<vmem>>) target(%dma_start3A_139 : memref<40x32xf32, #tpu.memory_space<hbm>>) target_semaphore(%run_scoped3A : memref<!tpu.dma_semaphore, #tpu.memory_space<semaphore_mem>>)
        %dma_wait3A_140 = arith.constant 0 : i32
        %dma_wait3A_141 = tpu.memref_slice %arg4[%add3A_105, %dma_wait3A_140] : memref<160000x32xf32, #tpu.memory_space<hbm>> -> memref<40x32xf32, #tpu.memory_space<hbm>>
        %dma_wait3A_142 = arith.constant 0 : i32
        %dma_wait3A_143 = tpu.memref_slice %arg4[%add3A_105, %dma_wait3A_142] : memref<160000x32xf32, #tpu.memory_space<hbm>> -> memref<40x32xf32, #tpu.memory_space<hbm>>
        tpu.wait_dma2 semaphore(%run_scoped3A : memref<!tpu.dma_semaphore, #tpu.memory_space<semaphore_mem>>) src(%arg8 : memref<40x32xf32, #tpu.memory_space<vmem>>) dst(%dma_wait3A_143 : memref<40x32xf32, #tpu.memory_space<hbm>>)
        tpu.yield
      }) : () -> ()
      %dma_wait3A_106 = arith.constant 0 : i32
      %dma_wait3A_107 = tpu.memref_slice %arg5[%add3A_45, %dma_wait3A_106] : memref<125x40xi32, #tpu.memory_space<vmem>> -> memref<1x40xi32, #tpu.memory_space<vmem>>
      %dma_wait3A_108 = tpu.memref_squeeze %dma_wait3A_107 : memref<1x40xi32, #tpu.memory_space<vmem>> -> memref<40xi32, #tpu.memory_space<vmem>>
      %dma_wait3A_109 = arith.constant 0 : i32
      %dma_wait3A_110 = arith.constant 0 : i32
      %dma_wait3A_111 = tpu.memref_slice %arg11[%dma_wait3A_109, %dma_wait3A_110] : memref<10000x32xf32, #tpu.memory_space<vmem_shared>> -> memref<10000x32xf32, #tpu.memory_space<vmem_shared>>
      tpu.wait_indirect_dma semaphore(%arg15 : memref<!tpu.dma_semaphore, #tpu.memory_space<semaphore_mem>>) src(%dma_wait3A_111 : memref<10000x32xf32, #tpu.memory_space<vmem_shared>>) dst(%arg9 : memref<40x32xf32, #tpu.memory_space<vmem>>)
      %mul3A_112 = arith.constant 5000 : i32
      %mul3A_113 = arith.muli %add3A, %mul3A_112 : i32
      %mul3A_114 = arith.constant 5 : i32
      %mul3A_115 = arith.muli %scan3A_12, %mul3A_114 : i32
      %add3A_116 = arith.constant 3 : i32
      %add3A_117 = arith.addi %mul3A_115, %add3A_116 : i32
      %mul3A_118 = arith.constant 40 : i32
      %mul3A_119 = arith.muli %add3A_117, %mul3A_118 : i32
      %add3A_120 = arith.addi %mul3A_113, %mul3A_119 : i32
      "tpu.region"() ({
        %run_scoped3A = tpu.sem_alloc : memref<!tpu.dma_semaphore, #tpu.memory_space<semaphore_mem>>
        %dma_start3A_136 = arith.constant 0 : i32
        %dma_start3A_137 = tpu.memref_slice %arg4[%add3A_120, %dma_start3A_136] : memref<160000x32xf32, #tpu.memory_space<hbm>> -> memref<40x32xf32, #tpu.memory_space<hbm>>
        %dma_start3A_138 = arith.constant 0 : i32
        %dma_start3A_139 = tpu.memref_slice %arg4[%add3A_120, %dma_start3A_138] : memref<160000x32xf32, #tpu.memory_space<hbm>> -> memref<40x32xf32, #tpu.memory_space<hbm>>
        tpu.enqueue_dma source(%arg9 : memref<40x32xf32, #tpu.memory_space<vmem>>) target(%dma_start3A_139 : memref<40x32xf32, #tpu.memory_space<hbm>>) target_semaphore(%run_scoped3A : memref<!tpu.dma_semaphore, #tpu.memory_space<semaphore_mem>>)
        %dma_wait3A_140 = arith.constant 0 : i32
        %dma_wait3A_141 = tpu.memref_slice %arg4[%add3A_120, %dma_wait3A_140] : memref<160000x32xf32, #tpu.memory_space<hbm>> -> memref<40x32xf32, #tpu.memory_space<hbm>>
        %dma_wait3A_142 = arith.constant 0 : i32
        %dma_wait3A_143 = tpu.memref_slice %arg4[%add3A_120, %dma_wait3A_142] : memref<160000x32xf32, #tpu.memory_space<hbm>> -> memref<40x32xf32, #tpu.memory_space<hbm>>
        tpu.wait_dma2 semaphore(%run_scoped3A : memref<!tpu.dma_semaphore, #tpu.memory_space<semaphore_mem>>) src(%arg9 : memref<40x32xf32, #tpu.memory_space<vmem>>) dst(%dma_wait3A_143 : memref<40x32xf32, #tpu.memory_space<hbm>>)
        tpu.yield
      }) : () -> ()
      %dma_wait3A_121 = arith.constant 0 : i32
      %dma_wait3A_122 = tpu.memref_slice %arg5[%add3A_55, %dma_wait3A_121] : memref<125x40xi32, #tpu.memory_space<vmem>> -> memref<1x40xi32, #tpu.memory_space<vmem>>
      %dma_wait3A_123 = tpu.memref_squeeze %dma_wait3A_122 : memref<1x40xi32, #tpu.memory_space<vmem>> -> memref<40xi32, #tpu.memory_space<vmem>>
      %dma_wait3A_124 = arith.constant 0 : i32
      %dma_wait3A_125 = arith.constant 0 : i32
      %dma_wait3A_126 = tpu.memref_slice %arg11[%dma_wait3A_124, %dma_wait3A_125] : memref<10000x32xf32, #tpu.memory_space<vmem_shared>> -> memref<10000x32xf32, #tpu.memory_space<vmem_shared>>
      tpu.wait_indirect_dma semaphore(%arg16 : memref<!tpu.dma_semaphore, #tpu.memory_space<semaphore_mem>>) src(%dma_wait3A_126 : memref<10000x32xf32, #tpu.memory_space<vmem_shared>>) dst(%arg10 : memref<40x32xf32, #tpu.memory_space<vmem>>)
      %mul3A_127 = arith.constant 5000 : i32
      %mul3A_128 = arith.muli %add3A, %mul3A_127 : i32
      %mul3A_129 = arith.constant 5 : i32
      %mul3A_130 = arith.muli %scan3A_12, %mul3A_129 : i32
      %add3A_131 = arith.constant 4 : i32
      %add3A_132 = arith.addi %mul3A_130, %add3A_131 : i32
      %mul3A_133 = arith.constant 40 : i32
      %mul3A_134 = arith.muli %add3A_132, %mul3A_133 : i32
      %add3A_135 = arith.addi %mul3A_128, %mul3A_134 : i32
      "tpu.region"() ({
        %run_scoped3A = tpu.sem_alloc : memref<!tpu.dma_semaphore, #tpu.memory_space<semaphore_mem>>
        %dma_start3A_136 = arith.constant 0 : i32
        %dma_start3A_137 = tpu.memref_slice %arg4[%add3A_135, %dma_start3A_136] : memref<160000x32xf32, #tpu.memory_space<hbm>> -> memref<40x32xf32, #tpu.memory_space<hbm>>
        %dma_start3A_138 = arith.constant 0 : i32
        %dma_start3A_139 = tpu.memref_slice %arg4[%add3A_135, %dma_start3A_138] : memref<160000x32xf32, #tpu.memory_space<hbm>> -> memref<40x32xf32, #tpu.memory_space<hbm>>
        tpu.enqueue_dma source(%arg10 : memref<40x32xf32, #tpu.memory_space<vmem>>) target(%dma_start3A_139 : memref<40x32xf32, #tpu.memory_space<hbm>>) target_semaphore(%run_scoped3A : memref<!tpu.dma_semaphore, #tpu.memory_space<semaphore_mem>>)
        %dma_wait3A_140 = arith.constant 0 : i32
        %dma_wait3A_141 = tpu.memref_slice %arg4[%add3A_135, %dma_wait3A_140] : memref<160000x32xf32, #tpu.memory_space<hbm>> -> memref<40x32xf32, #tpu.memory_space<hbm>>
        %dma_wait3A_142 = arith.constant 0 : i32
        %dma_wait3A_143 = tpu.memref_slice %arg4[%add3A_135, %dma_wait3A_142] : memref<160000x32xf32, #tpu.memory_space<hbm>> -> memref<40x32xf32, #tpu.memory_space<hbm>>
        tpu.wait_dma2 semaphore(%run_scoped3A : memref<!tpu.dma_semaphore, #tpu.memory_space<semaphore_mem>>) src(%arg10 : memref<40x32xf32, #tpu.memory_space<vmem>>) dst(%dma_wait3A_143 : memref<40x32xf32, #tpu.memory_space<hbm>>)
        tpu.yield
      }) : () -> ()
    }
    %scan3A_11 = arith.constant 25 : i32
    return
  }
}

#map = affine_map<(d0, d1) -> (0, 0)>
#map1 = affine_map<(d0, d1) -> (0, 0, 0)>
module attributes {stable_mosaic.version = 14 : i64} {
  func.func @k(%arg0: i32, %arg1: i32, %arg2: memref<160000x32xf32, #tpu.memory_space<hbm>>, %arg3: memref<32x125x40xi32, #tpu.memory_space<hbm>>, %arg4: memref<10000x32xf32, #tpu.memory_space<hbm>>, %arg5: memref<2x10000x32xf32, #tpu.memory_space<hbm>>, %arg6: memref<125x40xi32, #tpu.memory_space<vmem>>, %arg7: memref<40x32xf32, #tpu.memory_space<vmem>>, %arg8: memref<10000x32xf32, #tpu.memory_space<vmem_shared>>) attributes {dimension_semantics = [#tpu.dimension_semantics<core_parallel>, #tpu.dimension_semantics<subcore_parallel>], iteration_bounds = array<i64: 2, 16>, scalar_prefetch = 0 : i64, scratch_operands = 3 : i64, tpu.core_type = #tpu.core_type<sc_vector_subcore>, window_params = [{transform_indices = #map}, {transform_indices = #map1}, {transform_indices = #map}, {transform_indices = #map1}]} {
    %mul3A = arith.constant 2 : i32
    %mul3A_0 = arith.muli %arg1, %mul3A : i32
    %add3A = arith.addi %mul3A_0, %arg0 : i32
    %mul3A_1 = arith.constant 624 : i32
    %mul3A_2 = arith.muli %arg1, %mul3A_1 : i32
    %mul3A_3 = arith.constant 624 : i32
    %mul3A_4 = arith.muli %arg1, %mul3A_3 : i32
    "tpu.region"() ({
      %run_scoped3A = tpu.sem_alloc : memref<!tpu.dma_semaphore, #tpu.memory_space<semaphore_mem>>
      %dma_start3A = arith.constant 0 : i32
      %dma_start3A_22 = tpu.memref_slice %arg8[%mul3A_4, %dma_start3A] : memref<10000x32xf32, #tpu.memory_space<vmem_shared>> -> memref<624x32xf32, #tpu.memory_space<vmem_shared>>
      %dma_start3A_23 = arith.constant 0 : i32
      %dma_start3A_24 = tpu.memref_slice %arg4[%mul3A_2, %dma_start3A_23] : memref<10000x32xf32, #tpu.memory_space<hbm>> -> memref<624x32xf32, #tpu.memory_space<hbm>>
      tpu.enqueue_dma source(%dma_start3A_24 : memref<624x32xf32, #tpu.memory_space<hbm>>) target(%dma_start3A_22 : memref<624x32xf32, #tpu.memory_space<vmem_shared>>) target_semaphore(%run_scoped3A : memref<!tpu.dma_semaphore, #tpu.memory_space<semaphore_mem>>)
      %dma_wait3A = arith.constant 0 : i32
      %dma_wait3A_25 = tpu.memref_slice %arg8[%mul3A_4, %dma_wait3A] : memref<10000x32xf32, #tpu.memory_space<vmem_shared>> -> memref<624x32xf32, #tpu.memory_space<vmem_shared>>
      %dma_wait3A_26 = arith.constant 0 : i32
      %dma_wait3A_27 = tpu.memref_slice %arg4[%mul3A_2, %dma_wait3A_26] : memref<10000x32xf32, #tpu.memory_space<hbm>> -> memref<624x32xf32, #tpu.memory_space<hbm>>
      tpu.wait_dma2 semaphore(%run_scoped3A : memref<!tpu.dma_semaphore, #tpu.memory_space<semaphore_mem>>) src(%dma_wait3A_27 : memref<624x32xf32, #tpu.memory_space<hbm>>) dst(%dma_wait3A_25 : memref<624x32xf32, #tpu.memory_space<vmem_shared>>)
      tpu.yield
    }) : () -> ()
    %eq3A = arith.constant 0 : i32
    %eq3A_5 = arith.cmpi eq, %arg1, %eq3A : i32
    %convert_element_type3A = arith.extui %eq3A_5 : i1 to i32
    %cond3A = arith.constant 0 : i32
    %cond3A_6 = arith.cmpi ne, %convert_element_type3A, %cond3A : i32
    scf.if %cond3A_6 {
      "tpu.region"() ({
        %run_scoped3A = tpu.sem_alloc : memref<!tpu.dma_semaphore, #tpu.memory_space<semaphore_mem>>
        %dma_start3A = arith.constant 9984 : i32
        %dma_start3A_22 = arith.constant 0 : i32
        %dma_start3A_23 = tpu.memref_slice %arg8[%dma_start3A, %dma_start3A_22] : memref<10000x32xf32, #tpu.memory_space<vmem_shared>> -> memref<16x32xf32, #tpu.memory_space<vmem_shared>>
        %dma_start3A_24 = arith.constant 9984 : i32
        %dma_start3A_25 = arith.constant 0 : i32
        %dma_start3A_26 = tpu.memref_slice %arg4[%dma_start3A_24, %dma_start3A_25] : memref<10000x32xf32, #tpu.memory_space<hbm>> -> memref<16x32xf32, #tpu.memory_space<hbm>>
        tpu.enqueue_dma source(%dma_start3A_26 : memref<16x32xf32, #tpu.memory_space<hbm>>) target(%dma_start3A_23 : memref<16x32xf32, #tpu.memory_space<vmem_shared>>) target_semaphore(%run_scoped3A : memref<!tpu.dma_semaphore, #tpu.memory_space<semaphore_mem>>)
        %dma_wait3A = arith.constant 9984 : i32
        %dma_wait3A_27 = arith.constant 0 : i32
        %dma_wait3A_28 = tpu.memref_slice %arg8[%dma_wait3A, %dma_wait3A_27] : memref<10000x32xf32, #tpu.memory_space<vmem_shared>> -> memref<16x32xf32, #tpu.memory_space<vmem_shared>>
        %dma_wait3A_29 = arith.constant 9984 : i32
        %dma_wait3A_30 = arith.constant 0 : i32
        %dma_wait3A_31 = tpu.memref_slice %arg4[%dma_wait3A_29, %dma_wait3A_30] : memref<10000x32xf32, #tpu.memory_space<hbm>> -> memref<16x32xf32, #tpu.memory_space<hbm>>
        tpu.wait_dma2 semaphore(%run_scoped3A : memref<!tpu.dma_semaphore, #tpu.memory_space<semaphore_mem>>) src(%dma_wait3A_31 : memref<16x32xf32, #tpu.memory_space<hbm>>) dst(%dma_wait3A_28 : memref<16x32xf32, #tpu.memory_space<vmem_shared>>)
        tpu.yield
      }) : () -> ()
    } else {
    }
    "tpu.region"() ({
      %run_scoped3A = tpu.sem_alloc : memref<!tpu.dma_semaphore, #tpu.memory_space<semaphore_mem>>
      %dma_start3A = arith.constant 0 : i32
      %dma_start3A_22 = arith.constant 0 : i32
      %dma_start3A_23 = tpu.memref_slice %arg3[%add3A, %dma_start3A, %dma_start3A_22] : memref<32x125x40xi32, #tpu.memory_space<hbm>> -> memref<1x125x40xi32, #tpu.memory_space<hbm>>
      %dma_start3A_24 = tpu.memref_squeeze %dma_start3A_23 : memref<1x125x40xi32, #tpu.memory_space<hbm>> -> memref<125x40xi32, #tpu.memory_space<hbm>>
      %dma_start3A_25 = arith.constant 0 : i32
      %dma_start3A_26 = arith.constant 0 : i32
      %dma_start3A_27 = tpu.memref_slice %arg3[%add3A, %dma_start3A_25, %dma_start3A_26] : memref<32x125x40xi32, #tpu.memory_space<hbm>> -> memref<1x125x40xi32, #tpu.memory_space<hbm>>
      %dma_start3A_28 = tpu.memref_squeeze %dma_start3A_27 : memref<1x125x40xi32, #tpu.memory_space<hbm>> -> memref<125x40xi32, #tpu.memory_space<hbm>>
      tpu.enqueue_dma source(%dma_start3A_28 : memref<125x40xi32, #tpu.memory_space<hbm>>) target(%arg6 : memref<125x40xi32, #tpu.memory_space<vmem>>) target_semaphore(%run_scoped3A : memref<!tpu.dma_semaphore, #tpu.memory_space<semaphore_mem>>)
      %dma_wait3A = arith.constant 0 : i32
      %dma_wait3A_29 = arith.constant 0 : i32
      %dma_wait3A_30 = tpu.memref_slice %arg3[%add3A, %dma_wait3A, %dma_wait3A_29] : memref<32x125x40xi32, #tpu.memory_space<hbm>> -> memref<1x125x40xi32, #tpu.memory_space<hbm>>
      %dma_wait3A_31 = tpu.memref_squeeze %dma_wait3A_30 : memref<1x125x40xi32, #tpu.memory_space<hbm>> -> memref<125x40xi32, #tpu.memory_space<hbm>>
      %dma_wait3A_32 = arith.constant 0 : i32
      %dma_wait3A_33 = arith.constant 0 : i32
      %dma_wait3A_34 = tpu.memref_slice %arg3[%add3A, %dma_wait3A_32, %dma_wait3A_33] : memref<32x125x40xi32, #tpu.memory_space<hbm>> -> memref<1x125x40xi32, #tpu.memory_space<hbm>>
      %dma_wait3A_35 = tpu.memref_squeeze %dma_wait3A_34 : memref<1x125x40xi32, #tpu.memory_space<hbm>> -> memref<125x40xi32, #tpu.memory_space<hbm>>
      tpu.wait_dma2 semaphore(%run_scoped3A : memref<!tpu.dma_semaphore, #tpu.memory_space<semaphore_mem>>) src(%dma_wait3A_35 : memref<125x40xi32, #tpu.memory_space<hbm>>) dst(%arg6 : memref<125x40xi32, #tpu.memory_space<vmem>>)
      tpu.yield
    }) : () -> ()
    %barrier3A = arith.constant 0 : index
    tpu.barrier barrier_id(%barrier3A)
    %scan3A = arith.constant 0 : i32
    %scan3A_7 = arith.constant 0 : i32
    %scan3A_8 = arith.constant 125 : i32
    %scan3A_9 = arith.addi %scan3A_7, %scan3A_8 : i32
    %scan3A_10 = arith.constant 1 : i32
    scf.for %scan3A_22 = %scan3A_7 to %scan3A_9 step %scan3A_10  : i32 {
      %mul3A_23 = arith.constant 5000 : i32
      %mul3A_24 = arith.muli %add3A, %mul3A_23 : i32
      %mul3A_25 = arith.constant 40 : i32
      %mul3A_26 = arith.muli %scan3A_22, %mul3A_25 : i32
      %add3A_27 = arith.addi %mul3A_24, %mul3A_26 : i32
      "tpu.region"() ({
        %run_scoped3A = tpu.sem_alloc : memref<!tpu.dma_semaphore, #tpu.memory_space<semaphore_mem>>
        %dma_start3A = arith.constant 0 : i32
        %dma_start3A_28 = tpu.memref_slice %arg2[%add3A_27, %dma_start3A] : memref<160000x32xf32, #tpu.memory_space<hbm>> -> memref<40x32xf32, #tpu.memory_space<hbm>>
        %dma_start3A_29 = arith.constant 0 : i32
        %dma_start3A_30 = tpu.memref_slice %arg2[%add3A_27, %dma_start3A_29] : memref<160000x32xf32, #tpu.memory_space<hbm>> -> memref<40x32xf32, #tpu.memory_space<hbm>>
        tpu.enqueue_dma source(%dma_start3A_30 : memref<40x32xf32, #tpu.memory_space<hbm>>) target(%arg7 : memref<40x32xf32, #tpu.memory_space<vmem>>) target_semaphore(%run_scoped3A : memref<!tpu.dma_semaphore, #tpu.memory_space<semaphore_mem>>)
        %dma_wait3A = arith.constant 0 : i32
        %dma_wait3A_31 = tpu.memref_slice %arg2[%add3A_27, %dma_wait3A] : memref<160000x32xf32, #tpu.memory_space<hbm>> -> memref<40x32xf32, #tpu.memory_space<hbm>>
        %dma_wait3A_32 = arith.constant 0 : i32
        %dma_wait3A_33 = tpu.memref_slice %arg2[%add3A_27, %dma_wait3A_32] : memref<160000x32xf32, #tpu.memory_space<hbm>> -> memref<40x32xf32, #tpu.memory_space<hbm>>
        tpu.wait_dma2 semaphore(%run_scoped3A : memref<!tpu.dma_semaphore, #tpu.memory_space<semaphore_mem>>) src(%dma_wait3A_33 : memref<40x32xf32, #tpu.memory_space<hbm>>) dst(%arg7 : memref<40x32xf32, #tpu.memory_space<vmem>>)
        tpu.yield
      }) : () -> ()
      "tpu.region"() ({
        %run_scoped3A = tpu.sem_alloc : memref<!tpu.dma_semaphore, #tpu.memory_space<semaphore_mem>>
        %dma_start3A = arith.constant 0 : i32
        %dma_start3A_28 = tpu.memref_slice %arg6[%scan3A_22, %dma_start3A] : memref<125x40xi32, #tpu.memory_space<vmem>> -> memref<1x40xi32, #tpu.memory_space<vmem>>
        %dma_start3A_29 = tpu.memref_squeeze %dma_start3A_28 : memref<1x40xi32, #tpu.memory_space<vmem>> -> memref<40xi32, #tpu.memory_space<vmem>>
        %dma_start3A_30 = arith.constant 0 : i32
        %dma_start3A_31 = arith.constant 0 : i32
        %dma_start3A_32 = tpu.memref_slice %arg8[%dma_start3A_30, %dma_start3A_31] : memref<10000x32xf32, #tpu.memory_space<vmem_shared>> -> memref<10000x32xf32, #tpu.memory_space<vmem_shared>>
        tpu.enqueue_indirect_dma source(%arg7 : memref<40x32xf32, #tpu.memory_space<vmem>>) target(%dma_start3A_32 : memref<10000x32xf32, #tpu.memory_space<vmem_shared>>) offsets(%dma_start3A_29 : memref<40xi32, #tpu.memory_space<vmem>>) semaphore(%run_scoped3A : memref<!tpu.dma_semaphore, #tpu.memory_space<semaphore_mem>>) {add = true}
        %dma_wait3A = arith.constant 0 : i32
        %dma_wait3A_33 = tpu.memref_slice %arg6[%scan3A_22, %dma_wait3A] : memref<125x40xi32, #tpu.memory_space<vmem>> -> memref<1x40xi32, #tpu.memory_space<vmem>>
        %dma_wait3A_34 = tpu.memref_squeeze %dma_wait3A_33 : memref<1x40xi32, #tpu.memory_space<vmem>> -> memref<40xi32, #tpu.memory_space<vmem>>
        %dma_wait3A_35 = arith.constant 0 : i32
        %dma_wait3A_36 = arith.constant 0 : i32
        %dma_wait3A_37 = tpu.memref_slice %arg8[%dma_wait3A_35, %dma_wait3A_36] : memref<10000x32xf32, #tpu.memory_space<vmem_shared>> -> memref<10000x32xf32, #tpu.memory_space<vmem_shared>>
        tpu.wait_indirect_dma semaphore(%run_scoped3A : memref<!tpu.dma_semaphore, #tpu.memory_space<semaphore_mem>>) src(%arg7 : memref<40x32xf32, #tpu.memory_space<vmem>>) dst(%dma_wait3A_37 : memref<10000x32xf32, #tpu.memory_space<vmem_shared>>)
        tpu.yield
      }) : () -> ()
    }
    %scan3A_11 = arith.constant 125 : i32
    %barrier3A_12 = arith.constant 0 : index
    tpu.barrier barrier_id(%barrier3A_12)
    %mul3A_13 = arith.constant 624 : i32
    %mul3A_14 = arith.muli %arg1, %mul3A_13 : i32
    %mul3A_15 = arith.constant 624 : i32
    %mul3A_16 = arith.muli %arg1, %mul3A_15 : i32
    "tpu.region"() ({
      %run_scoped3A = tpu.sem_alloc : memref<!tpu.dma_semaphore, #tpu.memory_space<semaphore_mem>>
      %dma_start3A = arith.constant 0 : i32
      %dma_start3A_22 = tpu.memref_slice %arg5[%arg0, %mul3A_16, %dma_start3A] : memref<2x10000x32xf32, #tpu.memory_space<hbm>> -> memref<1x624x32xf32, #tpu.memory_space<hbm>>
      %dma_start3A_23 = tpu.memref_squeeze %dma_start3A_22 : memref<1x624x32xf32, #tpu.memory_space<hbm>> -> memref<624x32xf32, #tpu.memory_space<hbm>>
      %dma_start3A_24 = arith.constant 0 : i32
      %dma_start3A_25 = tpu.memref_slice %arg8[%mul3A_14, %dma_start3A_24] : memref<10000x32xf32, #tpu.memory_space<vmem_shared>> -> memref<624x32xf32, #tpu.memory_space<vmem_shared>>
      tpu.enqueue_dma source(%dma_start3A_25 : memref<624x32xf32, #tpu.memory_space<vmem_shared>>) target(%dma_start3A_23 : memref<624x32xf32, #tpu.memory_space<hbm>>) target_semaphore(%run_scoped3A : memref<!tpu.dma_semaphore, #tpu.memory_space<semaphore_mem>>)
      %dma_wait3A = arith.constant 0 : i32
      %dma_wait3A_26 = tpu.memref_slice %arg5[%arg0, %mul3A_16, %dma_wait3A] : memref<2x10000x32xf32, #tpu.memory_space<hbm>> -> memref<1x624x32xf32, #tpu.memory_space<hbm>>
      %dma_wait3A_27 = tpu.memref_squeeze %dma_wait3A_26 : memref<1x624x32xf32, #tpu.memory_space<hbm>> -> memref<624x32xf32, #tpu.memory_space<hbm>>
      %dma_wait3A_28 = arith.constant 0 : i32
      %dma_wait3A_29 = tpu.memref_slice %arg8[%mul3A_14, %dma_wait3A_28] : memref<10000x32xf32, #tpu.memory_space<vmem_shared>> -> memref<624x32xf32, #tpu.memory_space<vmem_shared>>
      tpu.wait_dma2 semaphore(%run_scoped3A : memref<!tpu.dma_semaphore, #tpu.memory_space<semaphore_mem>>) src(%dma_wait3A_29 : memref<624x32xf32, #tpu.memory_space<vmem_shared>>) dst(%dma_wait3A_27 : memref<624x32xf32, #tpu.memory_space<hbm>>)
      tpu.yield
    }) : () -> ()
    %eq3A_17 = arith.constant 0 : i32
    %eq3A_18 = arith.cmpi eq, %arg1, %eq3A_17 : i32
    %convert_element_type3A_19 = arith.extui %eq3A_18 : i1 to i32
    %cond3A_20 = arith.constant 0 : i32
    %cond3A_21 = arith.cmpi ne, %convert_element_type3A_19, %cond3A_20 : i32
    scf.if %cond3A_21 {
      "tpu.region"() ({
        %run_scoped3A = tpu.sem_alloc : memref<!tpu.dma_semaphore, #tpu.memory_space<semaphore_mem>>
        %dma_start3A = arith.constant 9984 : i32
        %dma_start3A_22 = arith.constant 0 : i32
        %dma_start3A_23 = tpu.memref_slice %arg5[%arg0, %dma_start3A, %dma_start3A_22] : memref<2x10000x32xf32, #tpu.memory_space<hbm>> -> memref<1x16x32xf32, #tpu.memory_space<hbm>>
        %dma_start3A_24 = tpu.memref_squeeze %dma_start3A_23 : memref<1x16x32xf32, #tpu.memory_space<hbm>> -> memref<16x32xf32, #tpu.memory_space<hbm>>
        %dma_start3A_25 = arith.constant 9984 : i32
        %dma_start3A_26 = arith.constant 0 : i32
        %dma_start3A_27 = tpu.memref_slice %arg8[%dma_start3A_25, %dma_start3A_26] : memref<10000x32xf32, #tpu.memory_space<vmem_shared>> -> memref<16x32xf32, #tpu.memory_space<vmem_shared>>
        tpu.enqueue_dma source(%dma_start3A_27 : memref<16x32xf32, #tpu.memory_space<vmem_shared>>) target(%dma_start3A_24 : memref<16x32xf32, #tpu.memory_space<hbm>>) target_semaphore(%run_scoped3A : memref<!tpu.dma_semaphore, #tpu.memory_space<semaphore_mem>>)
        %dma_wait3A = arith.constant 9984 : i32
        %dma_wait3A_28 = arith.constant 0 : i32
        %dma_wait3A_29 = tpu.memref_slice %arg5[%arg0, %dma_wait3A, %dma_wait3A_28] : memref<2x10000x32xf32, #tpu.memory_space<hbm>> -> memref<1x16x32xf32, #tpu.memory_space<hbm>>
        %dma_wait3A_30 = tpu.memref_squeeze %dma_wait3A_29 : memref<1x16x32xf32, #tpu.memory_space<hbm>> -> memref<16x32xf32, #tpu.memory_space<hbm>>
        %dma_wait3A_31 = arith.constant 9984 : i32
        %dma_wait3A_32 = arith.constant 0 : i32
        %dma_wait3A_33 = tpu.memref_slice %arg8[%dma_wait3A_31, %dma_wait3A_32] : memref<10000x32xf32, #tpu.memory_space<vmem_shared>> -> memref<16x32xf32, #tpu.memory_space<vmem_shared>>
        tpu.wait_dma2 semaphore(%run_scoped3A : memref<!tpu.dma_semaphore, #tpu.memory_space<semaphore_mem>>) src(%dma_wait3A_33 : memref<16x32xf32, #tpu.memory_space<vmem_shared>>) dst(%dma_wait3A_30 : memref<16x32xf32, #tpu.memory_space<hbm>>)
        tpu.yield
      }) : () -> ()
    } else {
    }
    return
  }
}

module attributes {stable_mosaic.version = 14 : i64} {
  func.func @_msg_body(%arg0: i32, %arg1: memref<2000x32xf32, #tpu.memory_space<vmem>>, %arg2: memref<2000x32xf32, #tpu.memory_space<vmem>>, %arg3: memref<32x1024xf32, #tpu.memory_space<vmem>>, %arg4: memref<1x1024xf32, #tpu.memory_space<vmem>>, %arg5: memref<32x1024xf32, #tpu.memory_space<vmem>>, %arg6: memref<1024x32xf32, #tpu.memory_space<vmem>>, %arg7: memref<2000x32xf32, #tpu.memory_space<vmem>>) attributes {dimension_semantics = [#tpu.dimension_semantics<arbitrary>], iteration_bounds = array<i64: 80>, scalar_prefetch = 0 : i64, scratch_operands = 0 : i64, tpu.core_type = #tpu.core_type<tc>, window_params = [{transform_indices = @transform_0, window_bounds = array<i64: 2000, 32>}, {transform_indices = @transform_1, window_bounds = array<i64: 2000, 32>}, {pipeline_mode = #tpu.pipeline_mode<synchronous>, transform_indices = @transform_2, window_bounds = array<i64: 32, 1024>}, {pipeline_mode = #tpu.pipeline_mode<synchronous>, transform_indices = @transform_3, window_bounds = array<i64: 1, 1024>}, {pipeline_mode = #tpu.pipeline_mode<synchronous>, transform_indices = @transform_4, window_bounds = array<i64: 32, 1024>}, {pipeline_mode = #tpu.pipeline_mode<synchronous>, transform_indices = @transform_5, window_bounds = array<i64: 1024, 32>}, {transform_indices = @transform_6, window_bounds = array<i64: 2000, 32>}]} {
    %get3A = arith.constant 0 : index
    %get3A_0 = arith.constant 0 : index
    %get3A_1 = vector.load %arg1[%get3A, %get3A_0] : memref<2000x32xf32, #tpu.memory_space<vmem>>, vector<2000x32xf32>
    %get3A_2 = arith.constant 0 : index
    %get3A_3 = arith.constant 0 : index
    %get3A_4 = vector.load %arg3[%get3A_2, %get3A_3] : memref<32x1024xf32, #tpu.memory_space<vmem>>, vector<32x1024xf32>
    %dot_general3A = arith.constant dense<0.000000e+00> : vector<2000x1024xf32>
    %dot_general3A_5 = tpu.matmul %get3A_1, %get3A_4, %dot_general3A {dimension_numbers = #tpu.dot_dimension_numbers<[1], [0], [0], [1], [0, 0, 1, 1], [], []>, transpose_lhs_hint = false} : vector<2000x32xf32>, vector<32x1024xf32>, vector<2000x1024xf32> -> vector<2000x1024xf32>
    %get3A_6 = arith.constant 0 : index
    %get3A_7 = arith.constant 0 : index
    %get3A_8 = vector.load %arg4[%get3A_6, %get3A_7] : memref<1x1024xf32, #tpu.memory_space<vmem>>, vector<1x1024xf32>
    %add3A = vector.broadcast %get3A_8 : vector<1x1024xf32> to vector<2000x1024xf32>
    %add3A_9 = arith.addf %dot_general3A_5, %add3A : vector<2000x1024xf32>
    %max3A = arith.constant 0.000000e+00 : f32
    %max3A_10 = vector.broadcast %max3A : f32 to vector<2000x1024xf32>
    %max3A_11 = arith.maximumf %add3A_9, %max3A_10 : vector<2000x1024xf32>
    %get3A_12 = arith.constant 0 : index
    %get3A_13 = arith.constant 0 : index
    %get3A_14 = vector.load %arg2[%get3A_12, %get3A_13] : memref<2000x32xf32, #tpu.memory_space<vmem>>, vector<2000x32xf32>
    %get3A_15 = arith.constant 0 : index
    %get3A_16 = arith.constant 0 : index
    %get3A_17 = vector.load %arg5[%get3A_15, %get3A_16] : memref<32x1024xf32, #tpu.memory_space<vmem>>, vector<32x1024xf32>
    %dot_general3A_18 = arith.constant dense<0.000000e+00> : vector<2000x1024xf32>
    %dot_general3A_19 = tpu.matmul %get3A_14, %get3A_17, %dot_general3A_18 {dimension_numbers = #tpu.dot_dimension_numbers<[1], [0], [0], [1], [0, 0, 1, 1], [], []>, transpose_lhs_hint = false} : vector<2000x32xf32>, vector<32x1024xf32>, vector<2000x1024xf32> -> vector<2000x1024xf32>
    %mul3A = arith.mulf %max3A_11, %dot_general3A_19 : vector<2000x1024xf32>
    %get3A_20 = arith.constant 0 : index
    %get3A_21 = arith.constant 0 : index
    %get3A_22 = vector.load %arg6[%get3A_20, %get3A_21] : memref<1024x32xf32, #tpu.memory_space<vmem>>, vector<1024x32xf32>
    %dot_general3A_23 = arith.constant dense<0.000000e+00> : vector<2000x32xf32>
    %dot_general3A_24 = tpu.matmul %mul3A, %get3A_22, %dot_general3A_23 {dimension_numbers = #tpu.dot_dimension_numbers<[1], [0], [0], [1], [0, 0, 1, 1], [], []>, transpose_lhs_hint = false} : vector<2000x1024xf32>, vector<1024x32xf32>, vector<2000x32xf32> -> vector<2000x32xf32>
    %swap3A = arith.constant 0 : index
    %swap3A_25 = arith.constant 0 : index
    %swap3A_26 = vector.load %arg7[%swap3A, %swap3A_25] : memref<2000x32xf32, #tpu.memory_space<vmem>>, vector<2000x32xf32>
    tpu.vector_store %arg7[%swap3A, %swap3A_25], %dot_general3A_24 {strides = array<i32>} : memref<2000x32xf32, #tpu.memory_space<vmem>>, vector<2000x32xf32>,
    return
  }
  func.func @transform_0(%arg0: i32) -> (i32, i32) {
    %c0_i32 = arith.constant 0 : i32
    %c0_i32_0 = arith.constant 0 : i32
    return %arg0, %c0_i32 : i32, i32
  }
  func.func @transform_1(%arg0: i32) -> (i32, i32) {
    %c0_i32 = arith.constant 0 : i32
    %c0_i32_0 = arith.constant 0 : i32
    return %arg0, %c0_i32 : i32, i32
  }
  func.func @transform_2(%arg0: i32) -> (i32, i32) {
    %c0_i32 = arith.constant 0 : i32
    %c0_i32_0 = arith.constant 0 : i32
    %c0_i32_1 = arith.constant 0 : i32
    return %c0_i32, %c0_i32_0 : i32, i32
  }
  func.func @transform_3(%arg0: i32) -> (i32, i32) {
    %c0_i32 = arith.constant 0 : i32
    %c0_i32_0 = arith.constant 0 : i32
    %c0_i32_1 = arith.constant 0 : i32
    return %c0_i32, %c0_i32_0 : i32, i32
  }
  func.func @transform_4(%arg0: i32) -> (i32, i32) {
    %c0_i32 = arith.constant 0 : i32
    %c0_i32_0 = arith.constant 0 : i32
    %c0_i32_1 = arith.constant 0 : i32
    return %c0_i32, %c0_i32_0 : i32, i32
  }
  func.func @transform_5(%arg0: i32) -> (i32, i32) {
    %c0_i32 = arith.constant 0 : i32
    %c0_i32_0 = arith.constant 0 : i32
    %c0_i32_1 = arith.constant 0 : i32
    return %c0_i32, %c0_i32_0 : i32, i32
  }
  func.func @transform_6(%arg0: i32) -> (i32, i32) {
    %c0_i32 = arith.constant 0 : i32
    %c0_i32_0 = arith.constant 0 : i32
    return %arg0, %c0_i32 : i32, i32
  }
}

module attributes {stable_mosaic.version = 14 : i64} {
  func.func @_finish1_body(%arg0: i32, %arg1: memref<2x2000x32xf32, #tpu.memory_space<vmem>>, %arg2: memref<2x2000x32xf32, #tpu.memory_space<vmem>>, %arg3: memref<2000x32xf32, #tpu.memory_space<vmem>>, %arg4: memref<32x32xf32, #tpu.memory_space<vmem>>, %arg5: memref<1x32xf32, #tpu.memory_space<vmem>>, %arg6: memref<2000x32xf32, #tpu.memory_space<vmem>>, %arg7: memref<2000x32xf32, #tpu.memory_space<vmem>>) attributes {dimension_semantics = [#tpu.dimension_semantics<arbitrary>], iteration_bounds = array<i64: 5>, scalar_prefetch = 0 : i64, scratch_operands = 0 : i64, tpu.core_type = #tpu.core_type<tc>, window_params = [{transform_indices = @transform_0, window_bounds = array<i64: 2, 2000, 32>}, {transform_indices = @transform_1, window_bounds = array<i64: 2, 2000, 32>}, {transform_indices = @transform_2, window_bounds = array<i64: 2000, 32>}, {pipeline_mode = #tpu.pipeline_mode<synchronous>, transform_indices = @transform_3, window_bounds = array<i64: 32, 32>}, {pipeline_mode = #tpu.pipeline_mode<synchronous>, transform_indices = @transform_4, window_bounds = array<i64: 1, 32>}, {transform_indices = @transform_5, window_bounds = array<i64: 2000, 32>}, {transform_indices = @transform_6, window_bounds = array<i64: 2000, 32>}]} {
    %get3A = arith.constant 0 : index
    %get3A_0 = arith.constant 0 : index
    %get3A_1 = arith.constant 0 : index
    %get3A_2 = vector.load %arg2[%get3A, %get3A_0, %get3A_1] : memref<2x2000x32xf32, #tpu.memory_space<vmem>>, vector<1x2000x32xf32>
    %get3A_3 = vector.shape_cast %get3A_2 : vector<1x2000x32xf32> to vector<2000x32xf32>
    %get3A_4 = arith.constant 1 : index
    %get3A_5 = arith.constant 0 : index
    %get3A_6 = arith.constant 0 : index
    %get3A_7 = vector.load %arg2[%get3A_4, %get3A_5, %get3A_6] : memref<2x2000x32xf32, #tpu.memory_space<vmem>>, vector<1x2000x32xf32>
    %get3A_8 = vector.shape_cast %get3A_7 : vector<1x2000x32xf32> to vector<2000x32xf32>
    %add3A = arith.addf %get3A_3, %get3A_8 : vector<2000x32xf32>
    %swap3A = arith.constant 0 : index
    %swap3A_9 = arith.constant 0 : index
    %swap3A_10 = vector.load %arg7[%swap3A, %swap3A_9] : memref<2000x32xf32, #tpu.memory_space<vmem>>, vector<2000x32xf32>
    tpu.vector_store %arg7[%swap3A, %swap3A_9], %add3A {strides = array<i32>} : memref<2000x32xf32, #tpu.memory_space<vmem>>, vector<2000x32xf32>,
    %get3A_11 = arith.constant 0 : index
    %get3A_12 = arith.constant 0 : index
    %get3A_13 = arith.constant 0 : index
    %get3A_14 = vector.load %arg1[%get3A_11, %get3A_12, %get3A_13] : memref<2x2000x32xf32, #tpu.memory_space<vmem>>, vector<1x2000x32xf32>
    %get3A_15 = vector.shape_cast %get3A_14 : vector<1x2000x32xf32> to vector<2000x32xf32>
    %get3A_16 = arith.constant 1 : index
    %get3A_17 = arith.constant 0 : index
    %get3A_18 = arith.constant 0 : index
    %get3A_19 = vector.load %arg1[%get3A_16, %get3A_17, %get3A_18] : memref<2x2000x32xf32, #tpu.memory_space<vmem>>, vector<1x2000x32xf32>
    %get3A_20 = vector.shape_cast %get3A_19 : vector<1x2000x32xf32> to vector<2000x32xf32>
    %add3A_21 = arith.addf %get3A_15, %get3A_20 : vector<2000x32xf32>
    %max3A = arith.constant 1.000000e+00 : f32
    %max3A_22 = vector.broadcast %max3A : f32 to vector<2000x32xf32>
    %max3A_23 = arith.maximumf %add3A, %max3A_22 : vector<2000x32xf32>
    %div3A = arith.divf %add3A_21, %max3A_23 : vector<2000x32xf32>
    %get3A_24 = arith.constant 0 : index
    %get3A_25 = arith.constant 0 : index
    %get3A_26 = vector.load %arg3[%get3A_24, %get3A_25] : memref<2000x32xf32, #tpu.memory_space<vmem>>, vector<2000x32xf32>
    %get3A_27 = arith.constant 0 : index
    %get3A_28 = arith.constant 0 : index
    %get3A_29 = vector.load %arg4[%get3A_27, %get3A_28] : memref<32x32xf32, #tpu.memory_space<vmem>>, vector<32x32xf32>
    %dot_general3A = arith.constant dense<0.000000e+00> : vector<2000x32xf32>
    %dot_general3A_30 = tpu.matmul %get3A_26, %get3A_29, %dot_general3A {dimension_numbers = #tpu.dot_dimension_numbers<[1], [0], [0], [1], [0, 0, 1, 1], [], []>, transpose_lhs_hint = false} : vector<2000x32xf32>, vector<32x32xf32>, vector<2000x32xf32> -> vector<2000x32xf32>
    %add3A_31 = arith.addf %div3A, %dot_general3A_30 : vector<2000x32xf32>
    %get3A_32 = arith.constant 0 : index
    %get3A_33 = arith.constant 0 : index
    %get3A_34 = vector.load %arg5[%get3A_32, %get3A_33] : memref<1x32xf32, #tpu.memory_space<vmem>>, vector<1x32xf32>
    %add3A_35 = vector.broadcast %get3A_34 : vector<1x32xf32> to vector<2000x32xf32>
    %add3A_36 = arith.addf %add3A_31, %add3A_35 : vector<2000x32xf32>
    %swap3A_37 = arith.constant 0 : index
    %swap3A_38 = arith.constant 0 : index
    %swap3A_39 = vector.load %arg6[%swap3A_37, %swap3A_38] : memref<2000x32xf32, #tpu.memory_space<vmem>>, vector<2000x32xf32>
    tpu.vector_store %arg6[%swap3A_37, %swap3A_38], %add3A_36 {strides = array<i32>} : memref<2000x32xf32, #tpu.memory_space<vmem>>, vector<2000x32xf32>,
    return
  }
  func.func @transform_0(%arg0: i32) -> (i32, i32, i32) {
    %c0_i32 = arith.constant 0 : i32
    %c0_i32_0 = arith.constant 0 : i32
    %c0_i32_1 = arith.constant 0 : i32
    return %c0_i32, %arg0, %c0_i32_0 : i32, i32, i32
  }
  func.func @transform_1(%arg0: i32) -> (i32, i32, i32) {
    %c0_i32 = arith.constant 0 : i32
    %c0_i32_0 = arith.constant 0 : i32
    %c0_i32_1 = arith.constant 0 : i32
    return %c0_i32, %arg0, %c0_i32_0 : i32, i32, i32
  }
  func.func @transform_2(%arg0: i32) -> (i32, i32) {
    %c0_i32 = arith.constant 0 : i32
    %c0_i32_0 = arith.constant 0 : i32
    return %arg0, %c0_i32 : i32, i32
  }
  func.func @transform_3(%arg0: i32) -> (i32, i32) {
    %c0_i32 = arith.constant 0 : i32
    %c0_i32_0 = arith.constant 0 : i32
    %c0_i32_1 = arith.constant 0 : i32
    return %c0_i32, %c0_i32_0 : i32, i32
  }
  func.func @transform_4(%arg0: i32) -> (i32, i32) {
    %c0_i32 = arith.constant 0 : i32
    %c0_i32_0 = arith.constant 0 : i32
    %c0_i32_1 = arith.constant 0 : i32
    return %c0_i32, %c0_i32_0 : i32, i32
  }
  func.func @transform_5(%arg0: i32) -> (i32, i32) {
    %c0_i32 = arith.constant 0 : i32
    %c0_i32_0 = arith.constant 0 : i32
    return %arg0, %c0_i32 : i32, i32
  }
  func.func @transform_6(%arg0: i32) -> (i32, i32) {
    %c0_i32 = arith.constant 0 : i32
    %c0_i32_0 = arith.constant 0 : i32
    return %arg0, %c0_i32 : i32, i32
  }
}

module attributes {stable_mosaic.version = 14 : i64} {
  func.func @_finish_body(%arg0: i32, %arg1: memref<2x2000x32xf32, #tpu.memory_space<vmem>>, %arg2: memref<2000x32xf32, #tpu.memory_space<vmem>>, %arg3: memref<2000x32xf32, #tpu.memory_space<vmem>>, %arg4: memref<32x32xf32, #tpu.memory_space<vmem>>, %arg5: memref<1x32xf32, #tpu.memory_space<vmem>>, %arg6: memref<2000x32xf32, #tpu.memory_space<vmem>>) attributes {dimension_semantics = [#tpu.dimension_semantics<arbitrary>], iteration_bounds = array<i64: 5>, scalar_prefetch = 0 : i64, scratch_operands = 0 : i64, tpu.core_type = #tpu.core_type<tc>, window_params = [{transform_indices = @transform_0, window_bounds = array<i64: 2, 2000, 32>}, {transform_indices = @transform_1, window_bounds = array<i64: 2000, 32>}, {transform_indices = @transform_2, window_bounds = array<i64: 2000, 32>}, {pipeline_mode = #tpu.pipeline_mode<synchronous>, transform_indices = @transform_3, window_bounds = array<i64: 32, 32>}, {pipeline_mode = #tpu.pipeline_mode<synchronous>, transform_indices = @transform_4, window_bounds = array<i64: 1, 32>}, {transform_indices = @transform_5, window_bounds = array<i64: 2000, 32>}]} {
    %get3A = arith.constant 0 : index
    %get3A_0 = arith.constant 0 : index
    %get3A_1 = arith.constant 0 : index
    %get3A_2 = vector.load %arg1[%get3A, %get3A_0, %get3A_1] : memref<2x2000x32xf32, #tpu.memory_space<vmem>>, vector<1x2000x32xf32>
    %get3A_3 = vector.shape_cast %get3A_2 : vector<1x2000x32xf32> to vector<2000x32xf32>
    %get3A_4 = arith.constant 1 : index
    %get3A_5 = arith.constant 0 : index
    %get3A_6 = arith.constant 0 : index
    %get3A_7 = vector.load %arg1[%get3A_4, %get3A_5, %get3A_6] : memref<2x2000x32xf32, #tpu.memory_space<vmem>>, vector<1x2000x32xf32>
    %get3A_8 = vector.shape_cast %get3A_7 : vector<1x2000x32xf32> to vector<2000x32xf32>
    %add3A = arith.addf %get3A_3, %get3A_8 : vector<2000x32xf32>
    %get3A_9 = arith.constant 0 : index
    %get3A_10 = arith.constant 0 : index
    %get3A_11 = vector.load %arg2[%get3A_9, %get3A_10] : memref<2000x32xf32, #tpu.memory_space<vmem>>, vector<2000x32xf32>
    %max3A = arith.constant 1.000000e+00 : f32
    %max3A_12 = vector.broadcast %max3A : f32 to vector<2000x32xf32>
    %max3A_13 = arith.maximumf %get3A_11, %max3A_12 : vector<2000x32xf32>
    %div3A = arith.divf %add3A, %max3A_13 : vector<2000x32xf32>
    %get3A_14 = arith.constant 0 : index
    %get3A_15 = arith.constant 0 : index
    %get3A_16 = vector.load %arg3[%get3A_14, %get3A_15] : memref<2000x32xf32, #tpu.memory_space<vmem>>, vector<2000x32xf32>
    %get3A_17 = arith.constant 0 : index
    %get3A_18 = arith.constant 0 : index
    %get3A_19 = vector.load %arg4[%get3A_17, %get3A_18] : memref<32x32xf32, #tpu.memory_space<vmem>>, vector<32x32xf32>
    %dot_general3A = arith.constant dense<0.000000e+00> : vector<2000x32xf32>
    %dot_general3A_20 = tpu.matmul %get3A_16, %get3A_19, %dot_general3A {dimension_numbers = #tpu.dot_dimension_numbers<[1], [0], [0], [1], [0, 0, 1, 1], [], []>, transpose_lhs_hint = false} : vector<2000x32xf32>, vector<32x32xf32>, vector<2000x32xf32> -> vector<2000x32xf32>
    %add3A_21 = arith.addf %div3A, %dot_general3A_20 : vector<2000x32xf32>
    %get3A_22 = arith.constant 0 : index
    %get3A_23 = arith.constant 0 : index
    %get3A_24 = vector.load %arg5[%get3A_22, %get3A_23] : memref<1x32xf32, #tpu.memory_space<vmem>>, vector<1x32xf32>
    %add3A_25 = vector.broadcast %get3A_24 : vector<1x32xf32> to vector<2000x32xf32>
    %add3A_26 = arith.addf %add3A_21, %add3A_25 : vector<2000x32xf32>
    %swap3A = arith.constant 0 : index
    %swap3A_27 = arith.constant 0 : index
    %swap3A_28 = vector.load %arg6[%swap3A, %swap3A_27] : memref<2000x32xf32, #tpu.memory_space<vmem>>, vector<2000x32xf32>
    tpu.vector_store %arg6[%swap3A, %swap3A_27], %add3A_26 {strides = array<i32>} : memref<2000x32xf32, #tpu.memory_space<vmem>>, vector<2000x32xf32>,
    return
  }
  func.func @transform_0(%arg0: i32) -> (i32, i32, i32) {
    %c0_i32 = arith.constant 0 : i32
    %c0_i32_0 = arith.constant 0 : i32
    %c0_i32_1 = arith.constant 0 : i32
    return %c0_i32, %arg0, %c0_i32_0 : i32, i32, i32
  }
  func.func @transform_1(%arg0: i32) -> (i32, i32) {
    %c0_i32 = arith.constant 0 : i32
    %c0_i32_0 = arith.constant 0 : i32
    return %arg0, %c0_i32 : i32, i32
  }
  func.func @transform_2(%arg0: i32) -> (i32, i32) {
    %c0_i32 = arith.constant 0 : i32
    %c0_i32_0 = arith.constant 0 : i32
    return %arg0, %c0_i32 : i32, i32
  }
  func.func @transform_3(%arg0: i32) -> (i32, i32) {
    %c0_i32 = arith.constant 0 : i32
    %c0_i32_0 = arith.constant 0 : i32
    %c0_i32_1 = arith.constant 0 : i32
    return %c0_i32, %c0_i32_0 : i32, i32
  }
  func.func @transform_4(%arg0: i32) -> (i32, i32) {
    %c0_i32 = arith.constant 0 : i32
    %c0_i32_0 = arith.constant 0 : i32
    %c0_i32_1 = arith.constant 0 : i32
    return %c0_i32, %c0_i32_0 : i32, i32
  }
  func.func @transform_5(%arg0: i32) -> (i32, i32) {
    %c0_i32 = arith.constant 0 : i32
    %c0_i32_0 = arith.constant 0 : i32
    return %arg0, %c0_i32 : i32, i32
  }
}

</mosaic_0001>

<sc_bundles>
// kernel: kernel.14.cloned.1.call-start
scs
__scs_entry_jumppad:
0x0: {  	(pc) =	sbr.rel $0x88, $3  }
0x1: {  	(tag) =	ssettag $0x0;
	lr =	simm.s32 $0x1  }
0x2: {  	[smem:$0x3F92] =	sst lr;
	_ =	strace $0xD0000000  }
0x3: {  	_ = 	snop  }
0x4: {  	_ = 	snop  }
0x5: {  	_ = 	snop  }
0x6: {  	_ = 	snop  }
0x7: {  	_ = 	snop  }
__scs_overlays_trampoline_lowered:
0x8: {  	[smem:$0x3FA1] =	sst s0  }
0x9: {  	[smem:$0x3FA2] =	sst s1  }
0xa: {  	[smem:$0x3FA3] =	sst s2  }
0xb: {  	[smem:$0x3FA4] =	sst s3  }
0xc: {  	[smem:$0x3FA5] =	sst s4  }
0xd: {  	[smem:$0x3FA6] =	sst s5  }
0xe: {  	[smem:$0x3FA7] =	sst s6  }
0xf: {  	[smem:$0x3FA8] =	sst s7  }
0x10: {  	[smem:$0x3FA9] =	sst s8  }
0x11: {  	[smem:$0x3FAA] =	sst s9;
	s0 =	simm.s32 @!p0 $0x0  }
0x12: {  	s1 =	sld [smem:$0x3F90];
	s0 =	simm.s32 @p0 $0x1  }
0x13: {  	[smem:$0x3FAB] =	sst s0;
	s0 =	simm.s32 @!p1 $0x0  }
0x14: {  	s2 =	sld [smem:$0x3F8F];
	s0 =	simm.s32 @p1 $0x1  }
0x15: {  	[smem:$0x3FAC] =	sst s0;
	s0 =	simm.s32 @!p2 $0x0  }
0x16: {  	s3 =	sld [smem:$0x3FDB];
	s0 =	simm.s32 @p2 $0x1  }
0x17: {  	s4 =	simm.s32 $0x1BF5;
	[smem:$0x3FAE] =	sst s0  }
0x18: {  	s0 =	sld [smem:$0x3F91];
	_ =	swait.ge [sflag:s4], $0x0  }
0x19: {  	s7 =	sld [smem:$0x3F92]  }
0x1a: {  	s8 =	sadd.s32 $0xFFFFE003, lr  }
0x1b: {  	s9 =	sadd.s32 $0xFFFFFEF7, lr;
	s5 =	simm.s32 $0xFFFFFFFF;
	p2 =	slt.u32 s8, $0xFFFFF086  }
0x1c: {  	p1 =	slt.u32 s9, $0xF7A;
	s5 =	simm.s32 @!p2 $0x0  }
0x1d: {  	s5 =	simm.s32 @p1 $0x1;
	p0 =	seq.s32 s7, s2  }
0x1e: {  	s7 =	smul.u32 @!p0 $0xF7A, s2;
	p2 =	seq.s32 @!p0 s5, $0x0  }
0x1f: {  	s9 =	smul.u32 $0xF7A, s1;
	s8 =	simm.s32 @!p0 $0x1BF5;
	p2 =	por !p2, p0  }
0x20: {  	[sflag:s8] =	ssyncset.s32 @!p0 $0xFFFFF086;
	s6 =	sadd.s32 @!p0 s3, s7;
	s7 =	simm.s32 @!p0 $0x108  }
0x21: {  	s3 =	sadd.s32 s3, s9;
	s6 =	sadd.s32 @!p0 $0x88, s6;
	s7 =	simm.s32 @p2 $0x1082  }
0x22: {  	[simem:s7], [sflag:s8] =	dma.local @!p0 [hbm:s6], $0xF7A  }
0x23: {  	s9 =	sor.u32 $0xD0000000, s2;
	s6 =	simm.s32 $0x108;
	_ =	swait.ge @!p0 [sflag:s8], $0x0  }
0x24: {  	s3 =	sadd.s32 $0x88, s3;
	s6 =	simm.s32 @!p1 $0x1082;
	[sflag:s4] =	ssyncset.s32 $0xFFFFF086  }
0x25: {  	[simem:s6], [sflag:s4] =	dma.local [hbm:s3], $0xF7A  }
0x26: {  	[smem:$0x3F92] =	sst s1;
	(tag) =	ssettag s2;
	_ =	strace s9  }
0x27: {  	s1 =	sld [smem:$0x3FA2]  }
0x28: {  	s2 =	sld [smem:$0x3FA3]  }
0x29: {  	s4 =	sld [smem:$0x3FA5]  }
0x2a: {  	p0 =	seq.s32 s5, $0x0;
	s5 =	sld [smem:$0x3FA6]  }
0x2b: {  	s6 =	sld [smem:$0x3FA7]  }
0x2c: {  	s7 =	sld [smem:$0x3FA8]  }
0x2d: {  	s3 =	simm.s32 $0x108;
	s8 =	sld [smem:$0x3FA9]  }
0x2e: {  	s3 =	simm.s32 @!p0 $0x1082;
	s9 =	sld [smem:$0x3FAA]  }
0x2f: {  	lr =	sadd.s32 s0, s3;
	s0 =	sld [smem:$0x3FA1]  }
0x30: {  	s3 =	sld [smem:$0x3FA4]  }
0x31: {  	[smem:$0x3FAD] =	sst s10  }
0x32: {  	s10 =	sld [smem:$0x3FAB];
	_ =	sdelay $0x3  }
0x33: {  	p0 =	seq.s32 s10, $0x1;
	s10 =	sld [smem:$0x3FAD];
	_ =	sdelay $0x3  }
0x34: {  	[smem:$0x3FAD] =	sst s10  }
0x35: {  	s10 =	sld [smem:$0x3FAC];
	_ =	sdelay $0x3  }
0x36: {  	p1 =	seq.s32 s10, $0x1;
	s10 =	sld [smem:$0x3FAD];
	_ =	sdelay $0x3  }
0x37: {  	[smem:$0x3FAD] =	sst s10  }
0x38: {  	s10 =	sld [smem:$0x3FAE]  }
0x39: {  	_ = 	snop;
	(pc) =	sbr.ind lr, $3  }
0x3a: {  	_ = 	snop  }
0x3b: {  	_ = 	snop  }
0x3c: {  	p2 =	seq.s32 s10, $0x1;
	s10 =	sld [smem:$0x3FAD]  }
0x3d: {  	_ =	shalt  }
0x3e: {  	_ =	shalt  }
0x3f: {  	_ =	shalt  }
0x40: {  	_ =	shalt  }
0x41: {  	_ =	shalt  }
0x42: {  	_ =	shalt  }
0x43: {  	_ =	shalt  }
0x44: {  	_ =	shalt  }
0x45: {  	_ =	shalt  }
0x46: {  	_ =	shalt  }
0x47: {  	_ =	shalt  }
0x48: {  	_ =	shalt  }
0x49: {  	_ =	shalt  }
0x4a: {  	_ =	shalt  }
0x4b: {  	_ =	shalt  }
0x4c: {  	_ =	shalt  }
0x4d: {  	_ =	shalt  }
0x4e: {  	_ =	shalt  }
0x4f: {  	_ =	shalt  }
0x50: {  	_ =	shalt  }
0x51: {  	_ =	shalt  }
0x52: {  	_ =	shalt  }
0x53: {  	_ =	shalt  }
0x54: {  	_ =	shalt  }
0x55: {  	_ =	shalt  }
0x56: {  	_ =	shalt  }
0x57: {  	_ =	shalt  }
0x58: {  	_ =	shalt  }
0x59: {  	_ =	shalt  }
0x5a: {  	_ =	shalt  }
0x5b: {  	_ =	shalt  }
0x5c: {  	_ =	shalt  }
0x5d: {  	_ =	shalt  }
0x5e: {  	_ =	shalt  }
0x5f: {  	_ =	shalt  }
0x60: {  	_ =	shalt  }
0x61: {  	_ =	shalt  }
0x62: {  	_ =	shalt  }
0x63: {  	_ =	shalt  }
0x64: {  	_ =	shalt  }
0x65: {  	_ =	shalt  }
0x66: {  	_ =	shalt  }
0x67: {  	_ =	shalt  }
0x68: {  	_ =	shalt  }
0x69: {  	_ =	shalt  }
0x6a: {  	_ =	shalt  }
0x6b: {  	_ =	shalt  }
0x6c: {  	_ =	shalt  }
0x6d: {  	_ =	shalt  }
0x6e: {  	_ =	shalt  }
0x6f: {  	_ =	shalt  }
0x70: {  	_ =	shalt  }
0x71: {  	_ =	shalt  }
0x72: {  	_ =	shalt  }
0x73: {  	_ =	shalt  }
0x74: {  	_ =	shalt  }
0x75: {  	_ =	shalt  }
0x76: {  	_ =	shalt  }
0x77: {  	_ =	shalt  }
0x78: {  	_ =	shalt  }
0x79: {  	_ =	shalt  }
0x7a: {  	_ =	shalt  }
0x7b: {  	_ =	shalt  }
0x7c: {  	_ =	shalt  }
0x7d: {  	_ =	shalt  }
0x7e: {  	_ =	shalt  }
0x7f: {  	_ =	shalt  }
0x80: {  	_ =	shalt  }
0x81: {  	_ =	shalt  }
0x82: {  	_ =	shalt  }
0x83: {  	_ =	shalt  }
0x84: {  	_ =	shalt  }
0x85: {  	_ =	shalt  }
0x86: {  	_ =	shalt  }
0x87: {  	_ =	shalt  }
.Lfunc_end0:
.L_simem_size_0:
called_computation_lowered:
.L_overlay_start_0:
0x88: {  	s2 =	sld [smem:$0x3FD9]  }
0x89: {  	s3 =	sld [smem:$0x3FFE];
	_ =	sdelay $0x1  }
0x8a: {  	s1 =	srdreg.scid  }
0x8b: {  	s0 =	sand.u32 $0x1, s1  }
0x8c: {  	s16 =	sshll.u32 s0, $0xA;
	s2 =	sadd.s32 s3, s2  }
0x8d: {  	s2 =	sadd.s32 s2, s16  }
0x8e: {  	[smem:$0x3FB9] =	sst s2  }
0x8f: {  	_ = 	snop  }
0x90: {  	(tm) =	ssettm $0x1  }
0x91: {  	s17 =	sld [smem:$0x3FFB];
	_ =	sdelay $0x3  }
0x92: {  	_ =	strace s17  }
0x93: {  	s2 =	sld [smem:$0x3FFC];
	_ =	sdelay $0x3  }
0x94: {  	_ =	strace s2  }
0x95: {  	s2 =	sld [smem:$0x3FFD];
	_ =	sdelay $0x3  }
0x96: {  	_ =	strace s2  }
0x97: {  	_ =	strace $0x8FFFFFFF  }
0x98: {  	s18 =	sld [smem:$0x3FDB];
	_ =	sdelay $0x1  }
0x99: {  	s19 =	simm.s32 $_scs_section_size  }
0x9a: {  	s4 =	simm.s32 $_size__tile_overlayer_lowered;
	s5 =	simm.s32 $_tile_overlayer_lowered  }
0x9b: {  	s22 =	simm.s32 $0x1BFF;
	s21 =	sshll.u32 s5, $0x1;
	s2 =	sadd.s32 s19, s18  }
0x9c: {  	s6 =	simm.s32 $0x0;
	s20 =	sshll.u32 s4, $0x1;
	s4 =	sadd.s32 s21, s2  }
0x9d: {  	[timem:s6], [sflag:s22] =	dma.local [hbm:s4], s20  }
0x9e: {  	_ =	swait.ge [sflag:s22], s20  }
0x9f: {  	s3 =	ssub.s32 $0x0, s20;
	[sflag:s22] =	ssyncset.done $0x0  }
0xa0: {  	[sflag:s22] =	ssyncadd.s32 s3;
	_ =	sdelay $0x1  }
0xa1: {  	s23 =	simm.s32 $0x1B8B  }
0xa2: {  	_ =	swait.ge [sflag:s23], $0x1  }
0xa3: {  	[sflag:s23] =	ssyncset.done $0x0  }
0xa4: {  	s25 =	simm.s32 $0x1B8E;
	s24 =	sld [smem:$0x3FFE];
	[sflag:s23] =	ssyncadd.s32 $0xFFFFFFFF  }
0xa5: {  	s26 =	simm.s32 $execute0_lowered;
	[smem:$0x3FD2] =	sst s25  }
0xa6: {  	s4 =	sshll.u32 s26, $0x1;
	_ =	strace $0x80000046;
	[dreg:$0x1] =	wrdreg $0xFFFFFFFF  }
0xa7: {  	s28 =	simm.s32 $_size_execute0_lowered;
	s2 =	sadd.s32 s2, s4;
	[dreg:$0x0] =	wrdreg $0x0  }
0xa8: {  	s4 =	sshll.u32 s28, $0x1;
	[dreg:$0x2] =	wrdreg s2  }
0xa9: {  	[dreg:$0x3] =	wrdreg s4  }
0xaa: {  	[dreg:$0x4] =	wrdreg $0xC0  }
0xab: {  	_ =	task [dreg:s6], $0x5FFFF  }
0xac: {  	[dreg:$0x1] =	wrdreg $0xFFFFFFFF  }
0xad: {  	[dreg:$0x0] =	wrdreg $0x60  }
0xae: {  	[dreg:$0x2] =	wrdreg s24  }
0xaf: {  	[dreg:$0x3] =	wrdreg $0xA4000  }
0xb0: {  	[dreg:$0x4] =	wrdreg $0x9  }
0xb1: {  	_ =	task.clear_ibuf [dreg:s6], $0x5FFFF;
	_ =	strace $0x90000046  }
0xb2: {  	s29 =	simm.s32 $0x9;
	_ =	strace $0x80000048  }
0xb3: {  	_ =	swait.ge [sflag:s29], $0x1  }
0xb4: {  	[sflag:s29] =	ssyncadd.s32 $0xFFFFFFFF  }
0xb5: {  	_ =	strace $0x90000048  }
0xb6: {  	_ =	sfence  }
0xb7: {  	s30 =	sld [smem:$0x0];
	_ =	sdelay $0x2  }
0xb8: {  	s31 =	sshll.u32 s1, $0xD;
	s1 =	sshrl.u32 s1, $0x2  }
0xb9: {  	s3 =	sand.u32 $0x4000, s31;
	s1 =	sadd.s32 s1, s30  }
0xba: {  	s0 =	sor.u32 s3, s0;
	s1 =	sshll.u32 s1, $0x11  }
0xbb: {  	s0 =	sor.u32 s1, s0  }
0xbc: {  	s0 =	sadd.s32 $0x8F2B, s0  }
0xbd: {  	[sflag:s0] =	ssyncadd.remote.s32 $0x1  }
0xbe: {  	_ =	sfence.sel $0xFFFF  }
0xbf: {  	[dreg:$0x0] =	wrdreg $0xFFFFFFFF;
	(pc) =	sbr.abs _section_cstart, $3  }
0xc0: {  	[dreg:$0x1] =	wrdreg $0xFFFFFFFF  }
0xc1: {  	_ =	task.clear_ibuf [dreg:s6], $0x2FFFF;
	_ =	strace $0x9FFFFFFF  }
0xc2: {  	(tm) =	ssettm $0x7FFFFFFF  }
0xc3: {  	_ =	shalt  }
tec
execute0_lowered:
.L_overlay_start_1:
0x0: {  	(tag) =	ssettag $0x1  }
0x1: {  	s5 =	rddreg [dreg:$0x0]  }
0x2: {  	s1 =	rddreg [dreg:$0x1]  }
0x3: {  	s0 =	rddreg [dreg:$0x2];
	s2 =	simm.s32 $0x0  }
0x4: {  	s9 =	stileid.u32;
	s3 =	srdreg.scid;
	s13 =	simm.s32 $0x4000  }
0x5: {  	s14 =	simm.s32 $0x5400;
	s15 =	simm.s32 $0x6800;
	s16 =	simm.s32 $0x7C00  }
0x6: {  	s17 =	simm.s32 $0x9000;
	s18 =	simm.s32 $0x1;
	s19 =	simm.s32 $0x2  }
0x7: {  	s20 =	simm.s32 $0x3;
	s21 =	simm.s32 $0x4;
	s22 =	simm.s32 $0x5  }
0x8: {  	s23 =	simm.s32 $0x0;
	[smem:$0x7FF] =	sst s2;
	s4 =	smul.u32 $0x2700, s9  }
0x9: {  	s3 =	sand.u32 $0x1, s3;
	s6 =	sshll.u32 s9, $0xC;
	s8 =	smul.u32 $0x27100, s9  }
0xa: {  	s10 =	smul.u32 $0x4E000, s9;
	s31 =	sshll.u32 s9, $0x6;
	p0 =	sne.s32 s9, $0x0  }
0xb: {  	_ =	strace $0x80000047;
	s7 =	sshll.u32 s3, $0xB;
	s30 =	ssub.s32 $0x2, s3  }
0xc: {  	s12 =	smul.u32 $0x13880, s3;
	s6 =	sor.u32 s7, s6;
	s4 =	sadd.s32 s4, s5  }
0xd: {  	s11 =	sshrl.u32 s30, $0x1;
	s8 =	sadd.s32 s8, s5;
	s10 =	sshrl.u32 s10, $0x2  }
0xe: {  	s6 =	sadd.s32 s6, s5;
	s7 =	ssub.s32 s30, s11;
	s10 =	sadd.s32 s10, s1  }
0xf: {  	s3 =	sadd.s32 $0x16400, s4;
	s4 =	sor.u32 $0x1C06, s31;
	s11 =	sadd.s32 $0x138000, s1  }
0x10: {  	s5 =	sadd.s32 $0x3D400, s5;
	s8 =	sadd.s32 s12, s8;
	s12 =	simm.s32 $0x28  }
0x11: {  	s6 =	sadd.s32 $0x6400, s6;
	s7 =	smax.u32 s7, $0x1;
	s8 =	sadd.s32 $0x3D600, s8  }
0x12: {  	s9 =	sshrl.u32 s10, $0x3;
	s10 =	simm.s32 $0x6;
	s11 =	sshrl.u32 @!p0 s11, $0x3  }
.LBB2_1:
0x13: {  	[spmem:s9], [sflag:s4] =	dma.local [hbm:s3], $0x2700  }
0x14: {  	_ =	swait.ge [sflag:s10], $0x2700  }
0x15: {  	[sflag:s10] =	ssyncset.done $0x0  }
0x16: {  	s24 =	simm.s32 @!p0 $0x6;
	[sflag:s10] =	ssyncadd.s32 $0xFFFFD900  }
0x17: {  	[spmem:s11], [sflag:s4] =	dma.local @!p0 [hbm:s5], $0x100  }
0x18: {  	_ =	swait.ge @!p0 [sflag:s24], $0x100  }
0x19: {  	[sflag:s24] =	ssyncset.done @!p0 $0x0  }
0x1a: {  	[sflag:s24] =	ssyncadd.s32 @!p0 $0xFFFFFF00  }
0x1b: {  	[tilespmem:s2], [sflag:$0x6] =	stream.linear.gather [hbm4b:s6+s2], $0x3E80, $0x38;
	[tilespmem:$0xF220] =	vst v63  }
0x1c: {  	_ =	swait.ge [sflag:s10], $0x3E80  }
0x1d: {  	[sflag:s10] =	ssyncset.done $0x0  }
0x1e: {  	[sflag:s10] =	ssyncadd.s32 $0xFFFFC180  }
0x1f: {  	[bflag:$0x0] =	sbarrier.arrive $0xFFFF  }
0x20: {  	[tilespmem:s13], [sflag:$0x1] =	stream.indirect.gather [spmem:s1], $0x20, s2, s12, $0xb8;
	[tilespmem:$0xF220] =	vst v63  }
0x21: {  	s31 =	simm.s32 $0x80  }
0x22: {  	[tilespmem:s14], [sflag:$0x2] =	stream.indirect.gather [spmem:s1], $0x20, s31, s12, $0xb8;
	[tilespmem:$0xF220] =	vst v63  }
0x23: {  	s25 =	simm.s32 $0x100  }
0x24: {  	[tilespmem:s15], [sflag:$0x3] =	stream.indirect.gather [spmem:s1], $0x20, s25, s12, $0xb8;
	[tilespmem:$0xF220] =	vst v63  }
0x25: {  	s26 =	simm.s32 $0x180  }
0x26: {  	[tilespmem:s16], [sflag:$0x4] =	stream.indirect.gather [spmem:s1], $0x20, s26, s12, $0xb8;
	[tilespmem:$0xF220] =	vst v63  }
0x27: {  	s28 =	simm.s32 $0x200  }
0x28: {  	[tilespmem:s17], [sflag:$0x5] =	stream.indirect.gather [spmem:s1], $0x20, s28, s12, $0xb8;
	[tilespmem:$0xF220] =	vst v63  }
0x29: {  	_ =	swait.ge [sflag:s18], $0x500  }
0x2a: {  	[sflag:s18] =	ssyncset.done $0x0  }
0x2b: {  	s29 =	sadd.s32 $0x0, s8;
	[sflag:s18] =	ssyncadd.s32 $0xFFFFFB00  }
0x2c: {  	[hbm4b:s29+s2] =	stream.linear.scatter [tilespmem:s13], [sflag:$0x6], $0x1400, $0x38;
	[tilespmem:$0xF220] =	vst v63  }
0x2d: {  	_ =	swait.ge [sflag:s10], $0x1400  }
0x2e: {  	[sflag:s10] =	ssyncset.done $0x0  }
0x2f: {  	[sflag:s10] =	ssyncadd.s32 $0xFFFFEC00  }
0x30: {  	_ =	swait.ge [sflag:s19], $0x500  }
0x31: {  	[sflag:s19] =	ssyncset.done $0x0  }
0x32: {  	s25 =	sadd.s32 $0x280, s29;
	[sflag:s19] =	ssyncadd.s32 $0xFFFFFB00  }
0x33: {  	[hbm4b:s25+s2] =	stream.linear.scatter [tilespmem:s14], [sflag:$0x6], $0x1400, $0x38;
	[tilespmem:$0xF220] =	vst v63  }
0x34: {  	_ =	swait.ge [sflag:s10], $0x1400  }
0x35: {  	[sflag:s10] =	ssyncset.done $0x0  }
0x36: {  	[sflag:s10] =	ssyncadd.s32 $0xFFFFEC00  }
0x37: {  	_ =	swait.ge [sflag:s20], $0x500  }
0x38: {  	[sflag:s20] =	ssyncset.done $0x0  }
0x39: {  	s30 =	sadd.s32 $0x500, s29;
	[sflag:s20] =	ssyncadd.s32 $0xFFFFFB00  }
0x3a: {  	[hbm4b:s30+s2] =	stream.linear.scatter [tilespmem:s15], [sflag:$0x6], $0x1400, $0x38;
	[tilespmem:$0xF220] =	vst v63  }
0x3b: {  	_ =	swait.ge [sflag:s10], $0x1400  }
0x3c: {  	[sflag:s10] =	ssyncset.done $0x0  }
0x3d: {  	[sflag:s10] =	ssyncadd.s32 $0xFFFFEC00  }
0x3e: {  	_ =	swait.ge [sflag:s21], $0x500  }
0x3f: {  	[sflag:s21] =	ssyncset.done $0x0  }
0x40: {  	s31 =	sadd.s32 $0x780, s29;
	[sflag:s21] =	ssyncadd.s32 $0xFFFFFB00  }
0x41: {  	[hbm4b:s31+s2] =	stream.linear.scatter [tilespmem:s16], [sflag:$0x6], $0x1400, $0x38;
	[tilespmem:$0xF220] =	vst v63  }
0x42: {  	_ =	swait.ge [sflag:s10], $0x1400  }
0x43: {  	[sflag:s10] =	ssyncset.done $0x0  }
0x44: {  	[sflag:s10] =	ssyncadd.s32 $0xFFFFEC00  }
0x45: {  	_ =	swait.ge [sflag:s22], $0x500  }
0x46: {  	[sflag:s22] =	ssyncset.done $0x0  }
0x47: {  	s24 =	sadd.s32 $0xA00, s29;
	[sflag:s22] =	ssyncadd.s32 $0xFFFFFB00  }
0x48: {  	[hbm4b:s24+s2] =	stream.linear.scatter [tilespmem:s17], [sflag:$0x6], $0x1400, $0x38;
	[tilespmem:$0xF220] =	vst v63  }
0x49: {  	_ =	swait.ge [sflag:s10], $0x1400  }
0x4a: {  	s25 =	simm.s32 $0x0;
	s24 =	simm.s32 $0xC80;
	[sflag:s10] =	ssyncset.done $0x0  }
.LBB2_2:
0x4b: {  	p1 =	sne.s32 s24, $0x12C00;
	[sflag:s10] =	ssyncadd.s32 $0xFFFFEC00;
	s25 =	sadd.s32 $0x280, s25  }
0x4c: {  	[tilespmem:s13], [sflag:$0x1] =	stream.indirect.gather [spmem:s1], $0x20, s25, s12, $0xb8;
	[tilespmem:$0xF220] =	vst v63  }
0x4d: {  	s28 =	smov.u32 s24;
	s24 =	sadd.s32 $0xC80, s24;
	s26 =	sadd.s32 $0x80, s25  }
0x4e: {  	[tilespmem:s14], [sflag:$0x2] =	stream.indirect.gather [spmem:s1], $0x20, s26, s12, $0xb8;
	[tilespmem:$0xF220] =	vst v63  }
0x4f: {  	s26 =	sadd.s32 $0x100, s25  }
0x50: {  	[tilespmem:s15], [sflag:$0x3] =	stream.indirect.gather [spmem:s1], $0x20, s26, s12, $0xb8;
	[tilespmem:$0xF220] =	vst v63  }
0x51: {  	s26 =	sadd.s32 $0x180, s25  }
0x52: {  	[tilespmem:s16], [sflag:$0x4] =	stream.indirect.gather [spmem:s1], $0x20, s26, s12, $0xb8;
	[tilespmem:$0xF220] =	vst v63  }
0x53: {  	s26 =	sadd.s32 $0x200, s25  }
0x54: {  	[tilespmem:s17], [sflag:$0x5] =	stream.indirect.gather [spmem:s1], $0x20, s26, s12, $0xb8;
	[tilespmem:$0xF220] =	vst v63  }
0x55: {  	_ =	swait.ge [sflag:s18], $0x500  }
0x56: {  	[sflag:s18] =	ssyncset.done $0x0  }
0x57: {  	s26 =	sadd.s32 s28, s8;
	[sflag:s18] =	ssyncadd.s32 $0xFFFFFB00  }
0x58: {  	[hbm4b:s26+s2] =	stream.linear.scatter [tilespmem:s13], [sflag:$0x6], $0x1400, $0x38;
	[tilespmem:$0xF220] =	vst v63  }
0x59: {  	_ =	swait.ge [sflag:s10], $0x1400  }
0x5a: {  	[sflag:s10] =	ssyncset.done $0x0  }
0x5b: {  	[sflag:s10] =	ssyncadd.s32 $0xFFFFEC00  }
0x5c: {  	_ =	swait.ge [sflag:s19], $0x500  }
0x5d: {  	[sflag:s19] =	ssyncset.done $0x0  }
0x5e: {  	s28 =	sadd.s32 $0x280, s26;
	[sflag:s19] =	ssyncadd.s32 $0xFFFFFB00  }
0x5f: {  	[hbm4b:s28+s2] =	stream.linear.scatter [tilespmem:s14], [sflag:$0x6], $0x1400, $0x38;
	[tilespmem:$0xF220] =	vst v63  }
0x60: {  	_ =	swait.ge [sflag:s10], $0x1400  }
0x61: {  	[sflag:s10] =	ssyncset.done $0x0  }
0x62: {  	[sflag:s10] =	ssyncadd.s32 $0xFFFFEC00  }
0x63: {  	_ =	swait.ge [sflag:s20], $0x500  }
0x64: {  	[sflag:s20] =	ssyncset.done $0x0  }
0x65: {  	s28 =	sadd.s32 $0x500, s26;
	[sflag:s20] =	ssyncadd.s32 $0xFFFFFB00  }
0x66: {  	[hbm4b:s28+s2] =	stream.linear.scatter [tilespmem:s15], [sflag:$0x6], $0x1400, $0x38;
	[tilespmem:$0xF220] =	vst v63  }
0x67: {  	_ =	swait.ge [sflag:s10], $0x1400  }
0x68: {  	[sflag:s10] =	ssyncset.done $0x0  }
0x69: {  	[sflag:s10] =	ssyncadd.s32 $0xFFFFEC00  }
0x6a: {  	_ =	swait.ge [sflag:s21], $0x500  }
0x6b: {  	[sflag:s21] =	ssyncset.done $0x0  }
0x6c: {  	s28 =	sadd.s32 $0x780, s26;
	[sflag:s21] =	ssyncadd.s32 $0xFFFFFB00  }
0x6d: {  	[hbm4b:s28+s2] =	stream.linear.scatter [tilespmem:s16], [sflag:$0x6], $0x1400, $0x38;
	[tilespmem:$0xF220] =	vst v63  }
0x6e: {  	_ =	swait.ge [sflag:s10], $0x1400  }
0x6f: {  	[sflag:s10] =	ssyncset.done $0x0  }
0x70: {  	[sflag:s10] =	ssyncadd.s32 $0xFFFFEC00  }
0x71: {  	_ =	swait.ge [sflag:s22], $0x500  }
.Ltmp0:
0x72: {  	[sflag:s22] =	ssyncset.done $0x0;
	(pc) =	sbr.rel @p1 .LBB2_2-.Ltmp0, $4  }
0x73: {  	s26 =	sadd.s32 $0xA00, s26;
	[sflag:s22] =	ssyncadd.s32 $0xFFFFFB00  }
0x74: {  	[hbm4b:s26+s2] =	stream.linear.scatter [tilespmem:s17], [sflag:$0x6], $0x1400, $0x38;
	[tilespmem:$0xF220] =	vst v63  }
0x75: {  	_ =	swait.ge [sflag:s10], $0x1400  }
0x76: {  	[sflag:s10] =	ssyncset.done $0x0  }
0x77: {  	s23 =	sadd.s32 $0x1, s23  }
0x78: {  	p1 =	sne.s32 s23, s7  }
.Ltmp1:
0x79: {  	_ = 	snop;
	(pc) =	sbr.rel @p1 .LBB2_1-.Ltmp1, $2  }
0x7a: {  	_ =	sdelay $0x2  }
0x7b: {  	[sflag:s10] =	ssyncadd.s32 $0xFFFFEC00  }
0x7c: {  	_ =	sfence.sel $0x180000  }
0x7d: {  	[bflag:$0x0] =	sbarrier.arrive $0xFFFF  }
0x7e: {  	_ =	strace $0x90000047  }
0x7f: {  	s0 =	sadd.s32 @!p0 $0x100000, s0;
	[bflag:$0x2] =	sbarrier.arrive $0xFFFF  }
0x80: {  	[sflag:s0] =	ssyncadd.tile.s32 @!p0 $0x1;
	_ =	shalt  }
.Lfunc_end2:
_tile_overlayer_lowered:
.L_overlay_start_2:
0x81: {  	(tag) =	ssettag $0x2  }
0x82: {  	s0 =	rddreg [dreg:$0x0];
	s2 =	stileid.u32  }
0x83: {  	s1 =	rddreg [dreg:$0x1];
	p0 =	sne.s32 s2, $0x0  }
0x84: {  	s3 =	rddreg [dreg:$0x2];
	[bflag:$0x3] =	sbarrier.arrive $0xFFFF;
	s2 =	simm.s32 @!p0 $0x1C06  }
0x85: {  	[timem:s3], [sflag:s2] =	dma.local @!p0 [hbm:s0], s1  }
0x86: {  	s0 =	simm.s32 @!p0 $0x6  }
0x87: {  	_ =	swait.ge @!p0 [sflag:s0], s1  }
0x88: {  	s1 =	ssub.s32 @!p0 $0x0, s1;
	[sflag:s0] =	ssyncset.done @!p0 $0x0  }
0x89: {  	[sflag:s0] =	ssyncadd.s32 @!p0 s1  }
0x8a: {  	[bflag:$0x3] =	sbarrier.arrive $0xFFFF  }
0x8b: {  	_ =	shalt  }

// kernel: kernel.17.cloned.1.call-start
scs
__scs_entry_jumppad:
0x0: {  	(pc) =	sbr.rel $0x88, $3  }
0x1: {  	(tag) =	ssettag $0x0;
	lr =	simm.s32 $0x1  }
0x2: {  	[smem:$0x3F92] =	sst lr;
	_ =	strace $0xD0000000  }
0x3: {  	_ = 	snop  }
0x4: {  	_ = 	snop  }
0x5: {  	_ = 	snop  }
0x6: {  	_ = 	snop  }
0x7: {  	_ = 	snop  }
__scs_overlays_trampoline_lowered:
0x8: {  	[smem:$0x3FA1] =	sst s0  }
0x9: {  	[smem:$0x3FA2] =	sst s1  }
0xa: {  	[smem:$0x3FA3] =	sst s2  }
0xb: {  	[smem:$0x3FA4] =	sst s3  }
0xc: {  	[smem:$0x3FA5] =	sst s4  }
0xd: {  	[smem:$0x3FA6] =	sst s5  }
0xe: {  	[smem:$0x3FA7] =	sst s6  }
0xf: {  	[smem:$0x3FA8] =	sst s7  }
0x10: {  	[smem:$0x3FA9] =	sst s8  }
0x11: {  	[smem:$0x3FAA] =	sst s9;
	s0 =	simm.s32 @!p0 $0x0  }
0x12: {  	s1 =	sld [smem:$0x3F90];
	s0 =	simm.s32 @p0 $0x1  }
0x13: {  	[smem:$0x3FAB] =	sst s0;
	s0 =	simm.s32 @!p1 $0x0  }
0x14: {  	s2 =	sld [smem:$0x3F8F];
	s0 =	simm.s32 @p1 $0x1  }
0x15: {  	[smem:$0x3FAC] =	sst s0;
	s0 =	simm.s32 @!p2 $0x0  }
0x16: {  	s3 =	sld [smem:$0x3FDB];
	s0 =	simm.s32 @p2 $0x1  }
0x17: {  	s4 =	simm.s32 $0x1BF5;
	[smem:$0x3FAE] =	sst s0  }
0x18: {  	s0 =	sld [smem:$0x3F91];
	_ =	swait.ge [sflag:s4], $0x0  }
0x19: {  	s7 =	sld [smem:$0x3F92]  }
0x1a: {  	s8 =	sadd.s32 $0xFFFFE003, lr  }
0x1b: {  	s9 =	sadd.s32 $0xFFFFFEF7, lr;
	s5 =	simm.s32 $0xFFFFFFFF;
	p2 =	slt.u32 s8, $0xFFFFF086  }
0x1c: {  	p1 =	slt.u32 s9, $0xF7A;
	s5 =	simm.s32 @!p2 $0x0  }
0x1d: {  	s5 =	simm.s32 @p1 $0x1;
	p0 =	seq.s32 s7, s2  }
0x1e: {  	s7 =	smul.u32 @!p0 $0xF7A, s2;
	p2 =	seq.s32 @!p0 s5, $0x0  }
0x1f: {  	s9 =	smul.u32 $0xF7A, s1;
	s8 =	simm.s32 @!p0 $0x1BF5;
	p2 =	por !p2, p0  }
0x20: {  	[sflag:s8] =	ssyncset.s32 @!p0 $0xFFFFF086;
	s6 =	sadd.s32 @!p0 s3, s7;
	s7 =	simm.s32 @!p0 $0x108  }
0x21: {  	s3 =	sadd.s32 s3, s9;
	s6 =	sadd.s32 @!p0 $0x88, s6;
	s7 =	simm.s32 @p2 $0x1082  }
0x22: {  	[simem:s7], [sflag:s8] =	dma.local @!p0 [hbm:s6], $0xF7A  }
0x23: {  	s9 =	sor.u32 $0xD0000000, s2;
	s6 =	simm.s32 $0x108;
	_ =	swait.ge @!p0 [sflag:s8], $0x0  }
0x24: {  	s3 =	sadd.s32 $0x88, s3;
	s6 =	simm.s32 @!p1 $0x1082;
	[sflag:s4] =	ssyncset.s32 $0xFFFFF086  }
0x25: {  	[simem:s6], [sflag:s4] =	dma.local [hbm:s3], $0xF7A  }
0x26: {  	[smem:$0x3F92] =	sst s1;
	(tag) =	ssettag s2;
	_ =	strace s9  }
0x27: {  	s1 =	sld [smem:$0x3FA2]  }
0x28: {  	s2 =	sld [smem:$0x3FA3]  }
0x29: {  	s4 =	sld [smem:$0x3FA5]  }
0x2a: {  	p0 =	seq.s32 s5, $0x0;
	s5 =	sld [smem:$0x3FA6]  }
0x2b: {  	s6 =	sld [smem:$0x3FA7]  }
0x2c: {  	s7 =	sld [smem:$0x3FA8]  }
0x2d: {  	s3 =	simm.s32 $0x108;
	s8 =	sld [smem:$0x3FA9]  }
0x2e: {  	s3 =	simm.s32 @!p0 $0x1082;
	s9 =	sld [smem:$0x3FAA]  }
0x2f: {  	lr =	sadd.s32 s0, s3;
	s0 =	sld [smem:$0x3FA1]  }
0x30: {  	s3 =	sld [smem:$0x3FA4]  }
0x31: {  	[smem:$0x3FAD] =	sst s10  }
0x32: {  	s10 =	sld [smem:$0x3FAB];
	_ =	sdelay $0x3  }
0x33: {  	p0 =	seq.s32 s10, $0x1;
	s10 =	sld [smem:$0x3FAD];
	_ =	sdelay $0x3  }
0x34: {  	[smem:$0x3FAD] =	sst s10  }
0x35: {  	s10 =	sld [smem:$0x3FAC];
	_ =	sdelay $0x3  }
0x36: {  	p1 =	seq.s32 s10, $0x1;
	s10 =	sld [smem:$0x3FAD];
	_ =	sdelay $0x3  }
0x37: {  	[smem:$0x3FAD] =	sst s10  }
0x38: {  	s10 =	sld [smem:$0x3FAE]  }
0x39: {  	_ = 	snop;
	(pc) =	sbr.ind lr, $3  }
0x3a: {  	_ = 	snop  }
0x3b: {  	_ = 	snop  }
0x3c: {  	p2 =	seq.s32 s10, $0x1;
	s10 =	sld [smem:$0x3FAD]  }
0x3d: {  	_ =	shalt  }
0x3e: {  	_ =	shalt  }
0x3f: {  	_ =	shalt  }
0x40: {  	_ =	shalt  }
0x41: {  	_ =	shalt  }
0x42: {  	_ =	shalt  }
0x43: {  	_ =	shalt  }
0x44: {  	_ =	shalt  }
0x45: {  	_ =	shalt  }
0x46: {  	_ =	shalt  }
0x47: {  	_ =	shalt  }
0x48: {  	_ =	shalt  }
0x49: {  	_ =	shalt  }
0x4a: {  	_ =	shalt  }
0x4b: {  	_ =	shalt  }
0x4c: {  	_ =	shalt  }
0x4d: {  	_ =	shalt  }
0x4e: {  	_ =	shalt  }
0x4f: {  	_ =	shalt  }
0x50: {  	_ =	shalt  }
0x51: {  	_ =	shalt  }
0x52: {  	_ =	shalt  }
0x53: {  	_ =	shalt  }
0x54: {  	_ =	shalt  }
0x55: {  	_ =	shalt  }
0x56: {  	_ =	shalt  }
0x57: {  	_ =	shalt  }
0x58: {  	_ =	shalt  }
0x59: {  	_ =	shalt  }
0x5a: {  	_ =	shalt  }
0x5b: {  	_ =	shalt  }
0x5c: {  	_ =	shalt  }
0x5d: {  	_ =	shalt  }
0x5e: {  	_ =	shalt  }
0x5f: {  	_ =	shalt  }
0x60: {  	_ =	shalt  }
0x61: {  	_ =	shalt  }
0x62: {  	_ =	shalt  }
0x63: {  	_ =	shalt  }
0x64: {  	_ =	shalt  }
0x65: {  	_ =	shalt  }
0x66: {  	_ =	shalt  }
0x67: {  	_ =	shalt  }
0x68: {  	_ =	shalt  }
0x69: {  	_ =	shalt  }
0x6a: {  	_ =	shalt  }
0x6b: {  	_ =	shalt  }
0x6c: {  	_ =	shalt  }
0x6d: {  	_ =	shalt  }
0x6e: {  	_ =	shalt  }
0x6f: {  	_ =	shalt  }
0x70: {  	_ =	shalt  }
0x71: {  	_ =	shalt  }
0x72: {  	_ =	shalt  }
0x73: {  	_ =	shalt  }
0x74: {  	_ =	shalt  }
0x75: {  	_ =	shalt  }
0x76: {  	_ =	shalt  }
0x77: {  	_ =	shalt  }
0x78: {  	_ =	shalt  }
0x79: {  	_ =	shalt  }
0x7a: {  	_ =	shalt  }
0x7b: {  	_ =	shalt  }
0x7c: {  	_ =	shalt  }
0x7d: {  	_ =	shalt  }
0x7e: {  	_ =	shalt  }
0x7f: {  	_ =	shalt  }
0x80: {  	_ =	shalt  }
0x81: {  	_ =	shalt  }
0x82: {  	_ =	shalt  }
0x83: {  	_ =	shalt  }
0x84: {  	_ =	shalt  }
0x85: {  	_ =	shalt  }
0x86: {  	_ =	shalt  }
0x87: {  	_ =	shalt  }
.Lfunc_end0:
.L_simem_size_0:
called_computation.1_lowered:
.L_overlay_start_0:
0x88: {  	s2 =	sld [smem:$0x3FD9]  }
0x89: {  	s3 =	sld [smem:$0x3FFE];
	_ =	sdelay $0x1  }
0x8a: {  	s1 =	srdreg.scid  }
0x8b: {  	s0 =	sand.u32 $0x1, s1  }
0x8c: {  	s17 =	sshll.u32 s0, $0xA;
	s2 =	sadd.s32 s3, s2  }
0x8d: {  	s2 =	sadd.s32 s2, s17  }
0x8e: {  	[smem:$0x3FB9] =	sst s2  }
0x8f: {  	_ = 	snop  }
0x90: {  	s2 =	sld [smem:$0x3FD0];
	(tm) =	ssettm $0x1  }
0x91: {  	s18 =	sld [smem:$0x3FFB];
	_ =	sdelay $0x3  }
0x92: {  	_ =	strace s18  }
0x93: {  	s3 =	sld [smem:$0x3FFC];
	_ =	sdelay $0x3  }
0x94: {  	_ =	strace s3  }
0x95: {  	s3 =	sld [smem:$0x3FFD];
	_ =	sdelay $0x3  }
0x96: {  	_ =	strace s3  }
0x97: {  	_ =	strace $0x8FFFFFFF  }
0x98: {  	s19 =	sld [smem:$0x3FDB];
	_ =	sdelay $0x1  }
0x99: {  	s4 =	simm.s32 $_scs_section_size  }
0x9a: {  	s5 =	simm.s32 $_size__tile_overlayer_lowered;
	s6 =	simm.s32 $_tile_overlayer_lowered  }
0x9b: {  	s22 =	simm.s32 $0x1BFF;
	s21 =	sshll.u32 s6, $0x1;
	s3 =	sadd.s32 s4, s19  }
0x9c: {  	s7 =	simm.s32 $0x0;
	s20 =	sshll.u32 s5, $0x1;
	s5 =	sadd.s32 s21, s3  }
0x9d: {  	[timem:s7], [sflag:s22] =	dma.local [hbm:s5], s20  }
0x9e: {  	_ =	swait.ge [sflag:s22], s20  }
0x9f: {  	s4 =	ssub.s32 $0x0, s20;
	[sflag:s22] =	ssyncset.done $0x0  }
0xa0: {  	[sflag:s22] =	ssyncadd.s32 s4;
	_ =	sdelay $0x1  }
0xa1: {  	s23 =	simm.s32 $0x1B8B  }
0xa2: {  	_ =	swait.ge [sflag:s23], $0x1  }
0xa3: {  	[sflag:s23] =	ssyncset.done $0x0  }
0xa4: {  	s25 =	simm.s32 $0x1B8E;
	s24 =	sld [smem:$0x3FFE];
	[sflag:s23] =	ssyncadd.s32 $0xFFFFFFFF  }
0xa5: {  	s26 =	simm.s32 $execute0_lowered;
	[smem:$0x3FD2] =	sst s25  }
0xa6: {  	s5 =	sshll.u32 s26, $0x1;
	_ =	strace $0x80000049;
	[dreg:$0x1] =	wrdreg $0xFFFFFFFF  }
0xa7: {  	s28 =	simm.s32 $_size_execute0_lowered;
	s3 =	sadd.s32 s3, s5;
	[dreg:$0x0] =	wrdreg $0x0  }
0xa8: {  	s5 =	sshll.u32 s28, $0x1;
	[dreg:$0x2] =	wrdreg s3  }
0xa9: {  	[dreg:$0x3] =	wrdreg s5  }
0xaa: {  	[dreg:$0x4] =	wrdreg $0xC0  }
0xab: {  	_ =	task [dreg:s7], $0x5FFFF  }
0xac: {  	[dreg:$0x1] =	wrdreg $0xFFFFFFFF  }
0xad: {  	[dreg:$0x0] =	wrdreg $0x60  }
0xae: {  	[dreg:$0x2] =	wrdreg s24  }
0xaf: {  	[dreg:$0x3] =	wrdreg s2  }
0xb0: {  	[dreg:$0x4] =	wrdreg $0x68000  }
0xb1: {  	[dreg:$0x5] =	wrdreg $0xB6200  }
0xb2: {  	[dreg:$0x6] =	wrdreg $0x9  }
0xb3: {  	_ =	task.clear_ibuf [dreg:s7], $0x7FFFF;
	_ =	strace $0x90000049  }
0xb4: {  	s29 =	simm.s32 $0x9;
	_ =	strace $0x8000004B  }
0xb5: {  	_ =	swait.ge [sflag:s29], $0x1  }
0xb6: {  	[sflag:s29] =	ssyncadd.s32 $0xFFFFFFFF  }
0xb7: {  	_ =	strace $0x9000004B  }
0xb8: {  	_ =	sfence  }
0xb9: {  	s30 =	sld [smem:$0x0];
	_ =	sdelay $0x2  }
0xba: {  	s31 =	sshll.u32 s1, $0xD;
	s1 =	sshrl.u32 s1, $0x2  }
0xbb: {  	s3 =	sand.u32 $0x4000, s31;
	s1 =	sadd.s32 s1, s30  }
0xbc: {  	s0 =	sor.u32 s3, s0;
	s1 =	sshll.u32 s1, $0x11  }
0xbd: {  	s0 =	sor.u32 s1, s0  }
0xbe: {  	s0 =	sadd.s32 $0x8F2B, s0  }
0xbf: {  	[sflag:s0] =	ssyncadd.remote.s32 $0x1  }
0xc0: {  	_ =	sfence.sel $0xFFFF  }
0xc1: {  	[dreg:$0x0] =	wrdreg $0xFFFFFFFF;
	(pc) =	sbr.abs _section_cstart, $3  }
0xc2: {  	[dreg:$0x1] =	wrdreg $0xFFFFFFFF  }
0xc3: {  	_ =	task.clear_ibuf [dreg:s7], $0x2FFFF;
	_ =	strace $0x9FFFFFFF  }
0xc4: {  	(tm) =	ssettm $0x7FFFFFFF  }
0xc5: {  	_ =	shalt  }
tec
execute0_lowered:
.L_overlay_start_1:
0x0: {  	(tag) =	ssettag $0x1  }
0x1: {  	s9 =	rddreg [dreg:$0x0]  }
0x2: {  	s1 =	rddreg [dreg:$0x1]  }
0x3: {  	s2 =	rddreg [dreg:$0x2]  }
0x4: {  	s3 =	rddreg [dreg:$0x3]  }
0x5: {  	s0 =	rddreg [dreg:$0x4];
	s18 =	stileid.u32  }
0x6: {  	s4 =	simm.s32 $0x0;
	s6 =	srdreg.scid;
	s22 =	simm.s32 $0x28  }
0x7: {  	s5 =	smul.u32 $0x27100, s18;
	[smem:$0x7FF] =	sst s4;
	s12 =	sand.u32 $0x1, s6  }
0x8: {  	s13 =	smul.u32 $0x13800, s18;
	s23 =	sshll.u32 s18, $0xC;
	s14 =	sadd.s32 $0x64800, s9  }
0x9: {  	s15 =	sadd.s32 $0xB2A00, s9;
	s30 =	sshll.u32 s18, $0x6;
	s8 =	sadd.s32 $0x138000, s2  }
0xa: {  	s10 =	sadd.s32 $0x138000, s3;
	p0 =	sne.s32 s18, $0x0;
	_ =	strace $0x8000004A  }
0xb: {  	s7 =	sshll.u32 s12, $0xB;
	s28 =	ssub.s32 $0x2, s12;
	s20 =	smul.u32 $0x138800, s12  }
0xc: {  	s6 =	sor.u32 $0x1C01, s30;
	s21 =	smul.u32 $0x13880, s12;
	s16 =	sadd.s32 s5, s9  }
0xd: {  	s24 =	sor.u32 s7, s23;
	s25 =	sshrl.u32 s13, $0x3;
	s29 =	sshrl.u32 s28, $0x1  }
0xe: {  	s19 =	sadd.s32 s13, s2;
	s7 =	sadd.s32 s13, s3;
	s23 =	simm.s32 $0x0  }
0xf: {  	s11 =	sadd.s32 s24, s9;
	s26 =	sadd.s32 s25, s9;
	s17 =	ssub.s32 s28, s29  }
0x10: {  	s9 =	sadd.s32 $0x64600, s9;
	s13 =	sadd.s32 s13, s20;
	s20 =	sshrl.u32 s20, $0x3  }
0x11: {  	s31 =	sadd.s32 s21, s16;
	s18 =	sshrl.u32 s19, $0x3;
	s19 =	simm.s32 $0x1  }
0x12: {  	s21 =	simm.s32 $0x4000;
	s5 =	sadd.s32 $0x3D600, s26;
	s11 =	sadd.s32 $0x2AE600, s11  }
0x13: {  	s13 =	sshrl.u32 s13, $0x3;
	s20 =	sadd.s32 $0x27000, s20;
	s16 =	smax.u32 s17, $0x1  }
0x14: {  	s17 =	sadd.s32 $0x52F600, s31;
	s12 =	sadd.s32 s14, s13;
	s13 =	sadd.s32 s15, s13  }
0x15: {  	s14 =	sadd.s32 s14, s20;
	s15 =	sadd.s32 s15, s20;
	s20 =	simm.s32 $0x5400  }
.LBB2_1:
0x16: {  	[spmem:s18], [sflag:s6] =	dma.local [hbm:s5], $0x2700  }
0x17: {  	_ =	swait.ge [sflag:s19], $0x2700  }
0x18: {  	[sflag:s19] =	ssyncset.done $0x0  }
0x19: {  	s24 =	sshrl.u32 s7, $0x3;
	[sflag:s19] =	ssyncadd.s32 $0xFFFFD900  }
0x1a: {  	[spmem:s24], [sflag:s6] =	dma.local [hbm:s5], $0x2700  }
0x1b: {  	_ =	swait.ge [sflag:s19], $0x2700  }
0x1c: {  	[sflag:s19] =	ssyncset.done $0x0  }
0x1d: {  	s25 =	sshrl.u32 @!p0 s8, $0x3;
	s28 =	simm.s32 @!p0 $0x1;
	[sflag:s19] =	ssyncadd.s32 $0xFFFFD900  }
0x1e: {  	[spmem:s25], [sflag:s6] =	dma.local @!p0 [hbm:s9], $0x100  }
0x1f: {  	_ =	swait.ge @!p0 [sflag:s28], $0x100  }
0x20: {  	[sflag:s28] =	ssyncset.done @!p0 $0x0  }
0x21: {  	s26 =	sshrl.u32 @!p0 s10, $0x3;
	[sflag:s28] =	ssyncadd.s32 @!p0 $0xFFFFFF00  }
0x22: {  	[spmem:s26], [sflag:s6] =	dma.local @!p0 [hbm:s9], $0x100  }
0x23: {  	_ =	swait.ge @!p0 [sflag:s28], $0x100  }
0x24: {  	[sflag:s28] =	ssyncset.done @!p0 $0x0  }
0x25: {  	[sflag:s28] =	ssyncadd.s32 @!p0 $0xFFFFFF00  }
0x26: {  	[tilespmem:s20], [sflag:$0x1] =	stream.linear.gather [hbm4b:s1+s4], $0x1400, $0x38;
	[tilespmem:$0x10440] =	vst v63  }
0x27: {  	_ =	swait.ge [sflag:s19], $0x1400  }
0x28: {  	[sflag:s19] =	ssyncset.done $0x0  }
0x29: {  	[sflag:s19] =	ssyncadd.s32 $0xFFFFEC00  }
0x2a: {  	[tilespmem:s4], [sflag:$0x1] =	stream.linear.gather [hbm4b:s11+s4], $0x3E80, $0x38;
	[tilespmem:$0x10440] =	vst v63  }
0x2b: {  	_ =	swait.ge [sflag:s19], $0x3E80  }
0x2c: {  	[sflag:s19] =	ssyncset.done $0x0  }
0x2d: {  	[sflag:s19] =	ssyncadd.s32 $0xFFFFC180  }
0x2e: {  	[bflag:$0x0] =	sbarrier.arrive $0xFFFF  }
0x2f: {  	[tilespmem:s21], [sflag:$0x1] =	stream.linear.gather [hbm4b:s17+s4], $0x1400, $0x38;
	[tilespmem:$0x10440] =	vst v63  }
0x30: {  	_ =	swait.ge [sflag:s19], $0x1400  }
0x31: {  	[sflag:s19] =	ssyncset.done $0x0  }
0x32: {  	s28 =	simm.s32 $0x0;
	[sflag:s19] =	ssyncadd.s32 $0xFFFFEC00  }
0x33: {  	[spmem:s2] =	stream.indirect.scatter.add.f32 [tilespmem:s21], [sflag:$0x1], $0x20, s28, s22, $0xb8;
	[tilespmem:$0x10440] =	vst v63  }
0x34: {  	_ =	swait.ge [sflag:s19], $0x500  }
0x35: {  	[sflag:s19] =	ssyncset.done $0x0  }
0x36: {  	[sflag:s19] =	ssyncadd.s32 $0xFFFFFB00  }
0x37: {  	[spmem:s3] =	stream.indirect.scatter.add.f32 [tilespmem:s20], [sflag:$0x1], $0x20, s28, s22, $0xb8;
	[tilespmem:$0x10440] =	vst v63  }
0x38: {  	_ =	swait.ge [sflag:s19], $0x500  }
0x39: {  	s29 =	smov.u32 s17;
	s28 =	simm.s32 $0x200;
	[sflag:s19] =	ssyncset.done $0x0  }
.LBB2_2:
0x3a: {  	p1 =	sne.s32 s28, $0xF800;
	[sflag:s19] =	ssyncadd.s32 $0xFFFFFB00;
	s29 =	sadd.s32 $0x280, s29  }
0x3b: {  	[tilespmem:s21], [sflag:$0x1] =	stream.linear.gather [hbm4b:s29+s4], $0x1400, $0x38;
	[tilespmem:$0x10440] =	vst v63  }
0x3c: {  	s30 =	smov.u32 s28;
	s28 =	sadd.s32 $0x200, s28;
	_ =	swait.ge [sflag:s19], $0x1400  }
0x3d: {  	[sflag:s19] =	ssyncset.done $0x0  }
0x3e: {  	s30 =	sshra.s32 s30, $0x2;
	[sflag:s19] =	ssyncadd.s32 $0xFFFFEC00  }
0x3f: {  	[spmem:s2] =	stream.indirect.scatter.add.f32 [tilespmem:s21], [sflag:$0x1], $0x20, s30, s22, $0xb8;
	[tilespmem:$0x10440] =	vst v63  }
0x40: {  	_ =	swait.ge [sflag:s19], $0x500  }
.Ltmp0:
0x41: {  	[sflag:s19] =	ssyncset.done $0x0;
	(pc) =	sbr.rel @p1 .LBB2_2-.Ltmp0, $4  }
0x42: {  	[sflag:s19] =	ssyncadd.s32 $0xFFFFFB00  }
0x43: {  	[spmem:s3] =	stream.indirect.scatter.add.f32 [tilespmem:s20], [sflag:$0x1], $0x20, s30, s22, $0xb8;
	[tilespmem:$0x10440] =	vst v63  }
0x44: {  	_ =	swait.ge [sflag:s19], $0x500  }
0x45: {  	[sflag:s19] =	ssyncset.done $0x0  }
0x46: {  	[sflag:s19] =	ssyncadd.s32 $0xFFFFFB00  }
0x47: {  	[bflag:$0x0] =	sbarrier.arrive $0xFFFF  }
0x48: {  	[hbm:s12], [sflag:s6] =	dma.local [spmem:s18], $0x2700  }
0x49: {  	_ =	swait.ge [sflag:s19], $0x2700  }
0x4a: {  	[sflag:s19] =	ssyncset.done $0x0  }
0x4b: {  	[sflag:s19] =	ssyncadd.s32 $0xFFFFD900  }
0x4c: {  	[hbm:s13], [sflag:s6] =	dma.local [spmem:s24], $0x2700  }
0x4d: {  	_ =	swait.ge [sflag:s19], $0x2700  }
0x4e: {  	[sflag:s19] =	ssyncset.done $0x0  }
0x4f: {  	s24 =	simm.s32 @!p0 $0x1;
	[sflag:s19] =	ssyncadd.s32 $0xFFFFD900  }
0x50: {  	[hbm:s14], [sflag:s6] =	dma.local @!p0 [spmem:s25], $0x100  }
0x51: {  	s23 =	sadd.s32 $0x1, s23;
	_ =	swait.ge @!p0 [sflag:s24], $0x100  }
0x52: {  	p1 =	sne.s32 s23, s16;
	[sflag:s24] =	ssyncset.done @!p0 $0x0  }
.Ltmp1:
0x53: {  	[sflag:s24] =	ssyncadd.s32 @!p0 $0xFFFFFF00;
	(pc) =	sbr.rel @p1 .LBB2_1-.Ltmp1, $4  }
0x54: {  	[hbm:s15], [sflag:s6] =	dma.local @!p0 [spmem:s26], $0x100  }
0x55: {  	_ =	swait.ge @!p0 [sflag:s24], $0x100  }
0x56: {  	[sflag:s24] =	ssyncset.done @!p0 $0x0  }
0x57: {  	[sflag:s24] =	ssyncadd.s32 @!p0 $0xFFFFFF00  }
0x58: {  	_ =	sfence.sel $0x180000  }
0x59: {  	[bflag:$0x0] =	sbarrier.arrive $0xFFFF  }
0x5a: {  	_ =	strace $0x9000004A  }
0x5b: {  	s0 =	sadd.s32 @!p0 $0x100000, s0;
	[bflag:$0x2] =	sbarrier.arrive $0xFFFF  }
0x5c: {  	[sflag:s0] =	ssyncadd.tile.s32 @!p0 $0x1;
	_ =	shalt  }
.Lfunc_end2:
_tile_overlayer_lowered:
.L_overlay_start_2:
0x5d: {  	(tag) =	ssettag $0x2  }
0x5e: {  	s0 =	rddreg [dreg:$0x0];
	s2 =	stileid.u32  }
0x5f: {  	s1 =	rddreg [dreg:$0x1];
	p0 =	sne.s32 s2, $0x0  }
0x60: {  	s3 =	rddreg [dreg:$0x2];
	[bflag:$0x3] =	sbarrier.arrive $0xFFFF;
	s2 =	simm.s32 @!p0 $0x1C01  }
0x61: {  	[timem:s3], [sflag:s2] =	dma.local @!p0 [hbm:s0], s1  }
0x62: {  	s0 =	simm.s32 @!p0 $0x1  }
0x63: {  	_ =	swait.ge @!p0 [sflag:s0], s1  }
0x64: {  	s1 =	ssub.s32 @!p0 $0x0, s1;
	[sflag:s0] =	ssyncset.done @!p0 $0x0  }
0x65: {  	[sflag:s0] =	ssyncadd.s32 @!p0 s1  }
0x66: {  	[bflag:$0x3] =	sbarrier.arrive $0xFFFF  }
0x67: {  	_ =	shalt  }

// kernel: kernel.20.cloned.1.call-start
scs
__scs_entry_jumppad:
0x0: {  	(pc) =	sbr.rel $0x88, $3  }
0x1: {  	(tag) =	ssettag $0x0;
	lr =	simm.s32 $0x1  }
0x2: {  	[smem:$0x3F92] =	sst lr;
	_ =	strace $0xD0000000  }
0x3: {  	_ = 	snop  }
0x4: {  	_ = 	snop  }
0x5: {  	_ = 	snop  }
0x6: {  	_ = 	snop  }
0x7: {  	_ = 	snop  }
__scs_overlays_trampoline_lowered:
0x8: {  	[smem:$0x3FA1] =	sst s0  }
0x9: {  	[smem:$0x3FA2] =	sst s1  }
0xa: {  	[smem:$0x3FA3] =	sst s2  }
0xb: {  	[smem:$0x3FA4] =	sst s3  }
0xc: {  	[smem:$0x3FA5] =	sst s4  }
0xd: {  	[smem:$0x3FA6] =	sst s5  }
0xe: {  	[smem:$0x3FA7] =	sst s6  }
0xf: {  	[smem:$0x3FA8] =	sst s7  }
0x10: {  	[smem:$0x3FA9] =	sst s8  }
0x11: {  	[smem:$0x3FAA] =	sst s9;
	s0 =	simm.s32 @!p0 $0x0  }
0x12: {  	s1 =	sld [smem:$0x3F90];
	s0 =	simm.s32 @p0 $0x1  }
0x13: {  	[smem:$0x3FAB] =	sst s0;
	s0 =	simm.s32 @!p1 $0x0  }
0x14: {  	s2 =	sld [smem:$0x3F8F];
	s0 =	simm.s32 @p1 $0x1  }
0x15: {  	[smem:$0x3FAC] =	sst s0;
	s0 =	simm.s32 @!p2 $0x0  }
0x16: {  	s3 =	sld [smem:$0x3FDB];
	s0 =	simm.s32 @p2 $0x1  }
0x17: {  	s4 =	simm.s32 $0x1BF5;
	[smem:$0x3FAE] =	sst s0  }
0x18: {  	s0 =	sld [smem:$0x3F91];
	_ =	swait.ge [sflag:s4], $0x0  }
0x19: {  	s7 =	sld [smem:$0x3F92]  }
0x1a: {  	s8 =	sadd.s32 $0xFFFFE003, lr  }
0x1b: {  	s9 =	sadd.s32 $0xFFFFFEF7, lr;
	s5 =	simm.s32 $0xFFFFFFFF;
	p2 =	slt.u32 s8, $0xFFFFF086  }
0x1c: {  	p1 =	slt.u32 s9, $0xF7A;
	s5 =	simm.s32 @!p2 $0x0  }
0x1d: {  	s5 =	simm.s32 @p1 $0x1;
	p0 =	seq.s32 s7, s2  }
0x1e: {  	s7 =	smul.u32 @!p0 $0xF7A, s2;
	p2 =	seq.s32 @!p0 s5, $0x0  }
0x1f: {  	s9 =	smul.u32 $0xF7A, s1;
	s8 =	simm.s32 @!p0 $0x1BF5;
	p2 =	por !p2, p0  }
0x20: {  	[sflag:s8] =	ssyncset.s32 @!p0 $0xFFFFF086;
	s6 =	sadd.s32 @!p0 s3, s7;
	s7 =	simm.s32 @!p0 $0x108  }
0x21: {  	s3 =	sadd.s32 s3, s9;
	s6 =	sadd.s32 @!p0 $0x88, s6;
	s7 =	simm.s32 @p2 $0x1082  }
0x22: {  	[simem:s7], [sflag:s8] =	dma.local @!p0 [hbm:s6], $0xF7A  }
0x23: {  	s9 =	sor.u32 $0xD0000000, s2;
	s6 =	simm.s32 $0x108;
	_ =	swait.ge @!p0 [sflag:s8], $0x0  }
0x24: {  	s3 =	sadd.s32 $0x88, s3;
	s6 =	simm.s32 @!p1 $0x1082;
	[sflag:s4] =	ssyncset.s32 $0xFFFFF086  }
0x25: {  	[simem:s6], [sflag:s4] =	dma.local [hbm:s3], $0xF7A  }
0x26: {  	[smem:$0x3F92] =	sst s1;
	(tag) =	ssettag s2;
	_ =	strace s9  }
0x27: {  	s1 =	sld [smem:$0x3FA2]  }
0x28: {  	s2 =	sld [smem:$0x3FA3]  }
0x29: {  	s4 =	sld [smem:$0x3FA5]  }
0x2a: {  	p0 =	seq.s32 s5, $0x0;
	s5 =	sld [smem:$0x3FA6]  }
0x2b: {  	s6 =	sld [smem:$0x3FA7]  }
0x2c: {  	s7 =	sld [smem:$0x3FA8]  }
0x2d: {  	s3 =	simm.s32 $0x108;
	s8 =	sld [smem:$0x3FA9]  }
0x2e: {  	s3 =	simm.s32 @!p0 $0x1082;
	s9 =	sld [smem:$0x3FAA]  }
0x2f: {  	lr =	sadd.s32 s0, s3;
	s0 =	sld [smem:$0x3FA1]  }
0x30: {  	s3 =	sld [smem:$0x3FA4]  }
0x31: {  	[smem:$0x3FAD] =	sst s10  }
0x32: {  	s10 =	sld [smem:$0x3FAB];
	_ =	sdelay $0x3  }
0x33: {  	p0 =	seq.s32 s10, $0x1;
	s10 =	sld [smem:$0x3FAD];
	_ =	sdelay $0x3  }
0x34: {  	[smem:$0x3FAD] =	sst s10  }
0x35: {  	s10 =	sld [smem:$0x3FAC];
	_ =	sdelay $0x3  }
0x36: {  	p1 =	seq.s32 s10, $0x1;
	s10 =	sld [smem:$0x3FAD];
	_ =	sdelay $0x3  }
0x37: {  	[smem:$0x3FAD] =	sst s10  }
0x38: {  	s10 =	sld [smem:$0x3FAE]  }
0x39: {  	_ = 	snop;
	(pc) =	sbr.ind lr, $3  }
0x3a: {  	_ = 	snop  }
0x3b: {  	_ = 	snop  }
0x3c: {  	p2 =	seq.s32 s10, $0x1;
	s10 =	sld [smem:$0x3FAD]  }
0x3d: {  	_ =	shalt  }
0x3e: {  	_ =	shalt  }
0x3f: {  	_ =	shalt  }
0x40: {  	_ =	shalt  }
0x41: {  	_ =	shalt  }
0x42: {  	_ =	shalt  }
0x43: {  	_ =	shalt  }
0x44: {  	_ =	shalt  }
0x45: {  	_ =	shalt  }
0x46: {  	_ =	shalt  }
0x47: {  	_ =	shalt  }
0x48: {  	_ =	shalt  }
0x49: {  	_ =	shalt  }
0x4a: {  	_ =	shalt  }
0x4b: {  	_ =	shalt  }
0x4c: {  	_ =	shalt  }
0x4d: {  	_ =	shalt  }
0x4e: {  	_ =	shalt  }
0x4f: {  	_ =	shalt  }
0x50: {  	_ =	shalt  }
0x51: {  	_ =	shalt  }
0x52: {  	_ =	shalt  }
0x53: {  	_ =	shalt  }
0x54: {  	_ =	shalt  }
0x55: {  	_ =	shalt  }
0x56: {  	_ =	shalt  }
0x57: {  	_ =	shalt  }
0x58: {  	_ =	shalt  }
0x59: {  	_ =	shalt  }
0x5a: {  	_ =	shalt  }
0x5b: {  	_ =	shalt  }
0x5c: {  	_ =	shalt  }
0x5d: {  	_ =	shalt  }
0x5e: {  	_ =	shalt  }
0x5f: {  	_ =	shalt  }
0x60: {  	_ =	shalt  }
0x61: {  	_ =	shalt  }
0x62: {  	_ =	shalt  }
0x63: {  	_ =	shalt  }
0x64: {  	_ =	shalt  }
0x65: {  	_ =	shalt  }
0x66: {  	_ =	shalt  }
0x67: {  	_ =	shalt  }
0x68: {  	_ =	shalt  }
0x69: {  	_ =	shalt  }
0x6a: {  	_ =	shalt  }
0x6b: {  	_ =	shalt  }
0x6c: {  	_ =	shalt  }
0x6d: {  	_ =	shalt  }
0x6e: {  	_ =	shalt  }
0x6f: {  	_ =	shalt  }
0x70: {  	_ =	shalt  }
0x71: {  	_ =	shalt  }
0x72: {  	_ =	shalt  }
0x73: {  	_ =	shalt  }
0x74: {  	_ =	shalt  }
0x75: {  	_ =	shalt  }
0x76: {  	_ =	shalt  }
0x77: {  	_ =	shalt  }
0x78: {  	_ =	shalt  }
0x79: {  	_ =	shalt  }
0x7a: {  	_ =	shalt  }
0x7b: {  	_ =	shalt  }
0x7c: {  	_ =	shalt  }
0x7d: {  	_ =	shalt  }
0x7e: {  	_ =	shalt  }
0x7f: {  	_ =	shalt  }
0x80: {  	_ =	shalt  }
0x81: {  	_ =	shalt  }
0x82: {  	_ =	shalt  }
0x83: {  	_ =	shalt  }
0x84: {  	_ =	shalt  }
0x85: {  	_ =	shalt  }
0x86: {  	_ =	shalt  }
0x87: {  	_ =	shalt  }
.Lfunc_end0:
.L_simem_size_0:
called_computation.2_lowered:
.L_overlay_start_0:
0x88: {  	s2 =	sld [smem:$0x3FD9]  }
0x89: {  	s3 =	sld [smem:$0x3FFE];
	_ =	sdelay $0x1  }
0x8a: {  	s1 =	srdreg.scid  }
0x8b: {  	s0 =	sand.u32 $0x1, s1  }
0x8c: {  	s16 =	sshll.u32 s0, $0xA;
	s2 =	sadd.s32 s3, s2  }
0x8d: {  	s2 =	sadd.s32 s2, s16  }
0x8e: {  	[smem:$0x3FB9] =	sst s2  }
0x8f: {  	_ = 	snop  }
0x90: {  	(tm) =	ssettm $0x1  }
0x91: {  	s17 =	sld [smem:$0x3FFB];
	_ =	sdelay $0x3  }
0x92: {  	_ =	strace s17  }
0x93: {  	s2 =	sld [smem:$0x3FFC];
	_ =	sdelay $0x3  }
0x94: {  	_ =	strace s2  }
0x95: {  	s2 =	sld [smem:$0x3FFD];
	_ =	sdelay $0x3  }
0x96: {  	_ =	strace s2  }
0x97: {  	_ =	strace $0x8FFFFFFF  }
0x98: {  	s18 =	sld [smem:$0x3FDB];
	_ =	sdelay $0x1  }
0x99: {  	s19 =	simm.s32 $_scs_section_size  }
0x9a: {  	s4 =	simm.s32 $_size__tile_overlayer_lowered;
	s5 =	simm.s32 $_tile_overlayer_lowered  }
0x9b: {  	s22 =	simm.s32 $0x1BFF;
	s21 =	sshll.u32 s5, $0x1;
	s2 =	sadd.s32 s19, s18  }
0x9c: {  	s6 =	simm.s32 $0x0;
	s20 =	sshll.u32 s4, $0x1;
	s4 =	sadd.s32 s21, s2  }
0x9d: {  	[timem:s6], [sflag:s22] =	dma.local [hbm:s4], s20  }
0x9e: {  	_ =	swait.ge [sflag:s22], s20  }
0x9f: {  	s3 =	ssub.s32 $0x0, s20;
	[sflag:s22] =	ssyncset.done $0x0  }
0xa0: {  	[sflag:s22] =	ssyncadd.s32 s3;
	_ =	sdelay $0x1  }
0xa1: {  	s23 =	simm.s32 $0x1B8B  }
0xa2: {  	_ =	swait.ge [sflag:s23], $0x1  }
0xa3: {  	[sflag:s23] =	ssyncset.done $0x0  }
0xa4: {  	s25 =	simm.s32 $0x1B8E;
	s24 =	sld [smem:$0x3FFE];
	[sflag:s23] =	ssyncadd.s32 $0xFFFFFFFF  }
0xa5: {  	s26 =	simm.s32 $execute0_lowered;
	[smem:$0x3FD2] =	sst s25  }
0xa6: {  	s4 =	sshll.u32 s26, $0x1;
	_ =	strace $0x8000004C;
	[dreg:$0x1] =	wrdreg $0xFFFFFFFF  }
0xa7: {  	s28 =	simm.s32 $_size_execute0_lowered;
	s2 =	sadd.s32 s2, s4;
	[dreg:$0x0] =	wrdreg $0x0  }
0xa8: {  	s4 =	sshll.u32 s28, $0x1;
	[dreg:$0x2] =	wrdreg s2  }
0xa9: {  	[dreg:$0x3] =	wrdreg s4  }
0xaa: {  	[dreg:$0x4] =	wrdreg $0xC0  }
0xab: {  	_ =	task [dreg:s6], $0x5FFFF  }
0xac: {  	[dreg:$0x1] =	wrdreg $0xFFFFFFFF  }
0xad: {  	[dreg:$0x0] =	wrdreg $0x60  }
0xae: {  	[dreg:$0x2] =	wrdreg s24  }
0xaf: {  	[dreg:$0x3] =	wrdreg $0xA4000  }
0xb0: {  	[dreg:$0x4] =	wrdreg $0x9  }
0xb1: {  	_ =	task.clear_ibuf [dreg:s6], $0x5FFFF;
	_ =	strace $0x9000004C  }
0xb2: {  	s29 =	simm.s32 $0x9;
	_ =	strace $0x8000004E  }
0xb3: {  	_ =	swait.ge [sflag:s29], $0x1  }
0xb4: {  	[sflag:s29] =	ssyncadd.s32 $0xFFFFFFFF  }
0xb5: {  	_ =	strace $0x9000004E  }
0xb6: {  	_ =	sfence  }
0xb7: {  	s30 =	sld [smem:$0x0];
	_ =	sdelay $0x2  }
0xb8: {  	s31 =	sshll.u32 s1, $0xD;
	s1 =	sshrl.u32 s1, $0x2  }
0xb9: {  	s3 =	sand.u32 $0x4000, s31;
	s1 =	sadd.s32 s1, s30  }
0xba: {  	s0 =	sor.u32 s3, s0;
	s1 =	sshll.u32 s1, $0x11  }
0xbb: {  	s0 =	sor.u32 s1, s0  }
0xbc: {  	s0 =	sadd.s32 $0x8F2B, s0  }
0xbd: {  	[sflag:s0] =	ssyncadd.remote.s32 $0x1  }
0xbe: {  	_ =	sfence.sel $0xFFFF  }
0xbf: {  	[dreg:$0x0] =	wrdreg $0xFFFFFFFF;
	(pc) =	sbr.abs _section_cstart, $3  }
0xc0: {  	[dreg:$0x1] =	wrdreg $0xFFFFFFFF  }
0xc1: {  	_ =	task.clear_ibuf [dreg:s6], $0x2FFFF;
	_ =	strace $0x9FFFFFFF  }
0xc2: {  	(tm) =	ssettm $0x7FFFFFFF  }
0xc3: {  	_ =	shalt  }
tec
execute0_lowered:
.L_overlay_start_1:
0x0: {  	(tag) =	ssettag $0x1  }
0x1: {  	s5 =	rddreg [dreg:$0x0]  }
0x2: {  	s1 =	rddreg [dreg:$0x1]  }
0x3: {  	s0 =	rddreg [dreg:$0x2];
	s2 =	simm.s32 $0x0  }
0x4: {  	s9 =	stileid.u32;
	s3 =	srdreg.scid;
	s13 =	simm.s32 $0x4000  }
0x5: {  	s14 =	simm.s32 $0x5400;
	s15 =	simm.s32 $0x6800;
	s16 =	simm.s32 $0x7C00  }
0x6: {  	s17 =	simm.s32 $0x9000;
	s18 =	simm.s32 $0x1;
	s19 =	simm.s32 $0x2  }
0x7: {  	s20 =	simm.s32 $0x3;
	s21 =	simm.s32 $0x4;
	s22 =	simm.s32 $0x5  }
0x8: {  	s23 =	simm.s32 $0x0;
	[smem:$0x7FF] =	sst s2;
	s4 =	smul.u32 $0x2700, s9  }
0x9: {  	s3 =	sand.u32 $0x1, s3;
	s6 =	sshll.u32 s9, $0xC;
	s8 =	smul.u32 $0x27100, s9  }
0xa: {  	s10 =	smul.u32 $0x4E000, s9;
	s31 =	sshll.u32 s9, $0x6;
	p0 =	sne.s32 s9, $0x0  }
0xb: {  	_ =	strace $0x8000004D;
	s7 =	sshll.u32 s3, $0xB;
	s30 =	ssub.s32 $0x2, s3  }
0xc: {  	s12 =	smul.u32 $0x13880, s3;
	s6 =	sor.u32 s7, s6;
	s4 =	sadd.s32 s4, s5  }
0xd: {  	s11 =	sshrl.u32 s30, $0x1;
	s8 =	sadd.s32 s8, s5;
	s10 =	sshrl.u32 s10, $0x2  }
0xe: {  	s6 =	sadd.s32 s6, s5;
	s7 =	ssub.s32 s30, s11;
	s10 =	sadd.s32 s10, s1  }
0xf: {  	s3 =	sadd.s32 $0x16400, s4;
	s4 =	sor.u32 $0x1C06, s31;
	s11 =	sadd.s32 $0x138000, s1  }
0x10: {  	s5 =	sadd.s32 $0x3D400, s5;
	s8 =	sadd.s32 s12, s8;
	s12 =	simm.s32 $0x28  }
0x11: {  	s6 =	sadd.s32 $0x6400, s6;
	s7 =	smax.u32 s7, $0x1;
	s8 =	sadd.s32 $0x52F600, s8  }
0x12: {  	s9 =	sshrl.u32 s10, $0x3;
	s10 =	simm.s32 $0x6;
	s11 =	sshrl.u32 @!p0 s11, $0x3  }
.LBB2_1:
0x13: {  	[spmem:s9], [sflag:s4] =	dma.local [hbm:s3], $0x2700  }
0x14: {  	_ =	swait.ge [sflag:s10], $0x2700  }
0x15: {  	[sflag:s10] =	ssyncset.done $0x0  }
0x16: {  	s24 =	simm.s32 @!p0 $0x6;
	[sflag:s10] =	ssyncadd.s32 $0xFFFFD900  }
0x17: {  	[spmem:s11], [sflag:s4] =	dma.local @!p0 [hbm:s5], $0x100  }
0x18: {  	_ =	swait.ge @!p0 [sflag:s24], $0x100  }
0x19: {  	[sflag:s24] =	ssyncset.done @!p0 $0x0  }
0x1a: {  	[sflag:s24] =	ssyncadd.s32 @!p0 $0xFFFFFF00  }
0x1b: {  	[tilespmem:s2], [sflag:$0x6] =	stream.linear.gather [hbm4b:s6+s2], $0x3E80, $0x38;
	[tilespmem:$0xF220] =	vst v63  }
0x1c: {  	_ =	swait.ge [sflag:s10], $0x3E80  }
0x1d: {  	[sflag:s10] =	ssyncset.done $0x0  }
0x1e: {  	[sflag:s10] =	ssyncadd.s32 $0xFFFFC180  }
0x1f: {  	[bflag:$0x0] =	sbarrier.arrive $0xFFFF  }
0x20: {  	[tilespmem:s13], [sflag:$0x1] =	stream.indirect.gather [spmem:s1], $0x20, s2, s12, $0xb8;
	[tilespmem:$0xF220] =	vst v63  }
0x21: {  	s31 =	simm.s32 $0x80  }
0x22: {  	[tilespmem:s14], [sflag:$0x2] =	stream.indirect.gather [spmem:s1], $0x20, s31, s12, $0xb8;
	[tilespmem:$0xF220] =	vst v63  }
0x23: {  	s25 =	simm.s32 $0x100  }
0x24: {  	[tilespmem:s15], [sflag:$0x3] =	stream.indirect.gather [spmem:s1], $0x20, s25, s12, $0xb8;
	[tilespmem:$0xF220] =	vst v63  }
0x25: {  	s26 =	simm.s32 $0x180  }
0x26: {  	[tilespmem:s16], [sflag:$0x4] =	stream.indirect.gather [spmem:s1], $0x20, s26, s12, $0xb8;
	[tilespmem:$0xF220] =	vst v63  }
0x27: {  	s28 =	simm.s32 $0x200  }
0x28: {  	[tilespmem:s17], [sflag:$0x5] =	stream.indirect.gather [spmem:s1], $0x20, s28, s12, $0xb8;
	[tilespmem:$0xF220] =	vst v63  }
0x29: {  	_ =	swait.ge [sflag:s18], $0x500  }
0x2a: {  	[sflag:s18] =	ssyncset.done $0x0  }
0x2b: {  	s29 =	sadd.s32 $0x0, s8;
	[sflag:s18] =	ssyncadd.s32 $0xFFFFFB00  }
0x2c: {  	[hbm4b:s29+s2] =	stream.linear.scatter [tilespmem:s13], [sflag:$0x6], $0x1400, $0x38;
	[tilespmem:$0xF220] =	vst v63  }
0x2d: {  	_ =	swait.ge [sflag:s10], $0x1400  }
0x2e: {  	[sflag:s10] =	ssyncset.done $0x0  }
0x2f: {  	[sflag:s10] =	ssyncadd.s32 $0xFFFFEC00  }
0x30: {  	_ =	swait.ge [sflag:s19], $0x500  }
0x31: {  	[sflag:s19] =	ssyncset.done $0x0  }
0x32: {  	s25 =	sadd.s32 $0x280, s29;
	[sflag:s19] =	ssyncadd.s32 $0xFFFFFB00  }
0x33: {  	[hbm4b:s25+s2] =	stream.linear.scatter [tilespmem:s14], [sflag:$0x6], $0x1400, $0x38;
	[tilespmem:$0xF220] =	vst v63  }
0x34: {  	_ =	swait.ge [sflag:s10], $0x1400  }
0x35: {  	[sflag:s10] =	ssyncset.done $0x0  }
0x36: {  	[sflag:s10] =	ssyncadd.s32 $0xFFFFEC00  }
0x37: {  	_ =	swait.ge [sflag:s20], $0x500  }
0x38: {  	[sflag:s20] =	ssyncset.done $0x0  }
0x39: {  	s30 =	sadd.s32 $0x500, s29;
	[sflag:s20] =	ssyncadd.s32 $0xFFFFFB00  }
0x3a: {  	[hbm4b:s30+s2] =	stream.linear.scatter [tilespmem:s15], [sflag:$0x6], $0x1400, $0x38;
	[tilespmem:$0xF220] =	vst v63  }
0x3b: {  	_ =	swait.ge [sflag:s10], $0x1400  }
0x3c: {  	[sflag:s10] =	ssyncset.done $0x0  }
0x3d: {  	[sflag:s10] =	ssyncadd.s32 $0xFFFFEC00  }
0x3e: {  	_ =	swait.ge [sflag:s21], $0x500  }
0x3f: {  	[sflag:s21] =	ssyncset.done $0x0  }
0x40: {  	s31 =	sadd.s32 $0x780, s29;
	[sflag:s21] =	ssyncadd.s32 $0xFFFFFB00  }
0x41: {  	[hbm4b:s31+s2] =	stream.linear.scatter [tilespmem:s16], [sflag:$0x6], $0x1400, $0x38;
	[tilespmem:$0xF220] =	vst v63  }
0x42: {  	_ =	swait.ge [sflag:s10], $0x1400  }
0x43: {  	[sflag:s10] =	ssyncset.done $0x0  }
0x44: {  	[sflag:s10] =	ssyncadd.s32 $0xFFFFEC00  }
0x45: {  	_ =	swait.ge [sflag:s22], $0x500  }
0x46: {  	[sflag:s22] =	ssyncset.done $0x0  }
0x47: {  	s24 =	sadd.s32 $0xA00, s29;
	[sflag:s22] =	ssyncadd.s32 $0xFFFFFB00  }
0x48: {  	[hbm4b:s24+s2] =	stream.linear.scatter [tilespmem:s17], [sflag:$0x6], $0x1400, $0x38;
	[tilespmem:$0xF220] =	vst v63  }
0x49: {  	_ =	swait.ge [sflag:s10], $0x1400  }
0x4a: {  	s25 =	simm.s32 $0x0;
	s24 =	simm.s32 $0xC80;
	[sflag:s10] =	ssyncset.done $0x0  }
.LBB2_2:
0x4b: {  	p1 =	sne.s32 s24, $0x12C00;
	[sflag:s10] =	ssyncadd.s32 $0xFFFFEC00;
	s25 =	sadd.s32 $0x280, s25  }
0x4c: {  	[tilespmem:s13], [sflag:$0x1] =	stream.indirect.gather [spmem:s1], $0x20, s25, s12, $0xb8;
	[tilespmem:$0xF220] =	vst v63  }
0x4d: {  	s28 =	smov.u32 s24;
	s24 =	sadd.s32 $0xC80, s24;
	s26 =	sadd.s32 $0x80, s25  }
0x4e: {  	[tilespmem:s14], [sflag:$0x2] =	stream.indirect.gather [spmem:s1], $0x20, s26, s12, $0xb8;
	[tilespmem:$0xF220] =	vst v63  }
0x4f: {  	s26 =	sadd.s32 $0x100, s25  }
0x50: {  	[tilespmem:s15], [sflag:$0x3] =	stream.indirect.gather [spmem:s1], $0x20, s26, s12, $0xb8;
	[tilespmem:$0xF220] =	vst v63  }
0x51: {  	s26 =	sadd.s32 $0x180, s25  }
0x52: {  	[tilespmem:s16], [sflag:$0x4] =	stream.indirect.gather [spmem:s1], $0x20, s26, s12, $0xb8;
	[tilespmem:$0xF220] =	vst v63  }
0x53: {  	s26 =	sadd.s32 $0x200, s25  }
0x54: {  	[tilespmem:s17], [sflag:$0x5] =	stream.indirect.gather [spmem:s1], $0x20, s26, s12, $0xb8;
	[tilespmem:$0xF220] =	vst v63  }
0x55: {  	_ =	swait.ge [sflag:s18], $0x500  }
0x56: {  	[sflag:s18] =	ssyncset.done $0x0  }
0x57: {  	s26 =	sadd.s32 s28, s8;
	[sflag:s18] =	ssyncadd.s32 $0xFFFFFB00  }
0x58: {  	[hbm4b:s26+s2] =	stream.linear.scatter [tilespmem:s13], [sflag:$0x6], $0x1400, $0x38;
	[tilespmem:$0xF220] =	vst v63  }
0x59: {  	_ =	swait.ge [sflag:s10], $0x1400  }
0x5a: {  	[sflag:s10] =	ssyncset.done $0x0  }
0x5b: {  	[sflag:s10] =	ssyncadd.s32 $0xFFFFEC00  }
0x5c: {  	_ =	swait.ge [sflag:s19], $0x500  }
0x5d: {  	[sflag:s19] =	ssyncset.done $0x0  }
0x5e: {  	s28 =	sadd.s32 $0x280, s26;
	[sflag:s19] =	ssyncadd.s32 $0xFFFFFB00  }
0x5f: {  	[hbm4b:s28+s2] =	stream.linear.scatter [tilespmem:s14], [sflag:$0x6], $0x1400, $0x38;
	[tilespmem:$0xF220] =	vst v63  }
0x60: {  	_ =	swait.ge [sflag:s10], $0x1400  }
0x61: {  	[sflag:s10] =	ssyncset.done $0x0  }
0x62: {  	[sflag:s10] =	ssyncadd.s32 $0xFFFFEC00  }
0x63: {  	_ =	swait.ge [sflag:s20], $0x500  }
0x64: {  	[sflag:s20] =	ssyncset.done $0x0  }
0x65: {  	s28 =	sadd.s32 $0x500, s26;
	[sflag:s20] =	ssyncadd.s32 $0xFFFFFB00  }
0x66: {  	[hbm4b:s28+s2] =	stream.linear.scatter [tilespmem:s15], [sflag:$0x6], $0x1400, $0x38;
	[tilespmem:$0xF220] =	vst v63  }
0x67: {  	_ =	swait.ge [sflag:s10], $0x1400  }
0x68: {  	[sflag:s10] =	ssyncset.done $0x0  }
0x69: {  	[sflag:s10] =	ssyncadd.s32 $0xFFFFEC00  }
0x6a: {  	_ =	swait.ge [sflag:s21], $0x500  }
0x6b: {  	[sflag:s21] =	ssyncset.done $0x0  }
0x6c: {  	s28 =	sadd.s32 $0x780, s26;
	[sflag:s21] =	ssyncadd.s32 $0xFFFFFB00  }
0x6d: {  	[hbm4b:s28+s2] =	stream.linear.scatter [tilespmem:s16], [sflag:$0x6], $0x1400, $0x38;
	[tilespmem:$0xF220] =	vst v63  }
0x6e: {  	_ =	swait.ge [sflag:s10], $0x1400  }
0x6f: {  	[sflag:s10] =	ssyncset.done $0x0  }
0x70: {  	[sflag:s10] =	ssyncadd.s32 $0xFFFFEC00  }
0x71: {  	_ =	swait.ge [sflag:s22], $0x500  }
.Ltmp0:
0x72: {  	[sflag:s22] =	ssyncset.done $0x0;
	(pc) =	sbr.rel @p1 .LBB2_2-.Ltmp0, $4  }
0x73: {  	s26 =	sadd.s32 $0xA00, s26;
	[sflag:s22] =	ssyncadd.s32 $0xFFFFFB00  }
0x74: {  	[hbm4b:s26+s2] =	stream.linear.scatter [tilespmem:s17], [sflag:$0x6], $0x1400, $0x38;
	[tilespmem:$0xF220] =	vst v63  }
0x75: {  	_ =	swait.ge [sflag:s10], $0x1400  }
0x76: {  	[sflag:s10] =	ssyncset.done $0x0  }
0x77: {  	s23 =	sadd.s32 $0x1, s23  }
0x78: {  	p1 =	sne.s32 s23, s7  }
.Ltmp1:
0x79: {  	_ = 	snop;
	(pc) =	sbr.rel @p1 .LBB2_1-.Ltmp1, $2  }
0x7a: {  	_ =	sdelay $0x2  }
0x7b: {  	[sflag:s10] =	ssyncadd.s32 $0xFFFFEC00  }
0x7c: {  	_ =	sfence.sel $0x180000  }
0x7d: {  	[bflag:$0x0] =	sbarrier.arrive $0xFFFF  }
0x7e: {  	_ =	strace $0x9000004D  }
0x7f: {  	s0 =	sadd.s32 @!p0 $0x100000, s0;
	[bflag:$0x2] =	sbarrier.arrive $0xFFFF  }
0x80: {  	[sflag:s0] =	ssyncadd.tile.s32 @!p0 $0x1;
	_ =	shalt  }
.Lfunc_end2:
_tile_overlayer_lowered:
.L_overlay_start_2:
0x81: {  	(tag) =	ssettag $0x2  }
0x82: {  	s0 =	rddreg [dreg:$0x0];
	s2 =	stileid.u32  }
0x83: {  	s1 =	rddreg [dreg:$0x1];
	p0 =	sne.s32 s2, $0x0  }
0x84: {  	s3 =	rddreg [dreg:$0x2];
	[bflag:$0x3] =	sbarrier.arrive $0xFFFF;
	s2 =	simm.s32 @!p0 $0x1C06  }
0x85: {  	[timem:s3], [sflag:s2] =	dma.local @!p0 [hbm:s0], s1  }
0x86: {  	s0 =	simm.s32 @!p0 $0x6  }
0x87: {  	_ =	swait.ge @!p0 [sflag:s0], s1  }
0x88: {  	s1 =	ssub.s32 @!p0 $0x0, s1;
	[sflag:s0] =	ssyncset.done @!p0 $0x0  }
0x89: {  	[sflag:s0] =	ssyncadd.s32 @!p0 s1  }
0x8a: {  	[bflag:$0x3] =	sbarrier.arrive $0xFFFF  }
0x8b: {  	_ =	shalt  }

// kernel: kernel.23.cloned.1.call-start
scs
__scs_entry_jumppad:
0x0: {  	(pc) =	sbr.rel $0x88, $3  }
0x1: {  	(tag) =	ssettag $0x0;
	lr =	simm.s32 $0x1  }
0x2: {  	[smem:$0x3F92] =	sst lr;
	_ =	strace $0xD0000000  }
0x3: {  	_ = 	snop  }
0x4: {  	_ = 	snop  }
0x5: {  	_ = 	snop  }
0x6: {  	_ = 	snop  }
0x7: {  	_ = 	snop  }
__scs_overlays_trampoline_lowered:
0x8: {  	[smem:$0x3FA1] =	sst s0  }
0x9: {  	[smem:$0x3FA2] =	sst s1  }
0xa: {  	[smem:$0x3FA3] =	sst s2  }
0xb: {  	[smem:$0x3FA4] =	sst s3  }
0xc: {  	[smem:$0x3FA5] =	sst s4  }
0xd: {  	[smem:$0x3FA6] =	sst s5  }
0xe: {  	[smem:$0x3FA7] =	sst s6  }
0xf: {  	[smem:$0x3FA8] =	sst s7  }
0x10: {  	[smem:$0x3FA9] =	sst s8  }
0x11: {  	[smem:$0x3FAA] =	sst s9;
	s0 =	simm.s32 @!p0 $0x0  }
0x12: {  	s1 =	sld [smem:$0x3F90];
	s0 =	simm.s32 @p0 $0x1  }
0x13: {  	[smem:$0x3FAB] =	sst s0;
	s0 =	simm.s32 @!p1 $0x0  }
0x14: {  	s2 =	sld [smem:$0x3F8F];
	s0 =	simm.s32 @p1 $0x1  }
0x15: {  	[smem:$0x3FAC] =	sst s0;
	s0 =	simm.s32 @!p2 $0x0  }
0x16: {  	s3 =	sld [smem:$0x3FDB];
	s0 =	simm.s32 @p2 $0x1  }
0x17: {  	s4 =	simm.s32 $0x1BF5;
	[smem:$0x3FAE] =	sst s0  }
0x18: {  	s0 =	sld [smem:$0x3F91];
	_ =	swait.ge [sflag:s4], $0x0  }
0x19: {  	s7 =	sld [smem:$0x3F92]  }
0x1a: {  	s8 =	sadd.s32 $0xFFFFE003, lr  }
0x1b: {  	s9 =	sadd.s32 $0xFFFFFEF7, lr;
	s5 =	simm.s32 $0xFFFFFFFF;
	p2 =	slt.u32 s8, $0xFFFFF086  }
0x1c: {  	p1 =	slt.u32 s9, $0xF7A;
	s5 =	simm.s32 @!p2 $0x0  }
0x1d: {  	s5 =	simm.s32 @p1 $0x1;
	p0 =	seq.s32 s7, s2  }
0x1e: {  	s7 =	smul.u32 @!p0 $0xF7A, s2;
	p2 =	seq.s32 @!p0 s5, $0x0  }
0x1f: {  	s9 =	smul.u32 $0xF7A, s1;
	s8 =	simm.s32 @!p0 $0x1BF5;
	p2 =	por !p2, p0  }
0x20: {  	[sflag:s8] =	ssyncset.s32 @!p0 $0xFFFFF086;
	s6 =	sadd.s32 @!p0 s3, s7;
	s7 =	simm.s32 @!p0 $0x108  }
0x21: {  	s3 =	sadd.s32 s3, s9;
	s6 =	sadd.s32 @!p0 $0x88, s6;
	s7 =	simm.s32 @p2 $0x1082  }
0x22: {  	[simem:s7], [sflag:s8] =	dma.local @!p0 [hbm:s6], $0xF7A  }
0x23: {  	s9 =	sor.u32 $0xD0000000, s2;
	s6 =	simm.s32 $0x108;
	_ =	swait.ge @!p0 [sflag:s8], $0x0  }
0x24: {  	s3 =	sadd.s32 $0x88, s3;
	s6 =	simm.s32 @!p1 $0x1082;
	[sflag:s4] =	ssyncset.s32 $0xFFFFF086  }
0x25: {  	[simem:s6], [sflag:s4] =	dma.local [hbm:s3], $0xF7A  }
0x26: {  	[smem:$0x3F92] =	sst s1;
	(tag) =	ssettag s2;
	_ =	strace s9  }
0x27: {  	s1 =	sld [smem:$0x3FA2]  }
0x28: {  	s2 =	sld [smem:$0x3FA3]  }
0x29: {  	s4 =	sld [smem:$0x3FA5]  }
0x2a: {  	p0 =	seq.s32 s5, $0x0;
	s5 =	sld [smem:$0x3FA6]  }
0x2b: {  	s6 =	sld [smem:$0x3FA7]  }
0x2c: {  	s7 =	sld [smem:$0x3FA8]  }
0x2d: {  	s3 =	simm.s32 $0x108;
	s8 =	sld [smem:$0x3FA9]  }
0x2e: {  	s3 =	simm.s32 @!p0 $0x1082;
	s9 =	sld [smem:$0x3FAA]  }
0x2f: {  	lr =	sadd.s32 s0, s3;
	s0 =	sld [smem:$0x3FA1]  }
0x30: {  	s3 =	sld [smem:$0x3FA4]  }
0x31: {  	[smem:$0x3FAD] =	sst s10  }
0x32: {  	s10 =	sld [smem:$0x3FAB];
	_ =	sdelay $0x3  }
0x33: {  	p0 =	seq.s32 s10, $0x1;
	s10 =	sld [smem:$0x3FAD];
	_ =	sdelay $0x3  }
0x34: {  	[smem:$0x3FAD] =	sst s10  }
0x35: {  	s10 =	sld [smem:$0x3FAC];
	_ =	sdelay $0x3  }
0x36: {  	p1 =	seq.s32 s10, $0x1;
	s10 =	sld [smem:$0x3FAD];
	_ =	sdelay $0x3  }
0x37: {  	[smem:$0x3FAD] =	sst s10  }
0x38: {  	s10 =	sld [smem:$0x3FAE]  }
0x39: {  	_ = 	snop;
	(pc) =	sbr.ind lr, $3  }
0x3a: {  	_ = 	snop  }
0x3b: {  	_ = 	snop  }
0x3c: {  	p2 =	seq.s32 s10, $0x1;
	s10 =	sld [smem:$0x3FAD]  }
0x3d: {  	_ =	shalt  }
0x3e: {  	_ =	shalt  }
0x3f: {  	_ =	shalt  }
0x40: {  	_ =	shalt  }
0x41: {  	_ =	shalt  }
0x42: {  	_ =	shalt  }
0x43: {  	_ =	shalt  }
0x44: {  	_ =	shalt  }
0x45: {  	_ =	shalt  }
0x46: {  	_ =	shalt  }
0x47: {  	_ =	shalt  }
0x48: {  	_ =	shalt  }
0x49: {  	_ =	shalt  }
0x4a: {  	_ =	shalt  }
0x4b: {  	_ =	shalt  }
0x4c: {  	_ =	shalt  }
0x4d: {  	_ =	shalt  }
0x4e: {  	_ =	shalt  }
0x4f: {  	_ =	shalt  }
0x50: {  	_ =	shalt  }
0x51: {  	_ =	shalt  }
0x52: {  	_ =	shalt  }
0x53: {  	_ =	shalt  }
0x54: {  	_ =	shalt  }
0x55: {  	_ =	shalt  }
0x56: {  	_ =	shalt  }
0x57: {  	_ =	shalt  }
0x58: {  	_ =	shalt  }
0x59: {  	_ =	shalt  }
0x5a: {  	_ =	shalt  }
0x5b: {  	_ =	shalt  }
0x5c: {  	_ =	shalt  }
0x5d: {  	_ =	shalt  }
0x5e: {  	_ =	shalt  }
0x5f: {  	_ =	shalt  }
0x60: {  	_ =	shalt  }
0x61: {  	_ =	shalt  }
0x62: {  	_ =	shalt  }
0x63: {  	_ =	shalt  }
0x64: {  	_ =	shalt  }
0x65: {  	_ =	shalt  }
0x66: {  	_ =	shalt  }
0x67: {  	_ =	shalt  }
0x68: {  	_ =	shalt  }
0x69: {  	_ =	shalt  }
0x6a: {  	_ =	shalt  }
0x6b: {  	_ =	shalt  }
0x6c: {  	_ =	shalt  }
0x6d: {  	_ =	shalt  }
0x6e: {  	_ =	shalt  }
0x6f: {  	_ =	shalt  }
0x70: {  	_ =	shalt  }
0x71: {  	_ =	shalt  }
0x72: {  	_ =	shalt  }
0x73: {  	_ =	shalt  }
0x74: {  	_ =	shalt  }
0x75: {  	_ =	shalt  }
0x76: {  	_ =	shalt  }
0x77: {  	_ =	shalt  }
0x78: {  	_ =	shalt  }
0x79: {  	_ =	shalt  }
0x7a: {  	_ =	shalt  }
0x7b: {  	_ =	shalt  }
0x7c: {  	_ =	shalt  }
0x7d: {  	_ =	shalt  }
0x7e: {  	_ =	shalt  }
0x7f: {  	_ =	shalt  }
0x80: {  	_ =	shalt  }
0x81: {  	_ =	shalt  }
0x82: {  	_ =	shalt  }
0x83: {  	_ =	shalt  }
0x84: {  	_ =	shalt  }
0x85: {  	_ =	shalt  }
0x86: {  	_ =	shalt  }
0x87: {  	_ =	shalt  }
.Lfunc_end0:
.L_simem_size_0:
called_computation.3_lowered:
.L_overlay_start_0:
0x88: {  	s2 =	sld [smem:$0x3FD9]  }
0x89: {  	s3 =	sld [smem:$0x3FFE];
	_ =	sdelay $0x1  }
0x8a: {  	s1 =	srdreg.scid  }
0x8b: {  	s0 =	sand.u32 $0x1, s1  }
0x8c: {  	s16 =	sshll.u32 s0, $0xA;
	s2 =	sadd.s32 s3, s2  }
0x8d: {  	s2 =	sadd.s32 s2, s16  }
0x8e: {  	[smem:$0x3FB9] =	sst s2  }
0x8f: {  	_ = 	snop  }
0x90: {  	(tm) =	ssettm $0x1  }
0x91: {  	s17 =	sld [smem:$0x3FFB];
	_ =	sdelay $0x3  }
0x92: {  	_ =	strace s17  }
0x93: {  	s2 =	sld [smem:$0x3FFC];
	_ =	sdelay $0x3  }
0x94: {  	_ =	strace s2  }
0x95: {  	s2 =	sld [smem:$0x3FFD];
	_ =	sdelay $0x3  }
0x96: {  	_ =	strace s2  }
0x97: {  	_ =	strace $0x8FFFFFFF  }
0x98: {  	s18 =	sld [smem:$0x3FDB];
	_ =	sdelay $0x1  }
0x99: {  	s19 =	simm.s32 $_scs_section_size  }
0x9a: {  	s4 =	simm.s32 $_size__tile_overlayer_lowered;
	s5 =	simm.s32 $_tile_overlayer_lowered  }
0x9b: {  	s22 =	simm.s32 $0x1BFF;
	s21 =	sshll.u32 s5, $0x1;
	s2 =	sadd.s32 s19, s18  }
0x9c: {  	s6 =	simm.s32 $0x0;
	s20 =	sshll.u32 s4, $0x1;
	s4 =	sadd.s32 s21, s2  }
0x9d: {  	[timem:s6], [sflag:s22] =	dma.local [hbm:s4], s20  }
0x9e: {  	_ =	swait.ge [sflag:s22], s20  }
0x9f: {  	s3 =	ssub.s32 $0x0, s20;
	[sflag:s22] =	ssyncset.done $0x0  }
0xa0: {  	[sflag:s22] =	ssyncadd.s32 s3;
	_ =	sdelay $0x1  }
0xa1: {  	s23 =	simm.s32 $0x1B8B  }
0xa2: {  	_ =	swait.ge [sflag:s23], $0x1  }
0xa3: {  	[sflag:s23] =	ssyncset.done $0x0  }
0xa4: {  	s25 =	simm.s32 $0x1B8E;
	s24 =	sld [smem:$0x3FFE];
	[sflag:s23] =	ssyncadd.s32 $0xFFFFFFFF  }
0xa5: {  	s26 =	simm.s32 $execute0_lowered;
	[smem:$0x3FD2] =	sst s25  }
0xa6: {  	s4 =	sshll.u32 s26, $0x1;
	_ =	strace $0x8000004F;
	[dreg:$0x1] =	wrdreg $0xFFFFFFFF  }
0xa7: {  	s28 =	simm.s32 $_size_execute0_lowered;
	s2 =	sadd.s32 s2, s4;
	[dreg:$0x0] =	wrdreg $0x0  }
0xa8: {  	s4 =	sshll.u32 s28, $0x1;
	[dreg:$0x2] =	wrdreg s2  }
0xa9: {  	[dreg:$0x3] =	wrdreg s4  }
0xaa: {  	[dreg:$0x4] =	wrdreg $0xC0  }
0xab: {  	_ =	task [dreg:s6], $0x5FFFF  }
0xac: {  	[dreg:$0x1] =	wrdreg $0xFFFFFFFF  }
0xad: {  	[dreg:$0x0] =	wrdreg $0x60  }
0xae: {  	[dreg:$0x2] =	wrdreg s24  }
0xaf: {  	[dreg:$0x3] =	wrdreg $0x54000  }
0xb0: {  	[dreg:$0x4] =	wrdreg $0x9  }
0xb1: {  	_ =	task.clear_ibuf [dreg:s6], $0x5FFFF;
	_ =	strace $0x9000004F  }
0xb2: {  	s29 =	simm.s32 $0x9;
	_ =	strace $0x80000051  }
0xb3: {  	_ =	swait.ge [sflag:s29], $0x1  }
0xb4: {  	[sflag:s29] =	ssyncadd.s32 $0xFFFFFFFF  }
0xb5: {  	_ =	strace $0x90000051  }
0xb6: {  	_ =	sfence  }
0xb7: {  	s30 =	sld [smem:$0x0];
	_ =	sdelay $0x2  }
0xb8: {  	s31 =	sshll.u32 s1, $0xD;
	s1 =	sshrl.u32 s1, $0x2  }
0xb9: {  	s3 =	sand.u32 $0x4000, s31;
	s1 =	sadd.s32 s1, s30  }
0xba: {  	s0 =	sor.u32 s3, s0;
	s1 =	sshll.u32 s1, $0x11  }
0xbb: {  	s0 =	sor.u32 s1, s0  }
0xbc: {  	s0 =	sadd.s32 $0x8F2B, s0  }
0xbd: {  	[sflag:s0] =	ssyncadd.remote.s32 $0x1  }
0xbe: {  	_ =	sfence.sel $0xFFFF  }
0xbf: {  	[dreg:$0x0] =	wrdreg $0xFFFFFFFF;
	(pc) =	sbr.abs _section_cstart, $3  }
0xc0: {  	[dreg:$0x1] =	wrdreg $0xFFFFFFFF  }
0xc1: {  	_ =	task.clear_ibuf [dreg:s6], $0x2FFFF;
	_ =	strace $0x9FFFFFFF  }
0xc2: {  	(tm) =	ssettm $0x7FFFFFFF  }
0xc3: {  	_ =	shalt  }
tec
execute0_lowered:
.L_overlay_start_1:
0x0: {  	(tag) =	ssettag $0x1  }
0x1: {  	s5 =	rddreg [dreg:$0x0]  }
0x2: {  	s1 =	rddreg [dreg:$0x1]  }
0x3: {  	s0 =	rddreg [dreg:$0x2];
	s11 =	stileid.u32  }
0x4: {  	s2 =	simm.s32 $0x0;
	s3 =	srdreg.scid;
	s4 =	smul.u32 $0x27100, s11  }
0x5: {  	[smem:$0x7FF] =	sst s2;
	s6 =	sand.u32 $0x1, s3;
	s8 =	smul.u32 $0x13800, s11  }
0x6: {  	s23 =	sshll.u32 s11, $0xC;
	s24 =	smul.u32 $0x4E000, s11;
	s13 =	sadd.s32 $0x8BA00, s5  }
0x7: {  	s28 =	sshll.u32 s11, $0x6;
	s15 =	sadd.s32 $0x138000, s1;
	_ =	strace $0x80000050  }
0x8: {  	p0 =	sne.s32 s11, $0x0;
	s7 =	sshll.u32 s6, $0xB;
	s14 =	smul.u32 $0x138800, s6  }
0x9: {  	s10 =	ssub.s32 $0x2, s6;
	s16 =	smul.u32 $0x13880, s6;
	s9 =	sadd.s32 s4, s5  }
0xa: {  	s3 =	sor.u32 s7, s23;
	s25 =	sshrl.u32 s8, $0x3;
	s12 =	sshrl.u32 s10, $0x1  }
0xb: {  	s4 =	sshrl.u32 s24, $0x2;
	s7 =	sadd.s32 s3, s5;
	s3 =	sadd.s32 s25, s5  }
0xc: {  	s10 =	ssub.s32 s10, s12;
	s26 =	sadd.s32 s4, s1;
	s4 =	sor.u32 $0x1C01, s28  }
0xd: {  	s5 =	sadd.s32 $0x64600, s5;
	s8 =	sadd.s32 s8, s14;
	s14 =	sshrl.u32 s14, $0x3  }
0xe: {  	s31 =	sadd.s32 s16, s9;
	s12 =	simm.s32 $0x1;
	s16 =	simm.s32 $0x0  }
0xf: {  	s3 =	sadd.s32 $0x3D600, s3;
	s6 =	sadd.s32 $0x2AE600, s7;
	s29 =	sshrl.u32 s8, $0x3  }
0x10: {  	s30 =	sadd.s32 s13, s14;
	s9 =	smax.u32 s10, $0x1;
	s10 =	sadd.s32 $0x7A0600, s31  }
0x11: {  	s11 =	sshrl.u32 s26, $0x3;
	s14 =	simm.s32 $0x4000;
	s7 =	sadd.s32 s13, s29  }
0x12: {  	s8 =	sadd.s32 $0x27000, s30;
	s13 =	sshrl.u32 @!p0 s15, $0x3;
	s15 =	simm.s32 $0x28  }
.LBB2_1:
0x13: {  	[spmem:s11], [sflag:s4] =	dma.local [hbm:s3], $0x2700  }
0x14: {  	_ =	swait.ge [sflag:s12], $0x2700  }
0x15: {  	[sflag:s12] =	ssyncset.done $0x0  }
0x16: {  	s17 =	simm.s32 @!p0 $0x1;
	[sflag:s12] =	ssyncadd.s32 $0xFFFFD900  }
0x17: {  	[spmem:s13], [sflag:s4] =	dma.local @!p0 [hbm:s5], $0x100  }
0x18: {  	_ =	swait.ge @!p0 [sflag:s17], $0x100  }
0x19: {  	[sflag:s17] =	ssyncset.done @!p0 $0x0  }
0x1a: {  	[sflag:s17] =	ssyncadd.s32 @!p0 $0xFFFFFF00  }
0x1b: {  	[tilespmem:s2], [sflag:$0x1] =	stream.linear.gather [hbm4b:s6+s2], $0x3E80, $0x38;
	[tilespmem:$0xA220] =	vst v63  }
0x1c: {  	_ =	swait.ge [sflag:s12], $0x3E80  }
0x1d: {  	[sflag:s12] =	ssyncset.done $0x0  }
0x1e: {  	[sflag:s12] =	ssyncadd.s32 $0xFFFFC180  }
0x1f: {  	[bflag:$0x0] =	sbarrier.arrive $0xFFFF  }
0x20: {  	[tilespmem:s14], [sflag:$0x1] =	stream.linear.gather [hbm4b:s10+s2], $0x1400, $0x38;
	[tilespmem:$0xA220] =	vst v63  }
0x21: {  	_ =	swait.ge [sflag:s12], $0x1400  }
0x22: {  	[sflag:s12] =	ssyncset.done $0x0  }
0x23: {  	s31 =	simm.s32 $0x0;
	[sflag:s12] =	ssyncadd.s32 $0xFFFFEC00  }
0x24: {  	[spmem:s1] =	stream.indirect.scatter.add.f32 [tilespmem:s14], [sflag:$0x1], $0x20, s31, s15, $0xb8;
	[tilespmem:$0xA220] =	vst v63  }
0x25: {  	_ =	swait.ge [sflag:s12], $0x500  }
0x26: {  	s18 =	smov.u32 s10;
	s17 =	simm.s32 $0x200;
	[sflag:s12] =	ssyncset.done $0x0  }
.LBB2_2:
0x27: {  	p1 =	sne.s32 s17, $0xF800;
	[sflag:s12] =	ssyncadd.s32 $0xFFFFFB00;
	s18 =	sadd.s32 $0x280, s18  }
0x28: {  	[tilespmem:s14], [sflag:$0x1] =	stream.linear.gather [hbm4b:s18+s2], $0x1400, $0x38;
	[tilespmem:$0xA220] =	vst v63  }
0x29: {  	s19 =	smov.u32 s17;
	s17 =	sadd.s32 $0x200, s17;
	_ =	swait.ge [sflag:s12], $0x1400  }
.Ltmp0:
0x2a: {  	[sflag:s12] =	ssyncset.done $0x0;
	(pc) =	sbr.rel @p1 .LBB2_2-.Ltmp0, $4  }
0x2b: {  	s19 =	sshra.s32 s19, $0x2;
	[sflag:s12] =	ssyncadd.s32 $0xFFFFEC00  }
0x2c: {  	[spmem:s1] =	stream.indirect.scatter.add.f32 [tilespmem:s14], [sflag:$0x1], $0x20, s19, s15, $0xb8;
	[tilespmem:$0xA220] =	vst v63  }
0x2d: {  	_ =	swait.ge [sflag:s12], $0x500  }
0x2e: {  	[sflag:s12] =	ssyncset.done $0x0  }
0x2f: {  	[sflag:s12] =	ssyncadd.s32 $0xFFFFFB00  }
0x30: {  	[bflag:$0x0] =	sbarrier.arrive $0xFFFF  }
0x31: {  	[hbm:s7], [sflag:s4] =	dma.local [spmem:s11], $0x2700  }
0x32: {  	s16 =	sadd.s32 $0x1, s16;
	_ =	swait.ge [sflag:s12], $0x2700  }
0x33: {  	p1 =	sne.s32 s16, s9;
	[sflag:s12] =	ssyncset.done $0x0  }
.Ltmp1:
0x34: {  	s17 =	simm.s32 @!p0 $0x1;
	[sflag:s12] =	ssyncadd.s32 $0xFFFFD900;
	(pc) =	sbr.rel @p1 .LBB2_1-.Ltmp1, $4  }
0x35: {  	[hbm:s8], [sflag:s4] =	dma.local @!p0 [spmem:s13], $0x100  }
0x36: {  	_ =	swait.ge @!p0 [sflag:s17], $0x100  }
0x37: {  	[sflag:s17] =	ssyncset.done @!p0 $0x0  }
0x38: {  	[sflag:s17] =	ssyncadd.s32 @!p0 $0xFFFFFF00  }
0x39: {  	_ =	sfence.sel $0x180000  }
0x3a: {  	[bflag:$0x0] =	sbarrier.arrive $0xFFFF  }
0x3b: {  	_ =	strace $0x90000050  }
0x3c: {  	s0 =	sadd.s32 @!p0 $0x100000, s0;
	[bflag:$0x2] =	sbarrier.arrive $0xFFFF  }
0x3d: {  	[sflag:s0] =	ssyncadd.tile.s32 @!p0 $0x1;
	_ =	shalt  }
.Lfunc_end2:
_tile_overlayer_lowered:
.L_overlay_start_2:
0x3e: {  	(tag) =	ssettag $0x2  }
0x3f: {  	s0 =	rddreg [dreg:$0x0];
	s2 =	stileid.u32  }
0x40: {  	s1 =	rddreg [dreg:$0x1];
	p0 =	sne.s32 s2, $0x0  }
0x41: {  	s3 =	rddreg [dreg:$0x2];
	[bflag:$0x3] =	sbarrier.arrive $0xFFFF;
	s2 =	simm.s32 @!p0 $0x1C01  }
0x42: {  	[timem:s3], [sflag:s2] =	dma.local @!p0 [hbm:s0], s1  }
0x43: {  	s0 =	simm.s32 @!p0 $0x1  }
0x44: {  	_ =	swait.ge @!p0 [sflag:s0], s1  }
0x45: {  	s1 =	ssub.s32 @!p0 $0x0, s1;
	[sflag:s0] =	ssyncset.done @!p0 $0x0  }
0x46: {  	[sflag:s0] =	ssyncadd.s32 @!p0 s1  }
0x47: {  	[bflag:$0x3] =	sbarrier.arrive $0xFFFF  }
0x48: {  	_ =	shalt  }

// kernel: kernel.26.cloned.1.call-start
scs
__scs_entry_jumppad:
0x0: {  	(pc) =	sbr.rel $0x88, $3  }
0x1: {  	(tag) =	ssettag $0x0;
	lr =	simm.s32 $0x1  }
0x2: {  	[smem:$0x3F92] =	sst lr;
	_ =	strace $0xD0000000  }
0x3: {  	_ = 	snop  }
0x4: {  	_ = 	snop  }
0x5: {  	_ = 	snop  }
0x6: {  	_ = 	snop  }
0x7: {  	_ = 	snop  }
__scs_overlays_trampoline_lowered:
0x8: {  	[smem:$0x3FA1] =	sst s0  }
0x9: {  	[smem:$0x3FA2] =	sst s1  }
0xa: {  	[smem:$0x3FA3] =	sst s2  }
0xb: {  	[smem:$0x3FA4] =	sst s3  }
0xc: {  	[smem:$0x3FA5] =	sst s4  }
0xd: {  	[smem:$0x3FA6] =	sst s5  }
0xe: {  	[smem:$0x3FA7] =	sst s6  }
0xf: {  	[smem:$0x3FA8] =	sst s7  }
0x10: {  	[smem:$0x3FA9] =	sst s8  }
0x11: {  	[smem:$0x3FAA] =	sst s9;
	s0 =	simm.s32 @!p0 $0x0  }
0x12: {  	s1 =	sld [smem:$0x3F90];
	s0 =	simm.s32 @p0 $0x1  }
0x13: {  	[smem:$0x3FAB] =	sst s0;
	s0 =	simm.s32 @!p1 $0x0  }
0x14: {  	s2 =	sld [smem:$0x3F8F];
	s0 =	simm.s32 @p1 $0x1  }
0x15: {  	[smem:$0x3FAC] =	sst s0;
	s0 =	simm.s32 @!p2 $0x0  }
0x16: {  	s3 =	sld [smem:$0x3FDB];
	s0 =	simm.s32 @p2 $0x1  }
0x17: {  	s4 =	simm.s32 $0x1BF5;
	[smem:$0x3FAE] =	sst s0  }
0x18: {  	s0 =	sld [smem:$0x3F91];
	_ =	swait.ge [sflag:s4], $0x0  }
0x19: {  	s7 =	sld [smem:$0x3F92]  }
0x1a: {  	s8 =	sadd.s32 $0xFFFFE003, lr  }
0x1b: {  	s9 =	sadd.s32 $0xFFFFFEF7, lr;
	s5 =	simm.s32 $0xFFFFFFFF;
	p2 =	slt.u32 s8, $0xFFFFF086  }
0x1c: {  	p1 =	slt.u32 s9, $0xF7A;
	s5 =	simm.s32 @!p2 $0x0  }
0x1d: {  	s5 =	simm.s32 @p1 $0x1;
	p0 =	seq.s32 s7, s2  }
0x1e: {  	s7 =	smul.u32 @!p0 $0xF7A, s2;
	p2 =	seq.s32 @!p0 s5, $0x0  }
0x1f: {  	s9 =	smul.u32 $0xF7A, s1;
	s8 =	simm.s32 @!p0 $0x1BF5;
	p2 =	por !p2, p0  }
0x20: {  	[sflag:s8] =	ssyncset.s32 @!p0 $0xFFFFF086;
	s6 =	sadd.s32 @!p0 s3, s7;
	s7 =	simm.s32 @!p0 $0x108  }
0x21: {  	s3 =	sadd.s32 s3, s9;
	s6 =	sadd.s32 @!p0 $0x88, s6;
	s7 =	simm.s32 @p2 $0x1082  }
0x22: {  	[simem:s7], [sflag:s8] =	dma.local @!p0 [hbm:s6], $0xF7A  }
0x23: {  	s9 =	sor.u32 $0xD0000000, s2;
	s6 =	simm.s32 $0x108;
	_ =	swait.ge @!p0 [sflag:s8], $0x0  }
0x24: {  	s3 =	sadd.s32 $0x88, s3;
	s6 =	simm.s32 @!p1 $0x1082;
	[sflag:s4] =	ssyncset.s32 $0xFFFFF086  }
0x25: {  	[simem:s6], [sflag:s4] =	dma.local [hbm:s3], $0xF7A  }
0x26: {  	[smem:$0x3F92] =	sst s1;
	(tag) =	ssettag s2;
	_ =	strace s9  }
0x27: {  	s1 =	sld [smem:$0x3FA2]  }
0x28: {  	s2 =	sld [smem:$0x3FA3]  }
0x29: {  	s4 =	sld [smem:$0x3FA5]  }
0x2a: {  	p0 =	seq.s32 s5, $0x0;
	s5 =	sld [smem:$0x3FA6]  }
0x2b: {  	s6 =	sld [smem:$0x3FA7]  }
0x2c: {  	s7 =	sld [smem:$0x3FA8]  }
0x2d: {  	s3 =	simm.s32 $0x108;
	s8 =	sld [smem:$0x3FA9]  }
0x2e: {  	s3 =	simm.s32 @!p0 $0x1082;
	s9 =	sld [smem:$0x3FAA]  }
0x2f: {  	lr =	sadd.s32 s0, s3;
	s0 =	sld [smem:$0x3FA1]  }
0x30: {  	s3 =	sld [smem:$0x3FA4]  }
0x31: {  	[smem:$0x3FAD] =	sst s10  }
0x32: {  	s10 =	sld [smem:$0x3FAB];
	_ =	sdelay $0x3  }
0x33: {  	p0 =	seq.s32 s10, $0x1;
	s10 =	sld [smem:$0x3FAD];
	_ =	sdelay $0x3  }
0x34: {  	[smem:$0x3FAD] =	sst s10  }
0x35: {  	s10 =	sld [smem:$0x3FAC];
	_ =	sdelay $0x3  }
0x36: {  	p1 =	seq.s32 s10, $0x1;
	s10 =	sld [smem:$0x3FAD];
	_ =	sdelay $0x3  }
0x37: {  	[smem:$0x3FAD] =	sst s10  }
0x38: {  	s10 =	sld [smem:$0x3FAE]  }
0x39: {  	_ = 	snop;
	(pc) =	sbr.ind lr, $3  }
0x3a: {  	_ = 	snop  }
0x3b: {  	_ = 	snop  }
0x3c: {  	p2 =	seq.s32 s10, $0x1;
	s10 =	sld [smem:$0x3FAD]  }
0x3d: {  	_ =	shalt  }
0x3e: {  	_ =	shalt  }
0x3f: {  	_ =	shalt  }
0x40: {  	_ =	shalt  }
0x41: {  	_ =	shalt  }
0x42: {  	_ =	shalt  }
0x43: {  	_ =	shalt  }
0x44: {  	_ =	shalt  }
0x45: {  	_ =	shalt  }
0x46: {  	_ =	shalt  }
0x47: {  	_ =	shalt  }
0x48: {  	_ =	shalt  }
0x49: {  	_ =	shalt  }
0x4a: {  	_ =	shalt  }
0x4b: {  	_ =	shalt  }
0x4c: {  	_ =	shalt  }
0x4d: {  	_ =	shalt  }
0x4e: {  	_ =	shalt  }
0x4f: {  	_ =	shalt  }
0x50: {  	_ =	shalt  }
0x51: {  	_ =	shalt  }
0x52: {  	_ =	shalt  }
0x53: {  	_ =	shalt  }
0x54: {  	_ =	shalt  }
0x55: {  	_ =	shalt  }
0x56: {  	_ =	shalt  }
0x57: {  	_ =	shalt  }
0x58: {  	_ =	shalt  }
0x59: {  	_ =	shalt  }
0x5a: {  	_ =	shalt  }
0x5b: {  	_ =	shalt  }
0x5c: {  	_ =	shalt  }
0x5d: {  	_ =	shalt  }
0x5e: {  	_ =	shalt  }
0x5f: {  	_ =	shalt  }
0x60: {  	_ =	shalt  }
0x61: {  	_ =	shalt  }
0x62: {  	_ =	shalt  }
0x63: {  	_ =	shalt  }
0x64: {  	_ =	shalt  }
0x65: {  	_ =	shalt  }
0x66: {  	_ =	shalt  }
0x67: {  	_ =	shalt  }
0x68: {  	_ =	shalt  }
0x69: {  	_ =	shalt  }
0x6a: {  	_ =	shalt  }
0x6b: {  	_ =	shalt  }
0x6c: {  	_ =	shalt  }
0x6d: {  	_ =	shalt  }
0x6e: {  	_ =	shalt  }
0x6f: {  	_ =	shalt  }
0x70: {  	_ =	shalt  }
0x71: {  	_ =	shalt  }
0x72: {  	_ =	shalt  }
0x73: {  	_ =	shalt  }
0x74: {  	_ =	shalt  }
0x75: {  	_ =	shalt  }
0x76: {  	_ =	shalt  }
0x77: {  	_ =	shalt  }
0x78: {  	_ =	shalt  }
0x79: {  	_ =	shalt  }
0x7a: {  	_ =	shalt  }
0x7b: {  	_ =	shalt  }
0x7c: {  	_ =	shalt  }
0x7d: {  	_ =	shalt  }
0x7e: {  	_ =	shalt  }
0x7f: {  	_ =	shalt  }
0x80: {  	_ =	shalt  }
0x81: {  	_ =	shalt  }
0x82: {  	_ =	shalt  }
0x83: {  	_ =	shalt  }
0x84: {  	_ =	shalt  }
0x85: {  	_ =	shalt  }
0x86: {  	_ =	shalt  }
0x87: {  	_ =	shalt  }
.Lfunc_end0:
.L_simem_size_0:
called_computation.4_lowered:
.L_overlay_start_0:
0x88: {  	s2 =	sld [smem:$0x3FD9]  }
0x89: {  	s3 =	sld [smem:$0x3FFE];
	_ =	sdelay $0x1  }
0x8a: {  	s1 =	srdreg.scid  }
0x8b: {  	s0 =	sand.u32 $0x1, s1  }
0x8c: {  	s16 =	sshll.u32 s0, $0xA;
	s2 =	sadd.s32 s3, s2  }
0x8d: {  	s2 =	sadd.s32 s2, s16  }
0x8e: {  	[smem:$0x3FB9] =	sst s2  }
0x8f: {  	_ = 	snop  }
0x90: {  	(tm) =	ssettm $0x1  }
0x91: {  	s17 =	sld [smem:$0x3FFB];
	_ =	sdelay $0x3  }
0x92: {  	_ =	strace s17  }
0x93: {  	s2 =	sld [smem:$0x3FFC];
	_ =	sdelay $0x3  }
0x94: {  	_ =	strace s2  }
0x95: {  	s2 =	sld [smem:$0x3FFD];
	_ =	sdelay $0x3  }
0x96: {  	_ =	strace s2  }
0x97: {  	_ =	strace $0x8FFFFFFF  }
0x98: {  	s18 =	sld [smem:$0x3FDB];
	_ =	sdelay $0x1  }
0x99: {  	s19 =	simm.s32 $_scs_section_size  }
0x9a: {  	s4 =	simm.s32 $_size__tile_overlayer_lowered;
	s5 =	simm.s32 $_tile_overlayer_lowered  }
0x9b: {  	s22 =	simm.s32 $0x1BFF;
	s21 =	sshll.u32 s5, $0x1;
	s2 =	sadd.s32 s19, s18  }
0x9c: {  	s6 =	simm.s32 $0x0;
	s20 =	sshll.u32 s4, $0x1;
	s4 =	sadd.s32 s21, s2  }
0x9d: {  	[timem:s6], [sflag:s22] =	dma.local [hbm:s4], s20  }
0x9e: {  	_ =	swait.ge [sflag:s22], s20  }
0x9f: {  	s3 =	ssub.s32 $0x0, s20;
	[sflag:s22] =	ssyncset.done $0x0  }
0xa0: {  	[sflag:s22] =	ssyncadd.s32 s3;
	_ =	sdelay $0x1  }
0xa1: {  	s23 =	simm.s32 $0x1B8B  }
0xa2: {  	_ =	swait.ge [sflag:s23], $0x1  }
0xa3: {  	[sflag:s23] =	ssyncset.done $0x0  }
0xa4: {  	s25 =	simm.s32 $0x1B8E;
	s24 =	sld [smem:$0x3FFE];
	[sflag:s23] =	ssyncadd.s32 $0xFFFFFFFF  }
0xa5: {  	s26 =	simm.s32 $execute0_lowered;
	[smem:$0x3FD2] =	sst s25  }
0xa6: {  	s4 =	sshll.u32 s26, $0x1;
	_ =	strace $0x80000052;
	[dreg:$0x1] =	wrdreg $0xFFFFFFFF  }
0xa7: {  	s28 =	simm.s32 $_size_execute0_lowered;
	s2 =	sadd.s32 s2, s4;
	[dreg:$0x0] =	wrdreg $0x0  }
0xa8: {  	s4 =	sshll.u32 s28, $0x1;
	[dreg:$0x2] =	wrdreg s2  }
0xa9: {  	[dreg:$0x3] =	wrdreg s4  }
0xaa: {  	[dreg:$0x4] =	wrdreg $0xC0  }
0xab: {  	_ =	task [dreg:s6], $0x5FFFF  }
0xac: {  	[dreg:$0x1] =	wrdreg $0xFFFFFFFF  }
0xad: {  	[dreg:$0x0] =	wrdreg $0x60  }
0xae: {  	[dreg:$0x2] =	wrdreg s24  }
0xaf: {  	[dreg:$0x3] =	wrdreg $0xA4000  }
0xb0: {  	[dreg:$0x4] =	wrdreg $0x9  }
0xb1: {  	_ =	task.clear_ibuf [dreg:s6], $0x5FFFF;
	_ =	strace $0x90000052  }
0xb2: {  	s29 =	simm.s32 $0x9;
	_ =	strace $0x80000054  }
0xb3: {  	_ =	swait.ge [sflag:s29], $0x1  }
0xb4: {  	[sflag:s29] =	ssyncadd.s32 $0xFFFFFFFF  }
0xb5: {  	_ =	strace $0x90000054  }
0xb6: {  	_ =	sfence  }
0xb7: {  	s30 =	sld [smem:$0x0];
	_ =	sdelay $0x2  }
0xb8: {  	s31 =	sshll.u32 s1, $0xD;
	s1 =	sshrl.u32 s1, $0x2  }
0xb9: {  	s3 =	sand.u32 $0x4000, s31;
	s1 =	sadd.s32 s1, s30  }
0xba: {  	s0 =	sor.u32 s3, s0;
	s1 =	sshll.u32 s1, $0x11  }
0xbb: {  	s0 =	sor.u32 s1, s0  }
0xbc: {  	s0 =	sadd.s32 $0x8F2B, s0  }
0xbd: {  	[sflag:s0] =	ssyncadd.remote.s32 $0x1  }
0xbe: {  	_ =	sfence.sel $0xFFFF  }
0xbf: {  	[dreg:$0x0] =	wrdreg $0xFFFFFFFF;
	(pc) =	sbr.abs _section_cstart, $3  }
0xc0: {  	[dreg:$0x1] =	wrdreg $0xFFFFFFFF  }
0xc1: {  	_ =	task.clear_ibuf [dreg:s6], $0x2FFFF;
	_ =	strace $0x9FFFFFFF  }
0xc2: {  	(tm) =	ssettm $0x7FFFFFFF  }
0xc3: {  	_ =	shalt  }
tec
execute0_lowered:
.L_overlay_start_1:
0x0: {  	(tag) =	ssettag $0x1  }
0x1: {  	s5 =	rddreg [dreg:$0x0]  }
0x2: {  	s1 =	rddreg [dreg:$0x1]  }
0x3: {  	s0 =	rddreg [dreg:$0x2];
	s2 =	simm.s32 $0x0  }
0x4: {  	s9 =	stileid.u32;
	s3 =	srdreg.scid;
	s13 =	simm.s32 $0x4000  }
0x5: {  	s14 =	simm.s32 $0x5400;
	s15 =	simm.s32 $0x6800;
	s16 =	simm.s32 $0x7C00  }
0x6: {  	s17 =	simm.s32 $0x9000;
	s18 =	simm.s32 $0x1;
	s19 =	simm.s32 $0x2  }
0x7: {  	s20 =	simm.s32 $0x3;
	s21 =	simm.s32 $0x4;
	s22 =	simm.s32 $0x5  }
0x8: {  	s23 =	simm.s32 $0x0;
	[smem:$0x7FF] =	sst s2;
	s4 =	smul.u32 $0x2700, s9  }
0x9: {  	s3 =	sand.u32 $0x1, s3;
	s6 =	sshll.u32 s9, $0xC;
	s8 =	smul.u32 $0x27100, s9  }
0xa: {  	s10 =	smul.u32 $0x4E000, s9;
	s31 =	sshll.u32 s9, $0x6;
	p0 =	sne.s32 s9, $0x0  }
0xb: {  	_ =	strace $0x80000053;
	s7 =	sshll.u32 s3, $0xB;
	s30 =	ssub.s32 $0x2, s3  }
0xc: {  	s12 =	smul.u32 $0x13880, s3;
	s6 =	sor.u32 s7, s6;
	s4 =	sadd.s32 s4, s5  }
0xd: {  	s11 =	sshrl.u32 s30, $0x1;
	s8 =	sadd.s32 s8, s5;
	s10 =	sshrl.u32 s10, $0x2  }
0xe: {  	s6 =	sadd.s32 s6, s5;
	s7 =	ssub.s32 s30, s11;
	s10 =	sadd.s32 s10, s1  }
0xf: {  	s3 =	sadd.s32 $0x16400, s4;
	s4 =	sor.u32 $0x1C06, s31;
	s11 =	sadd.s32 $0x138000, s1  }
0x10: {  	s5 =	sadd.s32 $0x3D400, s5;
	s8 =	sadd.s32 s12, s8;
	s12 =	simm.s32 $0x28  }
0x11: {  	s6 =	sadd.s32 $0x6400, s6;
	s7 =	smax.u32 s7, $0x1;
	s8 =	sadd.s32 $0x52F600, s8  }
0x12: {  	s9 =	sshrl.u32 s10, $0x3;
	s10 =	simm.s32 $0x6;
	s11 =	sshrl.u32 @!p0 s11, $0x3  }
.LBB2_1:
0x13: {  	[spmem:s9], [sflag:s4] =	dma.local [hbm:s3], $0x2700  }
0x14: {  	_ =	swait.ge [sflag:s10], $0x2700  }
0x15: {  	[sflag:s10] =	ssyncset.done $0x0  }
0x16: {  	s24 =	simm.s32 @!p0 $0x6;
	[sflag:s10] =	ssyncadd.s32 $0xFFFFD900  }
0x17: {  	[spmem:s11], [sflag:s4] =	dma.local @!p0 [hbm:s5], $0x100  }
0x18: {  	_ =	swait.ge @!p0 [sflag:s24], $0x100  }
0x19: {  	[sflag:s24] =	ssyncset.done @!p0 $0x0  }
0x1a: {  	[sflag:s24] =	ssyncadd.s32 @!p0 $0xFFFFFF00  }
0x1b: {  	[tilespmem:s2], [sflag:$0x6] =	stream.linear.gather [hbm4b:s6+s2], $0x3E80, $0x38;
	[tilespmem:$0xF220] =	vst v63  }
0x1c: {  	_ =	swait.ge [sflag:s10], $0x3E80  }
0x1d: {  	[sflag:s10] =	ssyncset.done $0x0  }
0x1e: {  	[sflag:s10] =	ssyncadd.s32 $0xFFFFC180  }
0x1f: {  	[bflag:$0x0] =	sbarrier.arrive $0xFFFF  }
0x20: {  	[tilespmem:s13], [sflag:$0x1] =	stream.indirect.gather [spmem:s1], $0x20, s2, s12, $0xb8;
	[tilespmem:$0xF220] =	vst v63  }
0x21: {  	s31 =	simm.s32 $0x80  }
0x22: {  	[tilespmem:s14], [sflag:$0x2] =	stream.indirect.gather [spmem:s1], $0x20, s31, s12, $0xb8;
	[tilespmem:$0xF220] =	vst v63  }
0x23: {  	s25 =	simm.s32 $0x100  }
0x24: {  	[tilespmem:s15], [sflag:$0x3] =	stream.indirect.gather [spmem:s1], $0x20, s25, s12, $0xb8;
	[tilespmem:$0xF220] =	vst v63  }
0x25: {  	s26 =	simm.s32 $0x180  }
0x26: {  	[tilespmem:s16], [sflag:$0x4] =	stream.indirect.gather [spmem:s1], $0x20, s26, s12, $0xb8;
	[tilespmem:$0xF220] =	vst v63  }
0x27: {  	s28 =	simm.s32 $0x200  }
0x28: {  	[tilespmem:s17], [sflag:$0x5] =	stream.indirect.gather [spmem:s1], $0x20, s28, s12, $0xb8;
	[tilespmem:$0xF220] =	vst v63  }
0x29: {  	_ =	swait.ge [sflag:s18], $0x500  }
0x2a: {  	[sflag:s18] =	ssyncset.done $0x0  }
0x2b: {  	s29 =	sadd.s32 $0x0, s8;
	[sflag:s18] =	ssyncadd.s32 $0xFFFFFB00  }
0x2c: {  	[hbm4b:s29+s2] =	stream.linear.scatter [tilespmem:s13], [sflag:$0x6], $0x1400, $0x38;
	[tilespmem:$0xF220] =	vst v63  }
0x2d: {  	_ =	swait.ge [sflag:s10], $0x1400  }
0x2e: {  	[sflag:s10] =	ssyncset.done $0x0  }
0x2f: {  	[sflag:s10] =	ssyncadd.s32 $0xFFFFEC00  }
0x30: {  	_ =	swait.ge [sflag:s19], $0x500  }
0x31: {  	[sflag:s19] =	ssyncset.done $0x0  }
0x32: {  	s25 =	sadd.s32 $0x280, s29;
	[sflag:s19] =	ssyncadd.s32 $0xFFFFFB00  }
0x33: {  	[hbm4b:s25+s2] =	stream.linear.scatter [tilespmem:s14], [sflag:$0x6], $0x1400, $0x38;
	[tilespmem:$0xF220] =	vst v63  }
0x34: {  	_ =	swait.ge [sflag:s10], $0x1400  }
0x35: {  	[sflag:s10] =	ssyncset.done $0x0  }
0x36: {  	[sflag:s10] =	ssyncadd.s32 $0xFFFFEC00  }
0x37: {  	_ =	swait.ge [sflag:s20], $0x500  }
0x38: {  	[sflag:s20] =	ssyncset.done $0x0  }
0x39: {  	s30 =	sadd.s32 $0x500, s29;
	[sflag:s20] =	ssyncadd.s32 $0xFFFFFB00  }
0x3a: {  	[hbm4b:s30+s2] =	stream.linear.scatter [tilespmem:s15], [sflag:$0x6], $0x1400, $0x38;
	[tilespmem:$0xF220] =	vst v63  }
0x3b: {  	_ =	swait.ge [sflag:s10], $0x1400  }
0x3c: {  	[sflag:s10] =	ssyncset.done $0x0  }
0x3d: {  	[sflag:s10] =	ssyncadd.s32 $0xFFFFEC00  }
0x3e: {  	_ =	swait.ge [sflag:s21], $0x500  }
0x3f: {  	[sflag:s21] =	ssyncset.done $0x0  }
0x40: {  	s31 =	sadd.s32 $0x780, s29;
	[sflag:s21] =	ssyncadd.s32 $0xFFFFFB00  }
0x41: {  	[hbm4b:s31+s2] =	stream.linear.scatter [tilespmem:s16], [sflag:$0x6], $0x1400, $0x38;
	[tilespmem:$0xF220] =	vst v63  }
0x42: {  	_ =	swait.ge [sflag:s10], $0x1400  }
0x43: {  	[sflag:s10] =	ssyncset.done $0x0  }
0x44: {  	[sflag:s10] =	ssyncadd.s32 $0xFFFFEC00  }
0x45: {  	_ =	swait.ge [sflag:s22], $0x500  }
0x46: {  	[sflag:s22] =	ssyncset.done $0x0  }
0x47: {  	s24 =	sadd.s32 $0xA00, s29;
	[sflag:s22] =	ssyncadd.s32 $0xFFFFFB00  }
0x48: {  	[hbm4b:s24+s2] =	stream.linear.scatter [tilespmem:s17], [sflag:$0x6], $0x1400, $0x38;
	[tilespmem:$0xF220] =	vst v63  }
0x49: {  	_ =	swait.ge [sflag:s10], $0x1400  }
0x4a: {  	s25 =	simm.s32 $0x0;
	s24 =	simm.s32 $0xC80;
	[sflag:s10] =	ssyncset.done $0x0  }
.LBB2_2:
0x4b: {  	p1 =	sne.s32 s24, $0x12C00;
	[sflag:s10] =	ssyncadd.s32 $0xFFFFEC00;
	s25 =	sadd.s32 $0x280, s25  }
0x4c: {  	[tilespmem:s13], [sflag:$0x1] =	stream.indirect.gather [spmem:s1], $0x20, s25, s12, $0xb8;
	[tilespmem:$0xF220] =	vst v63  }
0x4d: {  	s28 =	smov.u32 s24;
	s24 =	sadd.s32 $0xC80, s24;
	s26 =	sadd.s32 $0x80, s25  }
0x4e: {  	[tilespmem:s14], [sflag:$0x2] =	stream.indirect.gather [spmem:s1], $0x20, s26, s12, $0xb8;
	[tilespmem:$0xF220] =	vst v63  }
0x4f: {  	s26 =	sadd.s32 $0x100, s25  }
0x50: {  	[tilespmem:s15], [sflag:$0x3] =	stream.indirect.gather [spmem:s1], $0x20, s26, s12, $0xb8;
	[tilespmem:$0xF220] =	vst v63  }
0x51: {  	s26 =	sadd.s32 $0x180, s25  }
0x52: {  	[tilespmem:s16], [sflag:$0x4] =	stream.indirect.gather [spmem:s1], $0x20, s26, s12, $0xb8;
	[tilespmem:$0xF220] =	vst v63  }
0x53: {  	s26 =	sadd.s32 $0x200, s25  }
0x54: {  	[tilespmem:s17], [sflag:$0x5] =	stream.indirect.gather [spmem:s1], $0x20, s26, s12, $0xb8;
	[tilespmem:$0xF220] =	vst v63  }
0x55: {  	_ =	swait.ge [sflag:s18], $0x500  }
0x56: {  	[sflag:s18] =	ssyncset.done $0x0  }
0x57: {  	s26 =	sadd.s32 s28, s8;
	[sflag:s18] =	ssyncadd.s32 $0xFFFFFB00  }
0x58: {  	[hbm4b:s26+s2] =	stream.linear.scatter [tilespmem:s13], [sflag:$0x6], $0x1400, $0x38;
	[tilespmem:$0xF220] =	vst v63  }
0x59: {  	_ =	swait.ge [sflag:s10], $0x1400  }
0x5a: {  	[sflag:s10] =	ssyncset.done $0x0  }
0x5b: {  	[sflag:s10] =	ssyncadd.s32 $0xFFFFEC00  }
0x5c: {  	_ =	swait.ge [sflag:s19], $0x500  }
0x5d: {  	[sflag:s19] =	ssyncset.done $0x0  }
0x5e: {  	s28 =	sadd.s32 $0x280, s26;
	[sflag:s19] =	ssyncadd.s32 $0xFFFFFB00  }
0x5f: {  	[hbm4b:s28+s2] =	stream.linear.scatter [tilespmem:s14], [sflag:$0x6], $0x1400, $0x38;
	[tilespmem:$0xF220] =	vst v63  }
0x60: {  	_ =	swait.ge [sflag:s10], $0x1400  }
0x61: {  	[sflag:s10] =	ssyncset.done $0x0  }
0x62: {  	[sflag:s10] =	ssyncadd.s32 $0xFFFFEC00  }
0x63: {  	_ =	swait.ge [sflag:s20], $0x500  }
0x64: {  	[sflag:s20] =	ssyncset.done $0x0  }
0x65: {  	s28 =	sadd.s32 $0x500, s26;
	[sflag:s20] =	ssyncadd.s32 $0xFFFFFB00  }
0x66: {  	[hbm4b:s28+s2] =	stream.linear.scatter [tilespmem:s15], [sflag:$0x6], $0x1400, $0x38;
	[tilespmem:$0xF220] =	vst v63  }
0x67: {  	_ =	swait.ge [sflag:s10], $0x1400  }
0x68: {  	[sflag:s10] =	ssyncset.done $0x0  }
0x69: {  	[sflag:s10] =	ssyncadd.s32 $0xFFFFEC00  }
0x6a: {  	_ =	swait.ge [sflag:s21], $0x500  }
0x6b: {  	[sflag:s21] =	ssyncset.done $0x0  }
0x6c: {  	s28 =	sadd.s32 $0x780, s26;
	[sflag:s21] =	ssyncadd.s32 $0xFFFFFB00  }
0x6d: {  	[hbm4b:s28+s2] =	stream.linear.scatter [tilespmem:s16], [sflag:$0x6], $0x1400, $0x38;
	[tilespmem:$0xF220] =	vst v63  }
0x6e: {  	_ =	swait.ge [sflag:s10], $0x1400  }
0x6f: {  	[sflag:s10] =	ssyncset.done $0x0  }
0x70: {  	[sflag:s10] =	ssyncadd.s32 $0xFFFFEC00  }
0x71: {  	_ =	swait.ge [sflag:s22], $0x500  }
.Ltmp0:
0x72: {  	[sflag:s22] =	ssyncset.done $0x0;
	(pc) =	sbr.rel @p1 .LBB2_2-.Ltmp0, $4  }
0x73: {  	s26 =	sadd.s32 $0xA00, s26;
	[sflag:s22] =	ssyncadd.s32 $0xFFFFFB00  }
0x74: {  	[hbm4b:s26+s2] =	stream.linear.scatter [tilespmem:s17], [sflag:$0x6], $0x1400, $0x38;
	[tilespmem:$0xF220] =	vst v63  }
0x75: {  	_ =	swait.ge [sflag:s10], $0x1400  }
0x76: {  	[sflag:s10] =	ssyncset.done $0x0  }
0x77: {  	s23 =	sadd.s32 $0x1, s23  }
0x78: {  	p1 =	sne.s32 s23, s7  }
.Ltmp1:
0x79: {  	_ = 	snop;
	(pc) =	sbr.rel @p1 .LBB2_1-.Ltmp1, $2  }
0x7a: {  	_ =	sdelay $0x2  }
0x7b: {  	[sflag:s10] =	ssyncadd.s32 $0xFFFFEC00  }
0x7c: {  	_ =	sfence.sel $0x180000  }
0x7d: {  	[bflag:$0x0] =	sbarrier.arrive $0xFFFF  }
0x7e: {  	_ =	strace $0x90000053  }
0x7f: {  	s0 =	sadd.s32 @!p0 $0x100000, s0;
	[bflag:$0x2] =	sbarrier.arrive $0xFFFF  }
0x80: {  	[sflag:s0] =	ssyncadd.tile.s32 @!p0 $0x1;
	_ =	shalt  }
.Lfunc_end2:
_tile_overlayer_lowered:
.L_overlay_start_2:
0x81: {  	(tag) =	ssettag $0x2  }
0x82: {  	s0 =	rddreg [dreg:$0x0];
	s2 =	stileid.u32  }
0x83: {  	s1 =	rddreg [dreg:$0x1];
	p0 =	sne.s32 s2, $0x0  }
0x84: {  	s3 =	rddreg [dreg:$0x2];
	[bflag:$0x3] =	sbarrier.arrive $0xFFFF;
	s2 =	simm.s32 @!p0 $0x1C06  }
0x85: {  	[timem:s3], [sflag:s2] =	dma.local @!p0 [hbm:s0], s1  }
0x86: {  	s0 =	simm.s32 @!p0 $0x6  }
0x87: {  	_ =	swait.ge @!p0 [sflag:s0], s1  }
0x88: {  	s1 =	ssub.s32 @!p0 $0x0, s1;
	[sflag:s0] =	ssyncset.done @!p0 $0x0  }
0x89: {  	[sflag:s0] =	ssyncadd.s32 @!p0 s1  }
0x8a: {  	[bflag:$0x3] =	sbarrier.arrive $0xFFFF  }
0x8b: {  	_ =	shalt  }

// kernel: kernel.29.cloned.1.call-start
scs
__scs_entry_jumppad:
0x0: {  	(pc) =	sbr.rel $0x88, $3  }
0x1: {  	(tag) =	ssettag $0x0;
	lr =	simm.s32 $0x1  }
0x2: {  	[smem:$0x3F92] =	sst lr;
	_ =	strace $0xD0000000  }
0x3: {  	_ = 	snop  }
0x4: {  	_ = 	snop  }
0x5: {  	_ = 	snop  }
0x6: {  	_ = 	snop  }
0x7: {  	_ = 	snop  }
__scs_overlays_trampoline_lowered:
0x8: {  	[smem:$0x3FA1] =	sst s0  }
0x9: {  	[smem:$0x3FA2] =	sst s1  }
0xa: {  	[smem:$0x3FA3] =	sst s2  }
0xb: {  	[smem:$0x3FA4] =	sst s3  }
0xc: {  	[smem:$0x3FA5] =	sst s4  }
0xd: {  	[smem:$0x3FA6] =	sst s5  }
0xe: {  	[smem:$0x3FA7] =	sst s6  }
0xf: {  	[smem:$0x3FA8] =	sst s7  }
0x10: {  	[smem:$0x3FA9] =	sst s8  }
0x11: {  	[smem:$0x3FAA] =	sst s9;
	s0 =	simm.s32 @!p0 $0x0  }
0x12: {  	s1 =	sld [smem:$0x3F90];
	s0 =	simm.s32 @p0 $0x1  }
0x13: {  	[smem:$0x3FAB] =	sst s0;
	s0 =	simm.s32 @!p1 $0x0  }
0x14: {  	s2 =	sld [smem:$0x3F8F];
	s0 =	simm.s32 @p1 $0x1  }
0x15: {  	[smem:$0x3FAC] =	sst s0;
	s0 =	simm.s32 @!p2 $0x0  }
0x16: {  	s3 =	sld [smem:$0x3FDB];
	s0 =	simm.s32 @p2 $0x1  }
0x17: {  	s4 =	simm.s32 $0x1BF5;
	[smem:$0x3FAE] =	sst s0  }
0x18: {  	s0 =	sld [smem:$0x3F91];
	_ =	swait.ge [sflag:s4], $0x0  }
0x19: {  	s7 =	sld [smem:$0x3F92]  }
0x1a: {  	s8 =	sadd.s32 $0xFFFFE003, lr  }
0x1b: {  	s9 =	sadd.s32 $0xFFFFFEF7, lr;
	s5 =	simm.s32 $0xFFFFFFFF;
	p2 =	slt.u32 s8, $0xFFFFF086  }
0x1c: {  	p1 =	slt.u32 s9, $0xF7A;
	s5 =	simm.s32 @!p2 $0x0  }
0x1d: {  	s5 =	simm.s32 @p1 $0x1;
	p0 =	seq.s32 s7, s2  }
0x1e: {  	s7 =	smul.u32 @!p0 $0xF7A, s2;
	p2 =	seq.s32 @!p0 s5, $0x0  }
0x1f: {  	s9 =	smul.u32 $0xF7A, s1;
	s8 =	simm.s32 @!p0 $0x1BF5;
	p2 =	por !p2, p0  }
0x20: {  	[sflag:s8] =	ssyncset.s32 @!p0 $0xFFFFF086;
	s6 =	sadd.s32 @!p0 s3, s7;
	s7 =	simm.s32 @!p0 $0x108  }
0x21: {  	s3 =	sadd.s32 s3, s9;
	s6 =	sadd.s32 @!p0 $0x88, s6;
	s7 =	simm.s32 @p2 $0x1082  }
0x22: {  	[simem:s7], [sflag:s8] =	dma.local @!p0 [hbm:s6], $0xF7A  }
0x23: {  	s9 =	sor.u32 $0xD0000000, s2;
	s6 =	simm.s32 $0x108;
	_ =	swait.ge @!p0 [sflag:s8], $0x0  }
0x24: {  	s3 =	sadd.s32 $0x88, s3;
	s6 =	simm.s32 @!p1 $0x1082;
	[sflag:s4] =	ssyncset.s32 $0xFFFFF086  }
0x25: {  	[simem:s6], [sflag:s4] =	dma.local [hbm:s3], $0xF7A  }
0x26: {  	[smem:$0x3F92] =	sst s1;
	(tag) =	ssettag s2;
	_ =	strace s9  }
0x27: {  	s1 =	sld [smem:$0x3FA2]  }
0x28: {  	s2 =	sld [smem:$0x3FA3]  }
0x29: {  	s4 =	sld [smem:$0x3FA5]  }
0x2a: {  	p0 =	seq.s32 s5, $0x0;
	s5 =	sld [smem:$0x3FA6]  }
0x2b: {  	s6 =	sld [smem:$0x3FA7]  }
0x2c: {  	s7 =	sld [smem:$0x3FA8]  }
0x2d: {  	s3 =	simm.s32 $0x108;
	s8 =	sld [smem:$0x3FA9]  }
0x2e: {  	s3 =	simm.s32 @!p0 $0x1082;
	s9 =	sld [smem:$0x3FAA]  }
0x2f: {  	lr =	sadd.s32 s0, s3;
	s0 =	sld [smem:$0x3FA1]  }
0x30: {  	s3 =	sld [smem:$0x3FA4]  }
0x31: {  	[smem:$0x3FAD] =	sst s10  }
0x32: {  	s10 =	sld [smem:$0x3FAB];
	_ =	sdelay $0x3  }
0x33: {  	p0 =	seq.s32 s10, $0x1;
	s10 =	sld [smem:$0x3FAD];
	_ =	sdelay $0x3  }
0x34: {  	[smem:$0x3FAD] =	sst s10  }
0x35: {  	s10 =	sld [smem:$0x3FAC];
	_ =	sdelay $0x3  }
0x36: {  	p1 =	seq.s32 s10, $0x1;
	s10 =	sld [smem:$0x3FAD];
	_ =	sdelay $0x3  }
0x37: {  	[smem:$0x3FAD] =	sst s10  }
0x38: {  	s10 =	sld [smem:$0x3FAE]  }
0x39: {  	_ = 	snop;
	(pc) =	sbr.ind lr, $3  }
0x3a: {  	_ = 	snop  }
0x3b: {  	_ = 	snop  }
0x3c: {  	p2 =	seq.s32 s10, $0x1;
	s10 =	sld [smem:$0x3FAD]  }
0x3d: {  	_ =	shalt  }
0x3e: {  	_ =	shalt  }
0x3f: {  	_ =	shalt  }
0x40: {  	_ =	shalt  }
0x41: {  	_ =	shalt  }
0x42: {  	_ =	shalt  }
0x43: {  	_ =	shalt  }
0x44: {  	_ =	shalt  }
0x45: {  	_ =	shalt  }
0x46: {  	_ =	shalt  }
0x47: {  	_ =	shalt  }
0x48: {  	_ =	shalt  }
0x49: {  	_ =	shalt  }
0x4a: {  	_ =	shalt  }
0x4b: {  	_ =	shalt  }
0x4c: {  	_ =	shalt  }
0x4d: {  	_ =	shalt  }
0x4e: {  	_ =	shalt  }
0x4f: {  	_ =	shalt  }
0x50: {  	_ =	shalt  }
0x51: {  	_ =	shalt  }
0x52: {  	_ =	shalt  }
0x53: {  	_ =	shalt  }
0x54: {  	_ =	shalt  }
0x55: {  	_ =	shalt  }
0x56: {  	_ =	shalt  }
0x57: {  	_ =	shalt  }
0x58: {  	_ =	shalt  }
0x59: {  	_ =	shalt  }
0x5a: {  	_ =	shalt  }
0x5b: {  	_ =	shalt  }
0x5c: {  	_ =	shalt  }
0x5d: {  	_ =	shalt  }
0x5e: {  	_ =	shalt  }
0x5f: {  	_ =	shalt  }
0x60: {  	_ =	shalt  }
0x61: {  	_ =	shalt  }
0x62: {  	_ =	shalt  }
0x63: {  	_ =	shalt  }
0x64: {  	_ =	shalt  }
0x65: {  	_ =	shalt  }
0x66: {  	_ =	shalt  }
0x67: {  	_ =	shalt  }
0x68: {  	_ =	shalt  }
0x69: {  	_ =	shalt  }
0x6a: {  	_ =	shalt  }
0x6b: {  	_ =	shalt  }
0x6c: {  	_ =	shalt  }
0x6d: {  	_ =	shalt  }
0x6e: {  	_ =	shalt  }
0x6f: {  	_ =	shalt  }
0x70: {  	_ =	shalt  }
0x71: {  	_ =	shalt  }
0x72: {  	_ =	shalt  }
0x73: {  	_ =	shalt  }
0x74: {  	_ =	shalt  }
0x75: {  	_ =	shalt  }
0x76: {  	_ =	shalt  }
0x77: {  	_ =	shalt  }
0x78: {  	_ =	shalt  }
0x79: {  	_ =	shalt  }
0x7a: {  	_ =	shalt  }
0x7b: {  	_ =	shalt  }
0x7c: {  	_ =	shalt  }
0x7d: {  	_ =	shalt  }
0x7e: {  	_ =	shalt  }
0x7f: {  	_ =	shalt  }
0x80: {  	_ =	shalt  }
0x81: {  	_ =	shalt  }
0x82: {  	_ =	shalt  }
0x83: {  	_ =	shalt  }
0x84: {  	_ =	shalt  }
0x85: {  	_ =	shalt  }
0x86: {  	_ =	shalt  }
0x87: {  	_ =	shalt  }
.Lfunc_end0:
.L_simem_size_0:
called_computation.5_lowered:
.L_overlay_start_0:
0x88: {  	s2 =	sld [smem:$0x3FD9]  }
0x89: {  	s3 =	sld [smem:$0x3FFE];
	_ =	sdelay $0x1  }
0x8a: {  	s1 =	srdreg.scid  }
0x8b: {  	s0 =	sand.u32 $0x1, s1  }
0x8c: {  	s16 =	sshll.u32 s0, $0xA;
	s2 =	sadd.s32 s3, s2  }
0x8d: {  	s2 =	sadd.s32 s2, s16  }
0x8e: {  	[smem:$0x3FB9] =	sst s2  }
0x8f: {  	_ = 	snop  }
0x90: {  	(tm) =	ssettm $0x1  }
0x91: {  	s17 =	sld [smem:$0x3FFB];
	_ =	sdelay $0x3  }
0x92: {  	_ =	strace s17  }
0x93: {  	s2 =	sld [smem:$0x3FFC];
	_ =	sdelay $0x3  }
0x94: {  	_ =	strace s2  }
0x95: {  	s2 =	sld [smem:$0x3FFD];
	_ =	sdelay $0x3  }
0x96: {  	_ =	strace s2  }
0x97: {  	_ =	strace $0x8FFFFFFF  }
0x98: {  	s18 =	sld [smem:$0x3FDB];
	_ =	sdelay $0x1  }
0x99: {  	s19 =	simm.s32 $_scs_section_size  }
0x9a: {  	s4 =	simm.s32 $_size__tile_overlayer_lowered;
	s5 =	simm.s32 $_tile_overlayer_lowered  }
0x9b: {  	s22 =	simm.s32 $0x1BFF;
	s21 =	sshll.u32 s5, $0x1;
	s2 =	sadd.s32 s19, s18  }
0x9c: {  	s6 =	simm.s32 $0x0;
	s20 =	sshll.u32 s4, $0x1;
	s4 =	sadd.s32 s21, s2  }
0x9d: {  	[timem:s6], [sflag:s22] =	dma.local [hbm:s4], s20  }
0x9e: {  	_ =	swait.ge [sflag:s22], s20  }
0x9f: {  	s3 =	ssub.s32 $0x0, s20;
	[sflag:s22] =	ssyncset.done $0x0  }
0xa0: {  	[sflag:s22] =	ssyncadd.s32 s3;
	_ =	sdelay $0x1  }
0xa1: {  	s23 =	simm.s32 $0x1B8B  }
0xa2: {  	_ =	swait.ge [sflag:s23], $0x1  }
0xa3: {  	[sflag:s23] =	ssyncset.done $0x0  }
0xa4: {  	s25 =	simm.s32 $0x1B8E;
	s24 =	sld [smem:$0x3FFE];
	[sflag:s23] =	ssyncadd.s32 $0xFFFFFFFF  }
0xa5: {  	s26 =	simm.s32 $execute0_lowered;
	[smem:$0x3FD2] =	sst s25  }
0xa6: {  	s4 =	sshll.u32 s26, $0x1;
	_ =	strace $0x80000055;
	[dreg:$0x1] =	wrdreg $0xFFFFFFFF  }
0xa7: {  	s28 =	simm.s32 $_size_execute0_lowered;
	s2 =	sadd.s32 s2, s4;
	[dreg:$0x0] =	wrdreg $0x0  }
0xa8: {  	s4 =	sshll.u32 s28, $0x1;
	[dreg:$0x2] =	wrdreg s2  }
0xa9: {  	[dreg:$0x3] =	wrdreg s4  }
0xaa: {  	[dreg:$0x4] =	wrdreg $0xC0  }
0xab: {  	_ =	task [dreg:s6], $0x5FFFF  }
0xac: {  	[dreg:$0x1] =	wrdreg $0xFFFFFFFF  }
0xad: {  	[dreg:$0x0] =	wrdreg $0x60  }
0xae: {  	[dreg:$0x2] =	wrdreg s24  }
0xaf: {  	[dreg:$0x3] =	wrdreg $0x54000  }
0xb0: {  	[dreg:$0x4] =	wrdreg $0x9  }
0xb1: {  	_ =	task.clear_ibuf [dreg:s6], $0x5FFFF;
	_ =	strace $0x90000055  }
0xb2: {  	s29 =	simm.s32 $0x9;
	_ =	strace $0x80000057  }
0xb3: {  	_ =	swait.ge [sflag:s29], $0x1  }
0xb4: {  	[sflag:s29] =	ssyncadd.s32 $0xFFFFFFFF  }
0xb5: {  	_ =	strace $0x90000057  }
0xb6: {  	_ =	sfence  }
0xb7: {  	s30 =	sld [smem:$0x0];
	_ =	sdelay $0x2  }
0xb8: {  	s31 =	sshll.u32 s1, $0xD;
	s1 =	sshrl.u32 s1, $0x2  }
0xb9: {  	s3 =	sand.u32 $0x4000, s31;
	s1 =	sadd.s32 s1, s30  }
0xba: {  	s0 =	sor.u32 s3, s0;
	s1 =	sshll.u32 s1, $0x11  }
0xbb: {  	s0 =	sor.u32 s1, s0  }
0xbc: {  	s0 =	sadd.s32 $0x8F2B, s0  }
0xbd: {  	[sflag:s0] =	ssyncadd.remote.s32 $0x1  }
0xbe: {  	_ =	sfence.sel $0xFFFF  }
0xbf: {  	[dreg:$0x0] =	wrdreg $0xFFFFFFFF;
	(pc) =	sbr.abs _section_cstart, $3  }
0xc0: {  	[dreg:$0x1] =	wrdreg $0xFFFFFFFF  }
0xc1: {  	_ =	task.clear_ibuf [dreg:s6], $0x2FFFF;
	_ =	strace $0x9FFFFFFF  }
0xc2: {  	(tm) =	ssettm $0x7FFFFFFF  }
0xc3: {  	_ =	shalt  }
tec
execute0_lowered:
.L_overlay_start_1:
0x0: {  	(tag) =	ssettag $0x1  }
0x1: {  	s5 =	rddreg [dreg:$0x0]  }
0x2: {  	s1 =	rddreg [dreg:$0x1]  }
0x3: {  	s0 =	rddreg [dreg:$0x2];
	s11 =	stileid.u32  }
0x4: {  	s2 =	simm.s32 $0x0;
	s3 =	srdreg.scid;
	s4 =	smul.u32 $0x27100, s11  }
0x5: {  	[smem:$0x7FF] =	sst s2;
	s6 =	sand.u32 $0x1, s3;
	s8 =	smul.u32 $0x13800, s11  }
0x6: {  	s23 =	sshll.u32 s11, $0xC;
	s24 =	smul.u32 $0x4E000, s11;
	s13 =	sadd.s32 $0x8BA00, s5  }
0x7: {  	s28 =	sshll.u32 s11, $0x6;
	s15 =	sadd.s32 $0x138000, s1;
	_ =	strace $0x80000056  }
0x8: {  	p0 =	sne.s32 s11, $0x0;
	s7 =	sshll.u32 s6, $0xB;
	s14 =	smul.u32 $0x138800, s6  }
0x9: {  	s10 =	ssub.s32 $0x2, s6;
	s16 =	smul.u32 $0x13880, s6;
	s9 =	sadd.s32 s4, s5  }
0xa: {  	s3 =	sor.u32 s7, s23;
	s25 =	sshrl.u32 s8, $0x3;
	s12 =	sshrl.u32 s10, $0x1  }
0xb: {  	s4 =	sshrl.u32 s24, $0x2;
	s7 =	sadd.s32 s3, s5;
	s3 =	sadd.s32 s25, s5  }
0xc: {  	s10 =	ssub.s32 s10, s12;
	s26 =	sadd.s32 s4, s1;
	s4 =	sor.u32 $0x1C01, s28  }
0xd: {  	s5 =	sadd.s32 $0x64600, s5;
	s8 =	sadd.s32 s8, s14;
	s14 =	sshrl.u32 s14, $0x3  }
0xe: {  	s31 =	sadd.s32 s16, s9;
	s12 =	simm.s32 $0x1;
	s16 =	simm.s32 $0x0  }
0xf: {  	s3 =	sadd.s32 $0x3D600, s3;
	s6 =	sadd.s32 $0x2AE600, s7;
	s29 =	sshrl.u32 s8, $0x3  }
0x10: {  	s30 =	sadd.s32 s13, s14;
	s9 =	smax.u32 s10, $0x1;
	s10 =	sadd.s32 $0x7A0600, s31  }
0x11: {  	s11 =	sshrl.u32 s26, $0x3;
	s14 =	simm.s32 $0x4000;
	s7 =	sadd.s32 s13, s29  }
0x12: {  	s8 =	sadd.s32 $0x27000, s30;
	s13 =	sshrl.u32 @!p0 s15, $0x3;
	s15 =	simm.s32 $0x28  }
.LBB2_1:
0x13: {  	[spmem:s11], [sflag:s4] =	dma.local [hbm:s3], $0x2700  }
0x14: {  	_ =	swait.ge [sflag:s12], $0x2700  }
0x15: {  	[sflag:s12] =	ssyncset.done $0x0  }
0x16: {  	s17 =	simm.s32 @!p0 $0x1;
	[sflag:s12] =	ssyncadd.s32 $0xFFFFD900  }
0x17: {  	[spmem:s13], [sflag:s4] =	dma.local @!p0 [hbm:s5], $0x100  }
0x18: {  	_ =	swait.ge @!p0 [sflag:s17], $0x100  }
0x19: {  	[sflag:s17] =	ssyncset.done @!p0 $0x0  }
0x1a: {  	[sflag:s17] =	ssyncadd.s32 @!p0 $0xFFFFFF00  }
0x1b: {  	[tilespmem:s2], [sflag:$0x1] =	stream.linear.gather [hbm4b:s6+s2], $0x3E80, $0x38;
	[tilespmem:$0xA220] =	vst v63  }
0x1c: {  	_ =	swait.ge [sflag:s12], $0x3E80  }
0x1d: {  	[sflag:s12] =	ssyncset.done $0x0  }
0x1e: {  	[sflag:s12] =	ssyncadd.s32 $0xFFFFC180  }
0x1f: {  	[bflag:$0x0] =	sbarrier.arrive $0xFFFF  }
0x20: {  	[tilespmem:s14], [sflag:$0x1] =	stream.linear.gather [hbm4b:s10+s2], $0x1400, $0x38;
	[tilespmem:$0xA220] =	vst v63  }
0x21: {  	_ =	swait.ge [sflag:s12], $0x1400  }
0x22: {  	[sflag:s12] =	ssyncset.done $0x0  }
0x23: {  	s31 =	simm.s32 $0x0;
	[sflag:s12] =	ssyncadd.s32 $0xFFFFEC00  }
0x24: {  	[spmem:s1] =	stream.indirect.scatter.add.f32 [tilespmem:s14], [sflag:$0x1], $0x20, s31, s15, $0xb8;
	[tilespmem:$0xA220] =	vst v63  }
0x25: {  	_ =	swait.ge [sflag:s12], $0x500  }
0x26: {  	s18 =	smov.u32 s10;
	s17 =	simm.s32 $0x200;
	[sflag:s12] =	ssyncset.done $0x0  }
.LBB2_2:
0x27: {  	p1 =	sne.s32 s17, $0xF800;
	[sflag:s12] =	ssyncadd.s32 $0xFFFFFB00;
	s18 =	sadd.s32 $0x280, s18  }
0x28: {  	[tilespmem:s14], [sflag:$0x1] =	stream.linear.gather [hbm4b:s18+s2], $0x1400, $0x38;
	[tilespmem:$0xA220] =	vst v63  }
0x29: {  	s19 =	smov.u32 s17;
	s17 =	sadd.s32 $0x200, s17;
	_ =	swait.ge [sflag:s12], $0x1400  }
.Ltmp0:
0x2a: {  	[sflag:s12] =	ssyncset.done $0x0;
	(pc) =	sbr.rel @p1 .LBB2_2-.Ltmp0, $4  }
0x2b: {  	s19 =	sshra.s32 s19, $0x2;
	[sflag:s12] =	ssyncadd.s32 $0xFFFFEC00  }
0x2c: {  	[spmem:s1] =	stream.indirect.scatter.add.f32 [tilespmem:s14], [sflag:$0x1], $0x20, s19, s15, $0xb8;
	[tilespmem:$0xA220] =	vst v63  }
0x2d: {  	_ =	swait.ge [sflag:s12], $0x500  }
0x2e: {  	[sflag:s12] =	ssyncset.done $0x0  }
0x2f: {  	[sflag:s12] =	ssyncadd.s32 $0xFFFFFB00  }
0x30: {  	[bflag:$0x0] =	sbarrier.arrive $0xFFFF  }
0x31: {  	[hbm:s7], [sflag:s4] =	dma.local [spmem:s11], $0x2700  }
0x32: {  	s16 =	sadd.s32 $0x1, s16;
	_ =	swait.ge [sflag:s12], $0x2700  }
0x33: {  	p1 =	sne.s32 s16, s9;
	[sflag:s12] =	ssyncset.done $0x0  }
.Ltmp1:
0x34: {  	s17 =	simm.s32 @!p0 $0x1;
	[sflag:s12] =	ssyncadd.s32 $0xFFFFD900;
	(pc) =	sbr.rel @p1 .LBB2_1-.Ltmp1, $4  }
0x35: {  	[hbm:s8], [sflag:s4] =	dma.local @!p0 [spmem:s13], $0x100  }
0x36: {  	_ =	swait.ge @!p0 [sflag:s17], $0x100  }
0x37: {  	[sflag:s17] =	ssyncset.done @!p0 $0x0  }
0x38: {  	[sflag:s17] =	ssyncadd.s32 @!p0 $0xFFFFFF00  }
0x39: {  	_ =	sfence.sel $0x180000  }
0x3a: {  	[bflag:$0x0] =	sbarrier.arrive $0xFFFF  }
0x3b: {  	_ =	strace $0x90000056  }
0x3c: {  	s0 =	sadd.s32 @!p0 $0x100000, s0;
	[bflag:$0x2] =	sbarrier.arrive $0xFFFF  }
0x3d: {  	[sflag:s0] =	ssyncadd.tile.s32 @!p0 $0x1;
	_ =	shalt  }
.Lfunc_end2:
_tile_overlayer_lowered:
.L_overlay_start_2:
0x3e: {  	(tag) =	ssettag $0x2  }
0x3f: {  	s0 =	rddreg [dreg:$0x0];
	s2 =	stileid.u32  }
0x40: {  	s1 =	rddreg [dreg:$0x1];
	p0 =	sne.s32 s2, $0x0  }
0x41: {  	s3 =	rddreg [dreg:$0x2];
	[bflag:$0x3] =	sbarrier.arrive $0xFFFF;
	s2 =	simm.s32 @!p0 $0x1C01  }
0x42: {  	[timem:s3], [sflag:s2] =	dma.local @!p0 [hbm:s0], s1  }
0x43: {  	s0 =	simm.s32 @!p0 $0x1  }
0x44: {  	_ =	swait.ge @!p0 [sflag:s0], s1  }
0x45: {  	s1 =	ssub.s32 @!p0 $0x0, s1;
	[sflag:s0] =	ssyncset.done @!p0 $0x0  }
0x46: {  	[sflag:s0] =	ssyncadd.s32 @!p0 s1  }
0x47: {  	[bflag:$0x3] =	sbarrier.arrive $0xFFFF  }
0x48: {  	_ =	shalt  }

</sc_bundles>
